<compile_context>
chip_gen: v7x
topology: tpu7x:2x2x1
jax: 0.10.2.dev20260603
libtpu: 0.0.44.dev20260713+nightly
codegen_flags: <defaults>
</compile_context>

<pallas_src>
import functools

import jax
import jax.numpy as jnp
from jax import lax
from jax.experimental import pallas as pl
from jax.experimental.pallas import tpu as pltpu
from jax.experimental.pallas import tpu_sc as plsc

_SC_PARAMS = pltpu.CompilerParams(needs_layout_passes=False)

E = 64
K = 2
D = 768
H = 768
T = 2048
TILE = 128
BUF = T * K + E * TILE
NT = BUF // TILE
CH = 512
BALANCE_W = 0.01

NC = 2
NS = 16
NW = NC * NS
ROWS_W = BUF // NW
GCHUNK = 64
TOK_W = T // NW


def _shift_lanes(v, sh):
    return jnp.concatenate([jnp.zeros((1, sh), v.dtype), v[:, : E - sh]], axis=1)


def _cv_sq(v):
    n = v.shape[1]
    mean = jnp.sum(v, axis=1, keepdims=True) / n
    var = jnp.sum((v - mean) ** 2, axis=1, keepdims=True) / (n - 1)
    return var / (mean * mean + 1e-10)


def _gate_body(x_ref, wg1_ref, wg2_ref, tril_ref,
               d0_ref, d1_ref, s0_ref, s1_ref,
               load_ref, imp_ref, loss_ref, te_ref, na_ref):
    xv = x_ref[...]
    a = jnp.tanh(jnp.dot(xv, wg1_ref[...],
                         preferred_element_type=jnp.float32))
    logits = jnp.dot(a, wg2_ref[...], preferred_element_type=jnp.float32)

    iota_f = lax.broadcasted_iota(jnp.int32, (T, E), 1).astype(jnp.float32)
    m1 = jnp.max(logits, axis=1, keepdims=True)
    i1 = jnp.min(jnp.where(logits == m1, iota_f, float(E)), axis=1,
                 keepdims=True)
    sel1 = iota_f == i1
    masked = jnp.where(sel1, -jnp.inf, logits)
    m2 = jnp.max(masked, axis=1, keepdims=True)
    i2 = jnp.min(jnp.where(masked == m2, iota_f, float(E)), axis=1,
                 keepdims=True)
    sel2 = iota_f == i2

    z = jnp.exp(m2 - m1)
    s0 = 1.0 / (1.0 + z)
    s1 = z / (1.0 + z)

    sel1f = sel1.astype(jnp.float32)
    sel2f = sel2.astype(jnp.float32)
    pair_cnt = sel1f + sel2f
    counts = jnp.sum(pair_cnt, axis=0, keepdims=True)
    imp = jnp.sum(sel1f * s0 + sel2f * s1, axis=0, keepdims=True)

    trilv = tril_ref[...]
    carry = jnp.zeros((1, E), jnp.float32)
    chunks = []
    for k in range(T // CH):
        ak = pair_cnt[k * CH:(k + 1) * CH, :]
        ck = jax.lax.dot_general(trilv, ak.astype(jnp.bfloat16),
                                 (((1,), (0,)), ((), ())),
                                 preferred_element_type=jnp.float32) + carry
        chunks.append(ck)
        carry = carry + jnp.sum(ak, axis=0, keepdims=True)
    csum = jnp.concatenate(chunks, axis=0)

    rank0 = jnp.sum(jnp.where(sel1, csum, 0.0), axis=1, keepdims=True)
    rank1 = jnp.sum(jnp.where(sel2, csum, 0.0), axis=1, keepdims=True)

    padded = jnp.ceil(counts / TILE) * TILE
    inc = padded
    for sh in (1, 2, 4, 8, 16, 32):
        inc = inc + _shift_lanes(inc, sh)
    pstart = inc - padded

    pstart_b = jnp.broadcast_to(pstart, (T, E))
    p0 = jnp.sum(jnp.where(sel1, pstart_b, 0.0), axis=1, keepdims=True)
    p1 = jnp.sum(jnp.where(sel2, pstart_b, 0.0), axis=1, keepdims=True)
    d0_ref[...] = (p0 + rank0).astype(jnp.int32)
    d1_ref[...] = (p1 + rank1).astype(jnp.int32)
    s0_ref[...] = s0
    s1_ref[...] = s1
    load_ref[...] = counts
    imp_ref[...] = imp

    total = jnp.sum(padded, axis=1, keepdims=True)
    na_ref[...] = (total / TILE).astype(jnp.int32)

    starts = (lax.broadcasted_iota(jnp.int32, (NT, E), 0)
              .astype(jnp.float32) * TILE)
    ps_nt = jnp.broadcast_to(pstart, (NT, E))
    te = jnp.sum((ps_nt <= starts).astype(jnp.float32), axis=1,
                 keepdims=True) - 1.0
    te_ref[...] = te.astype(jnp.int32)

    loss_ref[...] = BALANCE_W * (_cv_sq(imp) + _cv_sq(counts))


def _run_gate(xt, Wg1, Wg2, tril):
    f32 = jnp.float32
    outs = pl.pallas_call(
        _gate_body,
        out_shape=[
            jax.ShapeDtypeStruct((T, 1), jnp.int32),
            jax.ShapeDtypeStruct((T, 1), jnp.int32),
            jax.ShapeDtypeStruct((T, 1), f32),
            jax.ShapeDtypeStruct((T, 1), f32),
            jax.ShapeDtypeStruct((1, E), f32),
            jax.ShapeDtypeStruct((1, E), f32),
            jax.ShapeDtypeStruct((1, 1), f32),
            jax.ShapeDtypeStruct((NT, 1), jnp.int32),
            jax.ShapeDtypeStruct((1, 1), jnp.int32),
        ],
    )(xt, Wg1, Wg2, tril)
    return outs


def _dispatch_body(d0_hbm, d1_hbm, s0_hbm, s1_hbm, xt_hbm,
                   sco_hbm, xs_hbm,
                   d_v, s_v, src_v, sco_v, rows0_v, rows1_v,
                   sg0, sg1, sw0, sw1, ssco):
    wid = lax.axis_index("s") * NC + lax.axis_index("c")
    base = wid * ROWS_W
    iota16 = lax.broadcasted_iota(jnp.int32, (16,), 0)
    z16f = jnp.zeros((16,), jnp.float32)

    def init_body(j, _):
        src_v[pl.ds(j * 16, 16)] = (base + iota16 + j * 16) & (T - 1)
        sco_v[pl.ds(j * 16, 16)] = z16f
        return 0

    lax.fori_loop(0, ROWS_W // 16, init_body, 0)

    def scatter_pass(dref, sref):
        pltpu.sync_copy(dref, d_v)
        pltpu.sync_copy(sref, s_v)

        def body(i, _):
            idx = d_v[pl.ds(i * 16, 16)]
            loc = idx - base
            mask = (idx >= base) & (idx < base + ROWS_W)
            plsc.store_scatter(src_v, [loc], iota16 + i * 16, mask=mask)
            plsc.store_scatter(sco_v, [loc], s_v[pl.ds(i * 16, 16)],
                               mask=mask)
            return 0

        lax.fori_loop(0, T // 16, body, 0)

    scatter_pass(d0_hbm, s0_hbm)
    scatter_pass(d1_hbm, s1_hbm)
    wsco = pltpu.async_copy(sco_v, sco_hbm.at[pl.ds(base, ROWS_W)], ssco)

    nch = ROWS_W // GCHUNK
    bufs = (rows0_v, rows1_v)
    gsems = (sg0, sg1)
    wsems = (sw0, sw1)
    gathers = [None] * nch
    writes = [None] * nch
    for c in range(nch):
        b = c % 2
        if c >= 2:
            writes[c - 2].wait()
        gathers[c] = pltpu.async_copy(
            xt_hbm.at[src_v.at[pl.ds(c * GCHUNK, GCHUNK)]], bufs[b], gsems[b])
        if c >= 1:
            gathers[c - 1].wait()
            writes[c - 1] = pltpu.async_copy(
                bufs[(c - 1) % 2],
                xs_hbm.at[pl.ds(base + (c - 1) * GCHUNK, GCHUNK)],
                wsems[(c - 1) % 2])
    gathers[nch - 1].wait()
    writes[nch - 1] = pltpu.async_copy(
        bufs[(nch - 1) % 2],
        xs_hbm.at[pl.ds(base + (nch - 1) * GCHUNK, GCHUNK)],
        wsems[(nch - 1) % 2])
    for c in range(max(0, nch - 2), nch):
        writes[c].wait()
    wsco.wait()


def _run_dispatch(xt, d0, d1, s0, s1):
    mesh = plsc.VectorSubcoreMesh(core_axis_name="c", subcore_axis_name="s")
    return pl.kernel(
        _dispatch_body,
        out_type=[
            jax.ShapeDtypeStruct((BUF,), jnp.float32),
            jax.ShapeDtypeStruct((BUF, D), jnp.float32),
        ],
        mesh=mesh,
        compiler_params=_SC_PARAMS,
        scratch_types=[
            pltpu.VMEM((T,), jnp.int32),
            pltpu.VMEM((T,), jnp.float32),
            pltpu.VMEM((ROWS_W,), jnp.int32),
            pltpu.VMEM((ROWS_W,), jnp.float32),
            pltpu.VMEM((GCHUNK, D), jnp.float32),
            pltpu.VMEM((GCHUNK, D), jnp.float32),
            pltpu.SemaphoreType.DMA,
            pltpu.SemaphoreType.DMA,
            pltpu.SemaphoreType.DMA,
            pltpu.SemaphoreType.DMA,
            pltpu.SemaphoreType.DMA,
        ],
    )(d0, d1, s0, s1, xt)


def _mlp_body(te_ref, na_ref, xs_ref, sco_ref, wg_ref, wu_ref, wd_ref,
              out_ref):
    i = pl.program_id(0)

    @pl.when(i < na_ref[0])
    def _():
        xv = xs_ref[...]
        g = jnp.dot(xv, wg_ref[0], preferred_element_type=jnp.float32)
        u = jnp.dot(xv, wu_ref[0], preferred_element_type=jnp.float32)
        h = g * jax.nn.sigmoid(g) * u
        out = jnp.dot(h, wd_ref[0], preferred_element_type=jnp.float32)
        out_ref[...] = out * sco_ref[...]


def _run_mlp(te, nact, xs, sco, W_gate, W_up, W_down):
    clamp = lambda i, na: jnp.minimum(i, na[0] - 1)
    grid_spec = pltpu.PrefetchScalarGridSpec(
        num_scalar_prefetch=2,
        grid=(NT,),
        in_specs=[
            pl.BlockSpec((TILE, D), lambda i, te, na: (clamp(i, na), 0)),
            pl.BlockSpec((TILE, 1), lambda i, te, na: (clamp(i, na), 0)),
            pl.BlockSpec((1, D, H), lambda i, te, na: (te[i], 0, 0)),
            pl.BlockSpec((1, D, H), lambda i, te, na: (te[i], 0, 0)),
            pl.BlockSpec((1, H, D), lambda i, te, na: (te[i], 0, 0)),
        ],
        out_specs=pl.BlockSpec((TILE, D),
                               lambda i, te, na: (clamp(i, na), 0)),
    )
    return pl.pallas_call(
        _mlp_body,
        grid_spec=grid_spec,
        out_shape=jax.ShapeDtypeStruct((BUF, D), jnp.float32),
    )(te, nact, xs, sco, W_gate, W_up, W_down)


def _combine_body(ys_hbm, d0_hbm, d1_hbm, y_hbm, i0_v, i1_v, a_v, b_v,
                  sem0, sem1):
    wid = lax.axis_index("s") * NC + lax.axis_index("c")
    base = wid * TOK_W
    pltpu.sync_copy(d0_hbm.at[pl.ds(base, TOK_W)], i0_v)
    pltpu.sync_copy(d1_hbm.at[pl.ds(base, TOK_W)], i1_v)
    g0 = pltpu.async_copy(ys_hbm.at[i0_v], a_v, sem0)
    g1 = pltpu.async_copy(ys_hbm.at[i1_v], b_v, sem1)
    g0.wait()
    g1.wait()

    def row_body(r, _):
        for c in range(D // 16):
            sl = pl.ds(c * 16, 16)
            a_v[r, sl] = a_v[r, sl] + b_v[r, sl]
        return 0

    lax.fori_loop(0, TOK_W, row_body, 0)
    pltpu.sync_copy(a_v, y_hbm.at[pl.ds(base, TOK_W)])


def _run_combine(ys, d0, d1):
    mesh = plsc.VectorSubcoreMesh(core_axis_name="c", subcore_axis_name="s")
    return pl.kernel(
        _combine_body,
        out_type=jax.ShapeDtypeStruct((T, D), jnp.float32),
        mesh=mesh,
        compiler_params=_SC_PARAMS,
        scratch_types=[
            pltpu.VMEM((TOK_W,), jnp.int32),
            pltpu.VMEM((TOK_W,), jnp.int32),
            pltpu.VMEM((TOK_W, D), jnp.float32),
            pltpu.VMEM((TOK_W, D), jnp.float32),
            pltpu.SemaphoreType.DMA,
            pltpu.SemaphoreType.DMA,
        ],
    )(ys, d0, d1)


@functools.partial(jax.jit, static_argnames=())
def kernel(x, Wg1, Wg2, W_gate, W_up, W_down):
    orig_shape = x.shape[:-1]
    xt = x.reshape(T, D)

    tril = (lax.broadcasted_iota(jnp.int32, (CH, CH), 1)
            < lax.broadcasted_iota(jnp.int32, (CH, CH), 0)
            ).astype(jnp.bfloat16)

    (d0c, d1c, s0c, s1c, load, imp, loss, te, nact) = _run_gate(
        xt, Wg1, Wg2, tril)
    d0 = d0c.reshape(T)
    d1 = d1c.reshape(T)

    sco, xs = _run_dispatch(xt, d0, d1, s0c.reshape(T), s1c.reshape(T))
    ys = _run_mlp(te.reshape(NT), nact.reshape(1), xs, sco.reshape(BUF, 1),
                  W_gate, W_up, W_down)
    y2d = _run_combine(ys, d0, d1)

    y = y2d.reshape(orig_shape + (D,))
    return (y, loss.reshape(()), load.reshape(E), imp.reshape(E))

# --- scband reference (transcript-rebuilt; emitter-appended) ---
"""Pipeline reference for scband-base-mo-elayer-28063316313058 (READ-ONLY COPY).

The authoritative reference and input builder live on the scoring server;
editing this copy changes nothing except your own understanding.
"""

import jax, jax.numpy as jnp
import numpy as np

E = 64        # num_experts
K = 2         # num_selects (top-k)
D = 768       # input_size == output_size (d_model)
H = 768       # expert hidden size
B = 1
S = 2048
BALANCE_W = 0.01


def setup_inputs(seed: int = 0) -> dict:
    key = jax.random.key(seed)
    ks = jax.random.split(key, 6)
    x = jax.random.normal(ks[0], (B, S, D), dtype=jnp.float32)
    # gate_network == 'mlp': Linear(D,E,bias=False) -> Tanh -> Linear(E,E,bias=False)
    Wg1 = jax.random.normal(ks[1], (D, E), dtype=jnp.float32) * (1.0 / np.sqrt(D))
    Wg2 = jax.random.normal(ks[2], (E, E), dtype=jnp.float32) * (1.0 / np.sqrt(E))
    # LinearGLUExperts: per-expert gate_proj / up_proj / down_proj (SiLU GLU)
    W_gate = jax.random.normal(ks[3], (E, D, H), dtype=jnp.float32) * (1.0 / np.sqrt(D))
    W_up = jax.random.normal(ks[4], (E, D, H), dtype=jnp.float32) * (1.0 / np.sqrt(D))
    W_down = jax.random.normal(ks[5], (E, H, D), dtype=jnp.float32) * (1.0 / np.sqrt(H))
    return {"x": x, "Wg1": Wg1, "Wg2": Wg2, "W_gate": W_gate, "W_up": W_up, "W_down": W_down}


def _cv_squared(v):
    eps = 1e-10
    if v.shape[0] == 1:
        return jnp.float32(0.0)
    return jnp.var(v, ddof=1) / (jnp.mean(v) ** 2 + eps)


def reference(x, Wg1, Wg2, W_gate, W_up, W_down):
    orig_shape = x.shape[:-1]
    xt = x.reshape(-1, D)
    T = xt.shape[0]

    # ---- TopKBalancedNoisyGate (add_noise=False, use_softmax=True) ----
    logits = jnp.tanh(xt @ Wg1) @ Wg2                      # [T, E]
    top_logits, top_idx = jax.lax.top_k(logits, K)         # [T, K]
    scores = jax.nn.softmax(top_logits, axis=-1)           # [T, K]

    importance = jnp.zeros((E,), jnp.float32).at[top_idx.ravel()].add(scores.ravel())
    load = jnp.bincount(top_idx.ravel(), length=E).astype(jnp.float32)
    balance_loss = BALANCE_W * (_cv_squared(importance) + _cv_squared(load))

    # ---- UniversalCalculator: dispatch -> expert GLU MLP -> weighted combine ----
    flat_e = top_idx.ravel()                               # [T*K] expert id per pair
    flat_s = scores.ravel()                                # [T*K] gate score per pair
    tok_ids = jnp.arange(flat_e.shape[0]) // K             # [T*K] source token per pair

    gate_w = jnp.zeros((T, E), jnp.float32).at[tok_ids, flat_e].add(flat_s)  # [T, E]

    y = jnp.zeros((T, D), jnp.float32)
    for e in range(E):
        h = jax.nn.silu(xt @ W_gate[e]) * (xt @ W_up[e])
        out = h @ W_down[e]
        # multiply_gate_scores=True, score_scale_factor=1.0
        y = y + out * gate_w[:, e][:, None]                # masked combine
    y = y.reshape(orig_shape + (D,))
    return y, balance_loss, load, importance

if __name__ == "__main__":
    import jax
    _d = setup_inputs()
    print(jax.jit(kernel)(*tuple(_d.values())))

</pallas_src>

<mosaic_0001>
#map = affine_map<(d0, d1) -> (0)>
#map1 = affine_map<(d0, d1) -> (0, 0)>
module attributes {stable_mosaic.version = 14 : i64} {
  func.func @_dispatch_body(%arg0: i32, %arg1: i32, %arg2: memref<2048xi32, #tpu.memory_space<hbm>>, %arg3: memref<2048xi32, #tpu.memory_space<hbm>>, %arg4: memref<2048xf32, #tpu.memory_space<hbm>>, %arg5: memref<2048xf32, #tpu.memory_space<hbm>>, %arg6: memref<2048x768xf32, #tpu.memory_space<hbm>>, %arg7: memref<12288xf32, #tpu.memory_space<hbm>>, %arg8: memref<12288x768xf32, #tpu.memory_space<hbm>>, %arg9: memref<2048xi32, #tpu.memory_space<vmem>>, %arg10: memref<2048xf32, #tpu.memory_space<vmem>>, %arg11: memref<384xi32, #tpu.memory_space<vmem>>, %arg12: memref<384xf32, #tpu.memory_space<vmem>>, %arg13: memref<64x768xf32, #tpu.memory_space<vmem>>, %arg14: memref<64x768xf32, #tpu.memory_space<vmem>>, %arg15: memref<!tpu.dma_semaphore, #tpu.memory_space<semaphore_mem>>, %arg16: memref<!tpu.dma_semaphore, #tpu.memory_space<semaphore_mem>>, %arg17: memref<!tpu.dma_semaphore, #tpu.memory_space<semaphore_mem>>, %arg18: memref<!tpu.dma_semaphore, #tpu.memory_space<semaphore_mem>>, %arg19: memref<!tpu.dma_semaphore, #tpu.memory_space<semaphore_mem>>) attributes {dimension_semantics = [#tpu.dimension_semantics<core_parallel>, #tpu.dimension_semantics<subcore_parallel>], iteration_bounds = array<i64: 2, 16>, scalar_prefetch = 0 : i64, scratch_operands = 11 : i64, tpu.core_type = #tpu.core_type<sc_vector_subcore>, window_params = [{transform_indices = #map}, {transform_indices = #map}, {transform_indices = #map}, {transform_indices = #map}, {transform_indices = #map1}, {transform_indices = #map}, {transform_indices = #map1}]} {
    %mul3A = arith.constant 2 : i32
    %mul3A_0 = arith.muli %arg1, %mul3A : i32
    %add3A = arith.addi %mul3A_0, %arg0 : i32
    %mul3A_1 = arith.constant 384 : i32
    %mul3A_2 = arith.muli %add3A, %mul3A_1 : i32
    %iota3A = tpu.iota {dimensions = array<i32: 0>} : vector<16xi32>
    %broadcast_in_dim3A = arith.constant 0.000000e+00 : f32
    %broadcast_in_dim3A_3 = vector.broadcast %broadcast_in_dim3A : f32 to vector<16xf32>
    %scan3A = arith.constant 0 : i32
    %scan3A_4 = arith.constant 0 : i32
    %scan3A_5 = arith.constant 24 : i32
    %scan3A_6 = arith.addi %scan3A_4, %scan3A_5 : i32
    %scan3A_7 = arith.constant 1 : i32
    %scan3A_8 = scf.for %scan3A_146 = %scan3A_4 to %scan3A_6 step %scan3A_7 iter_args(%scan3A_147 = %scan3A) -> (i32)  : i32 {
      %add3A_148 = vector.broadcast %mul3A_2 : i32 to vector<16xi32>
      %add3A_149 = arith.addi %add3A_148, %iota3A : vector<16xi32>
      %mul3A_150 = arith.constant 16 : i32
      %mul3A_151 = arith.muli %scan3A_146, %mul3A_150 : i32
      %add3A_152 = vector.broadcast %mul3A_151 : i32 to vector<16xi32>
      %add3A_153 = arith.addi %add3A_149, %add3A_152 : vector<16xi32>
      %and3A = arith.constant 2047 : i32
      %and3A_154 = vector.broadcast %and3A : i32 to vector<16xi32>
      %and3A_155 = arith.andi %add3A_153, %and3A_154 : vector<16xi32>
      %mul3A_156 = arith.constant 16 : i32
      %mul3A_157 = arith.muli %scan3A_146, %mul3A_156 : i32
      %swap3A = arith.index_cast %mul3A_157 : i32 to index
      %swap3A_158 = tpu.vector_load %arg11[%swap3A] {strides = array<i32>} : memref<384xi32, #tpu.memory_space<vmem>>, vector<16xi32>,
      tpu.vector_store %arg11[%swap3A], %and3A_155 {strides = array<i32>} : memref<384xi32, #tpu.memory_space<vmem>>, vector<16xi32>,
      %mul3A_159 = arith.constant 16 : i32
      %mul3A_160 = arith.muli %scan3A_146, %mul3A_159 : i32
      %swap3A_161 = arith.index_cast %mul3A_160 : i32 to index
      %swap3A_162 = tpu.vector_load %arg12[%swap3A_161] {strides = array<i32>} : memref<384xf32, #tpu.memory_space<vmem>>, vector<16xf32>,
      tpu.vector_store %arg12[%swap3A_161], %broadcast_in_dim3A_3 {strides = array<i32>} : memref<384xf32, #tpu.memory_space<vmem>>, vector<16xf32>,
      %scan3A_163 = arith.constant 0 : i32
      scf.yield %scan3A_163 : i32
    }
    %scan3A_9 = arith.constant 24 : i32
    "tpu.region"() ({
      %run_scoped3A = tpu.sem_alloc : memref<!tpu.dma_semaphore, #tpu.memory_space<semaphore_mem>>
      tpu.enqueue_dma source(%arg2 : memref<2048xi32, #tpu.memory_space<hbm>>) target(%arg9 : memref<2048xi32, #tpu.memory_space<vmem>>) target_semaphore(%run_scoped3A : memref<!tpu.dma_semaphore, #tpu.memory_space<semaphore_mem>>)
      tpu.wait_dma2 semaphore(%run_scoped3A : memref<!tpu.dma_semaphore, #tpu.memory_space<semaphore_mem>>) src(%arg2 : memref<2048xi32, #tpu.memory_space<hbm>>) dst(%arg9 : memref<2048xi32, #tpu.memory_space<vmem>>)
      tpu.yield
    }) : () -> ()
    "tpu.region"() ({
      %run_scoped3A = tpu.sem_alloc : memref<!tpu.dma_semaphore, #tpu.memory_space<semaphore_mem>>
      tpu.enqueue_dma source(%arg4 : memref<2048xf32, #tpu.memory_space<hbm>>) target(%arg10 : memref<2048xf32, #tpu.memory_space<vmem>>) target_semaphore(%run_scoped3A : memref<!tpu.dma_semaphore, #tpu.memory_space<semaphore_mem>>)
      tpu.wait_dma2 semaphore(%run_scoped3A : memref<!tpu.dma_semaphore, #tpu.memory_space<semaphore_mem>>) src(%arg4 : memref<2048xf32, #tpu.memory_space<hbm>>) dst(%arg10 : memref<2048xf32, #tpu.memory_space<vmem>>)
      tpu.yield
    }) : () -> ()
    %scan3A_10 = arith.constant 0 : i32
    %scan3A_11 = arith.constant 0 : i32
    %scan3A_12 = arith.constant 128 : i32
    %scan3A_13 = arith.addi %scan3A_11, %scan3A_12 : i32
    %scan3A_14 = arith.constant 1 : i32
    %scan3A_15 = scf.for %scan3A_146 = %scan3A_11 to %scan3A_13 step %scan3A_14 iter_args(%scan3A_147 = %scan3A_10) -> (i32)  : i32 {
      %mul3A_148 = arith.constant 16 : i32
      %mul3A_149 = arith.muli %scan3A_146, %mul3A_148 : i32
      %get3A = arith.index_cast %mul3A_149 : i32 to index
      %get3A_150 = tpu.vector_load %arg9[%get3A] {strides = array<i32>} : memref<2048xi32, #tpu.memory_space<vmem>>, vector<16xi32>,
      %sub3A = vector.broadcast %mul3A_2 : i32 to vector<16xi32>
      %sub3A_151 = arith.subi %get3A_150, %sub3A : vector<16xi32>
      %ge3A = vector.broadcast %mul3A_2 : i32 to vector<16xi32>
      %ge3A_152 = arith.cmpi sge, %get3A_150, %ge3A : vector<16xi32>
      %add3A_153 = arith.constant 384 : i32
      %add3A_154 = arith.addi %mul3A_2, %add3A_153 : i32
      %lt3A = vector.broadcast %add3A_154 : i32 to vector<16xi32>
      %lt3A_155 = arith.cmpi slt, %get3A_150, %lt3A : vector<16xi32>
      %and3A = arith.andi %ge3A_152, %lt3A_155 : vector<16xi1>
      %mul3A_156 = arith.constant 16 : i32
      %mul3A_157 = arith.muli %scan3A_146, %mul3A_156 : i32
      %add3A_158 = vector.broadcast %mul3A_157 : i32 to vector<16xi32>
      %add3A_159 = arith.addi %iota3A, %add3A_158 : vector<16xi32>
      tpu.vector_store_idx %arg11[%sub3A_151], %add3A_159 masked %and3A : memref<384xi32, #tpu.memory_space<vmem>>[vector<16xi32>], vector<16xi32>, vector<16xi1>
      %mul3A_160 = arith.constant 16 : i32
      %mul3A_161 = arith.muli %scan3A_146, %mul3A_160 : i32
      %get3A_162 = arith.index_cast %mul3A_161 : i32 to index
      %get3A_163 = tpu.vector_load %arg10[%get3A_162] {strides = array<i32>} : memref<2048xf32, #tpu.memory_space<vmem>>, vector<16xf32>,
      tpu.vector_store_idx %arg12[%sub3A_151], %get3A_163 masked %and3A : memref<384xf32, #tpu.memory_space<vmem>>[vector<16xi32>], vector<16xf32>, vector<16xi1>
      %scan3A_164 = arith.constant 0 : i32
      scf.yield %scan3A_164 : i32
    }
    %scan3A_16 = arith.constant 128 : i32
    "tpu.region"() ({
      %run_scoped3A = tpu.sem_alloc : memref<!tpu.dma_semaphore, #tpu.memory_space<semaphore_mem>>
      tpu.enqueue_dma source(%arg3 : memref<2048xi32, #tpu.memory_space<hbm>>) target(%arg9 : memref<2048xi32, #tpu.memory_space<vmem>>) target_semaphore(%run_scoped3A : memref<!tpu.dma_semaphore, #tpu.memory_space<semaphore_mem>>)
      tpu.wait_dma2 semaphore(%run_scoped3A : memref<!tpu.dma_semaphore, #tpu.memory_space<semaphore_mem>>) src(%arg3 : memref<2048xi32, #tpu.memory_space<hbm>>) dst(%arg9 : memref<2048xi32, #tpu.memory_space<vmem>>)
      tpu.yield
    }) : () -> ()
    "tpu.region"() ({
      %run_scoped3A = tpu.sem_alloc : memref<!tpu.dma_semaphore, #tpu.memory_space<semaphore_mem>>
      tpu.enqueue_dma source(%arg5 : memref<2048xf32, #tpu.memory_space<hbm>>) target(%arg10 : memref<2048xf32, #tpu.memory_space<vmem>>) target_semaphore(%run_scoped3A : memref<!tpu.dma_semaphore, #tpu.memory_space<semaphore_mem>>)
      tpu.wait_dma2 semaphore(%run_scoped3A : memref<!tpu.dma_semaphore, #tpu.memory_space<semaphore_mem>>) src(%arg5 : memref<2048xf32, #tpu.memory_space<hbm>>) dst(%arg10 : memref<2048xf32, #tpu.memory_space<vmem>>)
      tpu.yield
    }) : () -> ()
    %scan3A_17 = arith.constant 0 : i32
    %scan3A_18 = arith.constant 0 : i32
    %scan3A_19 = arith.constant 128 : i32
    %scan3A_20 = arith.addi %scan3A_18, %scan3A_19 : i32
    %scan3A_21 = arith.constant 1 : i32
    %scan3A_22 = scf.for %scan3A_146 = %scan3A_18 to %scan3A_20 step %scan3A_21 iter_args(%scan3A_147 = %scan3A_17) -> (i32)  : i32 {
      %mul3A_148 = arith.constant 16 : i32
      %mul3A_149 = arith.muli %scan3A_146, %mul3A_148 : i32
      %get3A = arith.index_cast %mul3A_149 : i32 to index
      %get3A_150 = tpu.vector_load %arg9[%get3A] {strides = array<i32>} : memref<2048xi32, #tpu.memory_space<vmem>>, vector<16xi32>,
      %sub3A = vector.broadcast %mul3A_2 : i32 to vector<16xi32>
      %sub3A_151 = arith.subi %get3A_150, %sub3A : vector<16xi32>
      %ge3A = vector.broadcast %mul3A_2 : i32 to vector<16xi32>
      %ge3A_152 = arith.cmpi sge, %get3A_150, %ge3A : vector<16xi32>
      %add3A_153 = arith.constant 384 : i32
      %add3A_154 = arith.addi %mul3A_2, %add3A_153 : i32
      %lt3A = vector.broadcast %add3A_154 : i32 to vector<16xi32>
      %lt3A_155 = arith.cmpi slt, %get3A_150, %lt3A : vector<16xi32>
      %and3A = arith.andi %ge3A_152, %lt3A_155 : vector<16xi1>
      %mul3A_156 = arith.constant 16 : i32
      %mul3A_157 = arith.muli %scan3A_146, %mul3A_156 : i32
      %add3A_158 = vector.broadcast %mul3A_157 : i32 to vector<16xi32>
      %add3A_159 = arith.addi %iota3A, %add3A_158 : vector<16xi32>
      tpu.vector_store_idx %arg11[%sub3A_151], %add3A_159 masked %and3A : memref<384xi32, #tpu.memory_space<vmem>>[vector<16xi32>], vector<16xi32>, vector<16xi1>
      %mul3A_160 = arith.constant 16 : i32
      %mul3A_161 = arith.muli %scan3A_146, %mul3A_160 : i32
      %get3A_162 = arith.index_cast %mul3A_161 : i32 to index
      %get3A_163 = tpu.vector_load %arg10[%get3A_162] {strides = array<i32>} : memref<2048xf32, #tpu.memory_space<vmem>>, vector<16xf32>,
      tpu.vector_store_idx %arg12[%sub3A_151], %get3A_163 masked %and3A : memref<384xf32, #tpu.memory_space<vmem>>[vector<16xi32>], vector<16xf32>, vector<16xi1>
      %scan3A_164 = arith.constant 0 : i32
      scf.yield %scan3A_164 : i32
    }
    %scan3A_23 = arith.constant 128 : i32
    %dma_start3A = tpu.memref_slice %arg7[%mul3A_2] : memref<12288xf32, #tpu.memory_space<hbm>> -> memref<384xf32, #tpu.memory_space<hbm>>
    %dma_start3A_24 = tpu.memref_slice %arg7[%mul3A_2] : memref<12288xf32, #tpu.memory_space<hbm>> -> memref<384xf32, #tpu.memory_space<hbm>>
    tpu.enqueue_dma source(%arg12 : memref<384xf32, #tpu.memory_space<vmem>>) target(%dma_start3A_24 : memref<384xf32, #tpu.memory_space<hbm>>) target_semaphore(%arg19 : memref<!tpu.dma_semaphore, #tpu.memory_space<semaphore_mem>>)
    %dma_start3A_25 = arith.constant 0 : i32
    %dma_start3A_26 = tpu.memref_slice %arg11[%dma_start3A_25] : memref<384xi32, #tpu.memory_space<vmem>> -> memref<64xi32, #tpu.memory_space<vmem>>
    %dma_start3A_27 = arith.constant 0 : i32
    %dma_start3A_28 = arith.constant 0 : i32
    %dma_start3A_29 = tpu.memref_slice %arg6[%dma_start3A_27, %dma_start3A_28] : memref<2048x768xf32, #tpu.memory_space<hbm>> -> memref<2048x768xf32, #tpu.memory_space<hbm>>
    tpu.enqueue_indirect_dma source(%dma_start3A_29 : memref<2048x768xf32, #tpu.memory_space<hbm>>) target(%arg13 : memref<64x768xf32, #tpu.memory_space<vmem>>) offsets(%dma_start3A_26 : memref<64xi32, #tpu.memory_space<vmem>>) semaphore(%arg15 : memref<!tpu.dma_semaphore, #tpu.memory_space<semaphore_mem>>)
    %dma_start3A_30 = arith.constant 64 : i32
    %dma_start3A_31 = tpu.memref_slice %arg11[%dma_start3A_30] : memref<384xi32, #tpu.memory_space<vmem>> -> memref<64xi32, #tpu.memory_space<vmem>>
    %dma_start3A_32 = arith.constant 0 : i32
    %dma_start3A_33 = arith.constant 0 : i32
    %dma_start3A_34 = tpu.memref_slice %arg6[%dma_start3A_32, %dma_start3A_33] : memref<2048x768xf32, #tpu.memory_space<hbm>> -> memref<2048x768xf32, #tpu.memory_space<hbm>>
    tpu.enqueue_indirect_dma source(%dma_start3A_34 : memref<2048x768xf32, #tpu.memory_space<hbm>>) target(%arg14 : memref<64x768xf32, #tpu.memory_space<vmem>>) offsets(%dma_start3A_31 : memref<64xi32, #tpu.memory_space<vmem>>) semaphore(%arg16 : memref<!tpu.dma_semaphore, #tpu.memory_space<semaphore_mem>>)
    %dma_wait3A = arith.constant 0 : i32
    %dma_wait3A_35 = tpu.memref_slice %arg11[%dma_wait3A] : memref<384xi32, #tpu.memory_space<vmem>> -> memref<64xi32, #tpu.memory_space<vmem>>
    %dma_wait3A_36 = arith.constant 0 : i32
    %dma_wait3A_37 = arith.constant 0 : i32
    %dma_wait3A_38 = tpu.memref_slice %arg6[%dma_wait3A_36, %dma_wait3A_37] : memref<2048x768xf32, #tpu.memory_space<hbm>> -> memref<2048x768xf32, #tpu.memory_space<hbm>>
    tpu.wait_indirect_dma semaphore(%arg15 : memref<!tpu.dma_semaphore, #tpu.memory_space<semaphore_mem>>) src(%dma_wait3A_38 : memref<2048x768xf32, #tpu.memory_space<hbm>>) dst(%arg13 : memref<64x768xf32, #tpu.memory_space<vmem>>)
    %add3A_39 = arith.constant 0 : i32
    %add3A_40 = arith.addi %mul3A_2, %add3A_39 : i32
    %dma_start3A_41 = arith.constant 0 : i32
    %dma_start3A_42 = tpu.memref_slice %arg8[%add3A_40, %dma_start3A_41] : memref<12288x768xf32, #tpu.memory_space<hbm>> -> memref<64x768xf32, #tpu.memory_space<hbm>>
    %dma_start3A_43 = arith.constant 0 : i32
    %dma_start3A_44 = tpu.memref_slice %arg8[%add3A_40, %dma_start3A_43] : memref<12288x768xf32, #tpu.memory_space<hbm>> -> memref<64x768xf32, #tpu.memory_space<hbm>>
    tpu.enqueue_dma source(%arg13 : memref<64x768xf32, #tpu.memory_space<vmem>>) target(%dma_start3A_44 : memref<64x768xf32, #tpu.memory_space<hbm>>) target_semaphore(%arg17 : memref<!tpu.dma_semaphore, #tpu.memory_space<semaphore_mem>>)
    %dma_wait3A_45 = arith.constant 0 : i32
    %dma_wait3A_46 = tpu.memref_slice %arg8[%add3A_40, %dma_wait3A_45] : memref<12288x768xf32, #tpu.memory_space<hbm>> -> memref<64x768xf32, #tpu.memory_space<hbm>>
    %dma_wait3A_47 = arith.constant 0 : i32
    %dma_wait3A_48 = tpu.memref_slice %arg8[%add3A_40, %dma_wait3A_47] : memref<12288x768xf32, #tpu.memory_space<hbm>> -> memref<64x768xf32, #tpu.memory_space<hbm>>
    tpu.wait_dma2 semaphore(%arg17 : memref<!tpu.dma_semaphore, #tpu.memory_space<semaphore_mem>>) src(%arg13 : memref<64x768xf32, #tpu.memory_space<vmem>>) dst(%dma_wait3A_48 : memref<64x768xf32, #tpu.memory_space<hbm>>)
    %dma_start3A_49 = arith.constant 128 : i32
    %dma_start3A_50 = tpu.memref_slice %arg11[%dma_start3A_49] : memref<384xi32, #tpu.memory_space<vmem>> -> memref<64xi32, #tpu.memory_space<vmem>>
    %dma_start3A_51 = arith.constant 0 : i32
    %dma_start3A_52 = arith.constant 0 : i32
    %dma_start3A_53 = tpu.memref_slice %arg6[%dma_start3A_51, %dma_start3A_52] : memref<2048x768xf32, #tpu.memory_space<hbm>> -> memref<2048x768xf32, #tpu.memory_space<hbm>>
    tpu.enqueue_indirect_dma source(%dma_start3A_53 : memref<2048x768xf32, #tpu.memory_space<hbm>>) target(%arg13 : memref<64x768xf32, #tpu.memory_space<vmem>>) offsets(%dma_start3A_50 : memref<64xi32, #tpu.memory_space<vmem>>) semaphore(%arg15 : memref<!tpu.dma_semaphore, #tpu.memory_space<semaphore_mem>>)
    %dma_wait3A_54 = arith.constant 64 : i32
    %dma_wait3A_55 = tpu.memref_slice %arg11[%dma_wait3A_54] : memref<384xi32, #tpu.memory_space<vmem>> -> memref<64xi32, #tpu.memory_space<vmem>>
    %dma_wait3A_56 = arith.constant 0 : i32
    %dma_wait3A_57 = arith.constant 0 : i32
    %dma_wait3A_58 = tpu.memref_slice %arg6[%dma_wait3A_56, %dma_wait3A_57] : memref<2048x768xf32, #tpu.memory_space<hbm>> -> memref<2048x768xf32, #tpu.memory_space<hbm>>
    tpu.wait_indirect_dma semaphore(%arg16 : memref<!tpu.dma_semaphore, #tpu.memory_space<semaphore_mem>>) src(%dma_wait3A_58 : memref<2048x768xf32, #tpu.memory_space<hbm>>) dst(%arg14 : memref<64x768xf32, #tpu.memory_space<vmem>>)
    %add3A_59 = arith.constant 64 : i32
    %add3A_60 = arith.addi %mul3A_2, %add3A_59 : i32
    %dma_start3A_61 = arith.constant 0 : i32
    %dma_start3A_62 = tpu.memref_slice %arg8[%add3A_60, %dma_start3A_61] : memref<12288x768xf32, #tpu.memory_space<hbm>> -> memref<64x768xf32, #tpu.memory_space<hbm>>
    %dma_start3A_63 = arith.constant 0 : i32
    %dma_start3A_64 = tpu.memref_slice %arg8[%add3A_60, %dma_start3A_63] : memref<12288x768xf32, #tpu.memory_space<hbm>> -> memref<64x768xf32, #tpu.memory_space<hbm>>
    tpu.enqueue_dma source(%arg14 : memref<64x768xf32, #tpu.memory_space<vmem>>) target(%dma_start3A_64 : memref<64x768xf32, #tpu.memory_space<hbm>>) target_semaphore(%arg18 : memref<!tpu.dma_semaphore, #tpu.memory_space<semaphore_mem>>)
    %dma_wait3A_65 = arith.constant 0 : i32
    %dma_wait3A_66 = tpu.memref_slice %arg8[%add3A_60, %dma_wait3A_65] : memref<12288x768xf32, #tpu.memory_space<hbm>> -> memref<64x768xf32, #tpu.memory_space<hbm>>
    %dma_wait3A_67 = arith.constant 0 : i32
    %dma_wait3A_68 = tpu.memref_slice %arg8[%add3A_60, %dma_wait3A_67] : memref<12288x768xf32, #tpu.memory_space<hbm>> -> memref<64x768xf32, #tpu.memory_space<hbm>>
    tpu.wait_dma2 semaphore(%arg18 : memref<!tpu.dma_semaphore, #tpu.memory_space<semaphore_mem>>) src(%arg14 : memref<64x768xf32, #tpu.memory_space<vmem>>) dst(%dma_wait3A_68 : memref<64x768xf32, #tpu.memory_space<hbm>>)
    %dma_start3A_69 = arith.constant 192 : i32
    %dma_start3A_70 = tpu.memref_slice %arg11[%dma_start3A_69] : memref<384xi32, #tpu.memory_space<vmem>> -> memref<64xi32, #tpu.memory_space<vmem>>
    %dma_start3A_71 = arith.constant 0 : i32
    %dma_start3A_72 = arith.constant 0 : i32
    %dma_start3A_73 = tpu.memref_slice %arg6[%dma_start3A_71, %dma_start3A_72] : memref<2048x768xf32, #tpu.memory_space<hbm>> -> memref<2048x768xf32, #tpu.memory_space<hbm>>
    tpu.enqueue_indirect_dma source(%dma_start3A_73 : memref<2048x768xf32, #tpu.memory_space<hbm>>) target(%arg14 : memref<64x768xf32, #tpu.memory_space<vmem>>) offsets(%dma_start3A_70 : memref<64xi32, #tpu.memory_space<vmem>>) semaphore(%arg16 : memref<!tpu.dma_semaphore, #tpu.memory_space<semaphore_mem>>)
    %dma_wait3A_74 = arith.constant 128 : i32
    %dma_wait3A_75 = tpu.memref_slice %arg11[%dma_wait3A_74] : memref<384xi32, #tpu.memory_space<vmem>> -> memref<64xi32, #tpu.memory_space<vmem>>
    %dma_wait3A_76 = arith.constant 0 : i32
    %dma_wait3A_77 = arith.constant 0 : i32
    %dma_wait3A_78 = tpu.memref_slice %arg6[%dma_wait3A_76, %dma_wait3A_77] : memref<2048x768xf32, #tpu.memory_space<hbm>> -> memref<2048x768xf32, #tpu.memory_space<hbm>>
    tpu.wait_indirect_dma semaphore(%arg15 : memref<!tpu.dma_semaphore, #tpu.memory_space<semaphore_mem>>) src(%dma_wait3A_78 : memref<2048x768xf32, #tpu.memory_space<hbm>>) dst(%arg13 : memref<64x768xf32, #tpu.memory_space<vmem>>)
    %add3A_79 = arith.constant 128 : i32
    %add3A_80 = arith.addi %mul3A_2, %add3A_79 : i32
    %dma_start3A_81 = arith.constant 0 : i32
    %dma_start3A_82 = tpu.memref_slice %arg8[%add3A_80, %dma_start3A_81] : memref<12288x768xf32, #tpu.memory_space<hbm>> -> memref<64x768xf32, #tpu.memory_space<hbm>>
    %dma_start3A_83 = arith.constant 0 : i32
    %dma_start3A_84 = tpu.memref_slice %arg8[%add3A_80, %dma_start3A_83] : memref<12288x768xf32, #tpu.memory_space<hbm>> -> memref<64x768xf32, #tpu.memory_space<hbm>>
    tpu.enqueue_dma source(%arg13 : memref<64x768xf32, #tpu.memory_space<vmem>>) target(%dma_start3A_84 : memref<64x768xf32, #tpu.memory_space<hbm>>) target_semaphore(%arg17 : memref<!tpu.dma_semaphore, #tpu.memory_space<semaphore_mem>>)
    %dma_wait3A_85 = arith.constant 0 : i32
    %dma_wait3A_86 = tpu.memref_slice %arg8[%add3A_80, %dma_wait3A_85] : memref<12288x768xf32, #tpu.memory_space<hbm>> -> memref<64x768xf32, #tpu.memory_space<hbm>>
    %dma_wait3A_87 = arith.constant 0 : i32
    %dma_wait3A_88 = tpu.memref_slice %arg8[%add3A_80, %dma_wait3A_87] : memref<12288x768xf32, #tpu.memory_space<hbm>> -> memref<64x768xf32, #tpu.memory_space<hbm>>
    tpu.wait_dma2 semaphore(%arg17 : memref<!tpu.dma_semaphore, #tpu.memory_space<semaphore_mem>>) src(%arg13 : memref<64x768xf32, #tpu.memory_space<vmem>>) dst(%dma_wait3A_88 : memref<64x768xf32, #tpu.memory_space<hbm>>)
    %dma_start3A_89 = arith.constant 256 : i32
    %dma_start3A_90 = tpu.memref_slice %arg11[%dma_start3A_89] : memref<384xi32, #tpu.memory_space<vmem>> -> memref<64xi32, #tpu.memory_space<vmem>>
    %dma_start3A_91 = arith.constant 0 : i32
    %dma_start3A_92 = arith.constant 0 : i32
    %dma_start3A_93 = tpu.memref_slice %arg6[%dma_start3A_91, %dma_start3A_92] : memref<2048x768xf32, #tpu.memory_space<hbm>> -> memref<2048x768xf32, #tpu.memory_space<hbm>>
    tpu.enqueue_indirect_dma source(%dma_start3A_93 : memref<2048x768xf32, #tpu.memory_space<hbm>>) target(%arg13 : memref<64x768xf32, #tpu.memory_space<vmem>>) offsets(%dma_start3A_90 : memref<64xi32, #tpu.memory_space<vmem>>) semaphore(%arg15 : memref<!tpu.dma_semaphore, #tpu.memory_space<semaphore_mem>>)
    %dma_wait3A_94 = arith.constant 192 : i32
    %dma_wait3A_95 = tpu.memref_slice %arg11[%dma_wait3A_94] : memref<384xi32, #tpu.memory_space<vmem>> -> memref<64xi32, #tpu.memory_space<vmem>>
    %dma_wait3A_96 = arith.constant 0 : i32
    %dma_wait3A_97 = arith.constant 0 : i32
    %dma_wait3A_98 = tpu.memref_slice %arg6[%dma_wait3A_96, %dma_wait3A_97] : memref<2048x768xf32, #tpu.memory_space<hbm>> -> memref<2048x768xf32, #tpu.memory_space<hbm>>
    tpu.wait_indirect_dma semaphore(%arg16 : memref<!tpu.dma_semaphore, #tpu.memory_space<semaphore_mem>>) src(%dma_wait3A_98 : memref<2048x768xf32, #tpu.memory_space<hbm>>) dst(%arg14 : memref<64x768xf32, #tpu.memory_space<vmem>>)
    %add3A_99 = arith.constant 192 : i32
    %add3A_100 = arith.addi %mul3A_2, %add3A_99 : i32
    %dma_start3A_101 = arith.constant 0 : i32
    %dma_start3A_102 = tpu.memref_slice %arg8[%add3A_100, %dma_start3A_101] : memref<12288x768xf32, #tpu.memory_space<hbm>> -> memref<64x768xf32, #tpu.memory_space<hbm>>
    %dma_start3A_103 = arith.constant 0 : i32
    %dma_start3A_104 = tpu.memref_slice %arg8[%add3A_100, %dma_start3A_103] : memref<12288x768xf32, #tpu.memory_space<hbm>> -> memref<64x768xf32, #tpu.memory_space<hbm>>
    tpu.enqueue_dma source(%arg14 : memref<64x768xf32, #tpu.memory_space<vmem>>) target(%dma_start3A_104 : memref<64x768xf32, #tpu.memory_space<hbm>>) target_semaphore(%arg18 : memref<!tpu.dma_semaphore, #tpu.memory_space<semaphore_mem>>)
    %dma_wait3A_105 = arith.constant 0 : i32
    %dma_wait3A_106 = tpu.memref_slice %arg8[%add3A_100, %dma_wait3A_105] : memref<12288x768xf32, #tpu.memory_space<hbm>> -> memref<64x768xf32, #tpu.memory_space<hbm>>
    %dma_wait3A_107 = arith.constant 0 : i32
    %dma_wait3A_108 = tpu.memref_slice %arg8[%add3A_100, %dma_wait3A_107] : memref<12288x768xf32, #tpu.memory_space<hbm>> -> memref<64x768xf32, #tpu.memory_space<hbm>>
    tpu.wait_dma2 semaphore(%arg18 : memref<!tpu.dma_semaphore, #tpu.memory_space<semaphore_mem>>) src(%arg14 : memref<64x768xf32, #tpu.memory_space<vmem>>) dst(%dma_wait3A_108 : memref<64x768xf32, #tpu.memory_space<hbm>>)
    %dma_start3A_109 = arith.constant 320 : i32
    %dma_start3A_110 = tpu.memref_slice %arg11[%dma_start3A_109] : memref<384xi32, #tpu.memory_space<vmem>> -> memref<64xi32, #tpu.memory_space<vmem>>
    %dma_start3A_111 = arith.constant 0 : i32
    %dma_start3A_112 = arith.constant 0 : i32
    %dma_start3A_113 = tpu.memref_slice %arg6[%dma_start3A_111, %dma_start3A_112] : memref<2048x768xf32, #tpu.memory_space<hbm>> -> memref<2048x768xf32, #tpu.memory_space<hbm>>
    tpu.enqueue_indirect_dma source(%dma_start3A_113 : memref<2048x768xf32, #tpu.memory_space<hbm>>) target(%arg14 : memref<64x768xf32, #tpu.memory_space<vmem>>) offsets(%dma_start3A_110 : memref<64xi32, #tpu.memory_space<vmem>>) semaphore(%arg16 : memref<!tpu.dma_semaphore, #tpu.memory_space<semaphore_mem>>)
    %dma_wait3A_114 = arith.constant 256 : i32
    %dma_wait3A_115 = tpu.memref_slice %arg11[%dma_wait3A_114] : memref<384xi32, #tpu.memory_space<vmem>> -> memref<64xi32, #tpu.memory_space<vmem>>
    %dma_wait3A_116 = arith.constant 0 : i32
    %dma_wait3A_117 = arith.constant 0 : i32
    %dma_wait3A_118 = tpu.memref_slice %arg6[%dma_wait3A_116, %dma_wait3A_117] : memref<2048x768xf32, #tpu.memory_space<hbm>> -> memref<2048x768xf32, #tpu.memory_space<hbm>>
    tpu.wait_indirect_dma semaphore(%arg15 : memref<!tpu.dma_semaphore, #tpu.memory_space<semaphore_mem>>) src(%dma_wait3A_118 : memref<2048x768xf32, #tpu.memory_space<hbm>>) dst(%arg13 : memref<64x768xf32, #tpu.memory_space<vmem>>)
    %add3A_119 = arith.constant 256 : i32
    %add3A_120 = arith.addi %mul3A_2, %add3A_119 : i32
    %dma_start3A_121 = arith.constant 0 : i32
    %dma_start3A_122 = tpu.memref_slice %arg8[%add3A_120, %dma_start3A_121] : memref<12288x768xf32, #tpu.memory_space<hbm>> -> memref<64x768xf32, #tpu.memory_space<hbm>>
    %dma_start3A_123 = arith.constant 0 : i32
    %dma_start3A_124 = tpu.memref_slice %arg8[%add3A_120, %dma_start3A_123] : memref<12288x768xf32, #tpu.memory_space<hbm>> -> memref<64x768xf32, #tpu.memory_space<hbm>>
    tpu.enqueue_dma source(%arg13 : memref<64x768xf32, #tpu.memory_space<vmem>>) target(%dma_start3A_124 : memref<64x768xf32, #tpu.memory_space<hbm>>) target_semaphore(%arg17 : memref<!tpu.dma_semaphore, #tpu.memory_space<semaphore_mem>>)
    %dma_wait3A_125 = arith.constant 320 : i32
    %dma_wait3A_126 = tpu.memref_slice %arg11[%dma_wait3A_125] : memref<384xi32, #tpu.memory_space<vmem>> -> memref<64xi32, #tpu.memory_space<vmem>>
    %dma_wait3A_127 = arith.constant 0 : i32
    %dma_wait3A_128 = arith.constant 0 : i32
    %dma_wait3A_129 = tpu.memref_slice %arg6[%dma_wait3A_127, %dma_wait3A_128] : memref<2048x768xf32, #tpu.memory_space<hbm>> -> memref<2048x768xf32, #tpu.memory_space<hbm>>
    tpu.wait_indirect_dma semaphore(%arg16 : memref<!tpu.dma_semaphore, #tpu.memory_space<semaphore_mem>>) src(%dma_wait3A_129 : memref<2048x768xf32, #tpu.memory_space<hbm>>) dst(%arg14 : memref<64x768xf32, #tpu.memory_space<vmem>>)
    %add3A_130 = arith.constant 320 : i32
    %add3A_131 = arith.addi %mul3A_2, %add3A_130 : i32
    %dma_start3A_132 = arith.constant 0 : i32
    %dma_start3A_133 = tpu.memref_slice %arg8[%add3A_131, %dma_start3A_132] : memref<12288x768xf32, #tpu.memory_space<hbm>> -> memref<64x768xf32, #tpu.memory_space<hbm>>
    %dma_start3A_134 = arith.constant 0 : i32
    %dma_start3A_135 = tpu.memref_slice %arg8[%add3A_131, %dma_start3A_134] : memref<12288x768xf32, #tpu.memory_space<hbm>> -> memref<64x768xf32, #tpu.memory_space<hbm>>
    tpu.enqueue_dma source(%arg14 : memref<64x768xf32, #tpu.memory_space<vmem>>) target(%dma_start3A_135 : memref<64x768xf32, #tpu.memory_space<hbm>>) target_semaphore(%arg18 : memref<!tpu.dma_semaphore, #tpu.memory_space<semaphore_mem>>)
    %dma_wait3A_136 = arith.constant 0 : i32
    %dma_wait3A_137 = tpu.memref_slice %arg8[%add3A_120, %dma_wait3A_136] : memref<12288x768xf32, #tpu.memory_space<hbm>> -> memref<64x768xf32, #tpu.memory_space<hbm>>
    %dma_wait3A_138 = arith.constant 0 : i32
    %dma_wait3A_139 = tpu.memref_slice %arg8[%add3A_120, %dma_wait3A_138] : memref<12288x768xf32, #tpu.memory_space<hbm>> -> memref<64x768xf32, #tpu.memory_space<hbm>>
    tpu.wait_dma2 semaphore(%arg17 : memref<!tpu.dma_semaphore, #tpu.memory_space<semaphore_mem>>) src(%arg13 : memref<64x768xf32, #tpu.memory_space<vmem>>) dst(%dma_wait3A_139 : memref<64x768xf32, #tpu.memory_space<hbm>>)
    %dma_wait3A_140 = arith.constant 0 : i32
    %dma_wait3A_141 = tpu.memref_slice %arg8[%add3A_131, %dma_wait3A_140] : memref<12288x768xf32, #tpu.memory_space<hbm>> -> memref<64x768xf32, #tpu.memory_space<hbm>>
    %dma_wait3A_142 = arith.constant 0 : i32
    %dma_wait3A_143 = tpu.memref_slice %arg8[%add3A_131, %dma_wait3A_142] : memref<12288x768xf32, #tpu.memory_space<hbm>> -> memref<64x768xf32, #tpu.memory_space<hbm>>
    tpu.wait_dma2 semaphore(%arg18 : memref<!tpu.dma_semaphore, #tpu.memory_space<semaphore_mem>>) src(%arg14 : memref<64x768xf32, #tpu.memory_space<vmem>>) dst(%dma_wait3A_143 : memref<64x768xf32, #tpu.memory_space<hbm>>)
    %dma_wait3A_144 = tpu.memref_slice %arg7[%mul3A_2] : memref<12288xf32, #tpu.memory_space<hbm>> -> memref<384xf32, #tpu.memory_space<hbm>>
    %dma_wait3A_145 = tpu.memref_slice %arg7[%mul3A_2] : memref<12288xf32, #tpu.memory_space<hbm>> -> memref<384xf32, #tpu.memory_space<hbm>>
    tpu.wait_dma2 semaphore(%arg19 : memref<!tpu.dma_semaphore, #tpu.memory_space<semaphore_mem>>) src(%arg12 : memref<384xf32, #tpu.memory_space<vmem>>) dst(%dma_wait3A_145 : memref<384xf32, #tpu.memory_space<hbm>>)
    return
  }
}

#map = affine_map<(d0, d1) -> (0, 0)>
#map1 = affine_map<(d0, d1) -> (0)>
module attributes {stable_mosaic.version = 14 : i64} {
  func.func @_combine_body(%arg0: i32, %arg1: i32, %arg2: memref<12288x768xf32, #tpu.memory_space<hbm>>, %arg3: memref<2048xi32, #tpu.memory_space<hbm>>, %arg4: memref<2048xi32, #tpu.memory_space<hbm>>, %arg5: memref<2048x768xf32, #tpu.memory_space<hbm>>, %arg6: memref<64xi32, #tpu.memory_space<vmem>>, %arg7: memref<64xi32, #tpu.memory_space<vmem>>, %arg8: memref<64x768xf32, #tpu.memory_space<vmem>>, %arg9: memref<64x768xf32, #tpu.memory_space<vmem>>, %arg10: memref<!tpu.dma_semaphore, #tpu.memory_space<semaphore_mem>>, %arg11: memref<!tpu.dma_semaphore, #tpu.memory_space<semaphore_mem>>) attributes {dimension_semantics = [#tpu.dimension_semantics<core_parallel>, #tpu.dimension_semantics<subcore_parallel>], iteration_bounds = array<i64: 2, 16>, scalar_prefetch = 0 : i64, scratch_operands = 6 : i64, tpu.core_type = #tpu.core_type<sc_vector_subcore>, window_params = [{transform_indices = #map}, {transform_indices = #map1}, {transform_indices = #map1}, {transform_indices = #map}]} {
    %mul3A = arith.constant 2 : i32
    %mul3A_0 = arith.muli %arg1, %mul3A : i32
    %add3A = arith.addi %mul3A_0, %arg0 : i32
    %mul3A_1 = arith.constant 64 : i32
    %mul3A_2 = arith.muli %add3A, %mul3A_1 : i32
    "tpu.region"() ({
      %run_scoped3A = tpu.sem_alloc : memref<!tpu.dma_semaphore, #tpu.memory_space<semaphore_mem>>
      %dma_start3A_19 = tpu.memref_slice %arg3[%mul3A_2] : memref<2048xi32, #tpu.memory_space<hbm>> -> memref<64xi32, #tpu.memory_space<hbm>>
      %dma_start3A_20 = tpu.memref_slice %arg3[%mul3A_2] : memref<2048xi32, #tpu.memory_space<hbm>> -> memref<64xi32, #tpu.memory_space<hbm>>
      tpu.enqueue_dma source(%dma_start3A_20 : memref<64xi32, #tpu.memory_space<hbm>>) target(%arg6 : memref<64xi32, #tpu.memory_space<vmem>>) target_semaphore(%run_scoped3A : memref<!tpu.dma_semaphore, #tpu.memory_space<semaphore_mem>>)
      %dma_wait3A_21 = tpu.memref_slice %arg3[%mul3A_2] : memref<2048xi32, #tpu.memory_space<hbm>> -> memref<64xi32, #tpu.memory_space<hbm>>
      %dma_wait3A_22 = tpu.memref_slice %arg3[%mul3A_2] : memref<2048xi32, #tpu.memory_space<hbm>> -> memref<64xi32, #tpu.memory_space<hbm>>
      tpu.wait_dma2 semaphore(%run_scoped3A : memref<!tpu.dma_semaphore, #tpu.memory_space<semaphore_mem>>) src(%dma_wait3A_22 : memref<64xi32, #tpu.memory_space<hbm>>) dst(%arg6 : memref<64xi32, #tpu.memory_space<vmem>>)
      tpu.yield
    }) : () -> ()
    "tpu.region"() ({
      %run_scoped3A = tpu.sem_alloc : memref<!tpu.dma_semaphore, #tpu.memory_space<semaphore_mem>>
      %dma_start3A_19 = tpu.memref_slice %arg4[%mul3A_2] : memref<2048xi32, #tpu.memory_space<hbm>> -> memref<64xi32, #tpu.memory_space<hbm>>
      %dma_start3A_20 = tpu.memref_slice %arg4[%mul3A_2] : memref<2048xi32, #tpu.memory_space<hbm>> -> memref<64xi32, #tpu.memory_space<hbm>>
      tpu.enqueue_dma source(%dma_start3A_20 : memref<64xi32, #tpu.memory_space<hbm>>) target(%arg7 : memref<64xi32, #tpu.memory_space<vmem>>) target_semaphore(%run_scoped3A : memref<!tpu.dma_semaphore, #tpu.memory_space<semaphore_mem>>)
      %dma_wait3A_21 = tpu.memref_slice %arg4[%mul3A_2] : memref<2048xi32, #tpu.memory_space<hbm>> -> memref<64xi32, #tpu.memory_space<hbm>>
      %dma_wait3A_22 = tpu.memref_slice %arg4[%mul3A_2] : memref<2048xi32, #tpu.memory_space<hbm>> -> memref<64xi32, #tpu.memory_space<hbm>>
      tpu.wait_dma2 semaphore(%run_scoped3A : memref<!tpu.dma_semaphore, #tpu.memory_space<semaphore_mem>>) src(%dma_wait3A_22 : memref<64xi32, #tpu.memory_space<hbm>>) dst(%arg7 : memref<64xi32, #tpu.memory_space<vmem>>)
      tpu.yield
    }) : () -> ()
    %dma_start3A = arith.constant 0 : i32
    %dma_start3A_3 = arith.constant 0 : i32
    %dma_start3A_4 = tpu.memref_slice %arg2[%dma_start3A, %dma_start3A_3] : memref<12288x768xf32, #tpu.memory_space<hbm>> -> memref<12288x768xf32, #tpu.memory_space<hbm>>
    tpu.enqueue_indirect_dma source(%dma_start3A_4 : memref<12288x768xf32, #tpu.memory_space<hbm>>) target(%arg8 : memref<64x768xf32, #tpu.memory_space<vmem>>) offsets(%arg6 : memref<64xi32, #tpu.memory_space<vmem>>) semaphore(%arg10 : memref<!tpu.dma_semaphore, #tpu.memory_space<semaphore_mem>>)
    %dma_start3A_5 = arith.constant 0 : i32
    %dma_start3A_6 = arith.constant 0 : i32
    %dma_start3A_7 = tpu.memref_slice %arg2[%dma_start3A_5, %dma_start3A_6] : memref<12288x768xf32, #tpu.memory_space<hbm>> -> memref<12288x768xf32, #tpu.memory_space<hbm>>
    tpu.enqueue_indirect_dma source(%dma_start3A_7 : memref<12288x768xf32, #tpu.memory_space<hbm>>) target(%arg9 : memref<64x768xf32, #tpu.memory_space<vmem>>) offsets(%arg7 : memref<64xi32, #tpu.memory_space<vmem>>) semaphore(%arg11 : memref<!tpu.dma_semaphore, #tpu.memory_space<semaphore_mem>>)
    %dma_wait3A = arith.constant 0 : i32
    %dma_wait3A_8 = arith.constant 0 : i32
    %dma_wait3A_9 = tpu.memref_slice %arg2[%dma_wait3A, %dma_wait3A_8] : memref<12288x768xf32, #tpu.memory_space<hbm>> -> memref<12288x768xf32, #tpu.memory_space<hbm>>
    tpu.wait_indirect_dma semaphore(%arg10 : memref<!tpu.dma_semaphore, #tpu.memory_space<semaphore_mem>>) src(%dma_wait3A_9 : memref<12288x768xf32, #tpu.memory_space<hbm>>) dst(%arg8 : memref<64x768xf32, #tpu.memory_space<vmem>>)
    %dma_wait3A_10 = arith.constant 0 : i32
    %dma_wait3A_11 = arith.constant 0 : i32
    %dma_wait3A_12 = tpu.memref_slice %arg2[%dma_wait3A_10, %dma_wait3A_11] : memref<12288x768xf32, #tpu.memory_space<hbm>> -> memref<12288x768xf32, #tpu.memory_space<hbm>>
    tpu.wait_indirect_dma semaphore(%arg11 : memref<!tpu.dma_semaphore, #tpu.memory_space<semaphore_mem>>) src(%dma_wait3A_12 : memref<12288x768xf32, #tpu.memory_space<hbm>>) dst(%arg9 : memref<64x768xf32, #tpu.memory_space<vmem>>)
    %scan3A = arith.constant 0 : i32
    %scan3A_13 = arith.constant 0 : i32
    %scan3A_14 = arith.constant 64 : i32
    %scan3A_15 = arith.addi %scan3A_13, %scan3A_14 : i32
    %scan3A_16 = arith.constant 1 : i32
    %scan3A_17 = scf.for %scan3A_19 = %scan3A_13 to %scan3A_15 step %scan3A_16 iter_args(%scan3A_20 = %scan3A) -> (i32)  : i32 {
      %get3A = arith.index_cast %scan3A_19 : i32 to index
      %get3A_21 = arith.constant 0 : index
      %get3A_22 = tpu.vector_load %arg8[%get3A, %get3A_21] {strides = array<i32>} : memref<64x768xf32, #tpu.memory_space<vmem>>, vector<16xf32>,
      %get3A_23 = arith.index_cast %scan3A_19 : i32 to index
      %get3A_24 = arith.constant 0 : index
      %get3A_25 = tpu.vector_load %arg9[%get3A_23, %get3A_24] {strides = array<i32>} : memref<64x768xf32, #tpu.memory_space<vmem>>, vector<16xf32>,
      %add3A_26 = arith.addf %get3A_22, %get3A_25 : vector<16xf32>
      %swap3A = arith.index_cast %scan3A_19 : i32 to index
      %swap3A_27 = arith.constant 0 : index
      %swap3A_28 = tpu.vector_load %arg8[%swap3A, %swap3A_27] {strides = array<i32>} : memref<64x768xf32, #tpu.memory_space<vmem>>, vector<16xf32>,
      tpu.vector_store %arg8[%swap3A, %swap3A_27], %add3A_26 {strides = array<i32>} : memref<64x768xf32, #tpu.memory_space<vmem>>, vector<16xf32>,
      %get3A_29 = arith.index_cast %scan3A_19 : i32 to index
      %get3A_30 = arith.constant 16 : index
      %get3A_31 = tpu.vector_load %arg8[%get3A_29, %get3A_30] {strides = array<i32>} : memref<64x768xf32, #tpu.memory_space<vmem>>, vector<16xf32>,
      %get3A_32 = arith.index_cast %scan3A_19 : i32 to index
      %get3A_33 = arith.constant 16 : index
      %get3A_34 = tpu.vector_load %arg9[%get3A_32, %get3A_33] {strides = array<i32>} : memref<64x768xf32, #tpu.memory_space<vmem>>, vector<16xf32>,
      %add3A_35 = arith.addf %get3A_31, %get3A_34 : vector<16xf32>
      %swap3A_36 = arith.index_cast %scan3A_19 : i32 to index
      %swap3A_37 = arith.constant 16 : index
      %swap3A_38 = tpu.vector_load %arg8[%swap3A_36, %swap3A_37] {strides = array<i32>} : memref<64x768xf32, #tpu.memory_space<vmem>>, vector<16xf32>,
      tpu.vector_store %arg8[%swap3A_36, %swap3A_37], %add3A_35 {strides = array<i32>} : memref<64x768xf32, #tpu.memory_space<vmem>>, vector<16xf32>,
      %get3A_39 = arith.index_cast %scan3A_19 : i32 to index
      %get3A_40 = arith.constant 32 : index
      %get3A_41 = tpu.vector_load %arg8[%get3A_39, %get3A_40] {strides = array<i32>} : memref<64x768xf32, #tpu.memory_space<vmem>>, vector<16xf32>,
      %get3A_42 = arith.index_cast %scan3A_19 : i32 to index
      %get3A_43 = arith.constant 32 : index
      %get3A_44 = tpu.vector_load %arg9[%get3A_42, %get3A_43] {strides = array<i32>} : memref<64x768xf32, #tpu.memory_space<vmem>>, vector<16xf32>,
      %add3A_45 = arith.addf %get3A_41, %get3A_44 : vector<16xf32>
      %swap3A_46 = arith.index_cast %scan3A_19 : i32 to index
      %swap3A_47 = arith.constant 32 : index
      %swap3A_48 = tpu.vector_load %arg8[%swap3A_46, %swap3A_47] {strides = array<i32>} : memref<64x768xf32, #tpu.memory_space<vmem>>, vector<16xf32>,
      tpu.vector_store %arg8[%swap3A_46, %swap3A_47], %add3A_45 {strides = array<i32>} : memref<64x768xf32, #tpu.memory_space<vmem>>, vector<16xf32>,
      %get3A_49 = arith.index_cast %scan3A_19 : i32 to index
      %get3A_50 = arith.constant 48 : index
      %get3A_51 = tpu.vector_load %arg8[%get3A_49, %get3A_50] {strides = array<i32>} : memref<64x768xf32, #tpu.memory_space<vmem>>, vector<16xf32>,
      %get3A_52 = arith.index_cast %scan3A_19 : i32 to index
      %get3A_53 = arith.constant 48 : index
      %get3A_54 = tpu.vector_load %arg9[%get3A_52, %get3A_53] {strides = array<i32>} : memref<64x768xf32, #tpu.memory_space<vmem>>, vector<16xf32>,
      %add3A_55 = arith.addf %get3A_51, %get3A_54 : vector<16xf32>
      %swap3A_56 = arith.index_cast %scan3A_19 : i32 to index
      %swap3A_57 = arith.constant 48 : index
      %swap3A_58 = tpu.vector_load %arg8[%swap3A_56, %swap3A_57] {strides = array<i32>} : memref<64x768xf32, #tpu.memory_space<vmem>>, vector<16xf32>,
      tpu.vector_store %arg8[%swap3A_56, %swap3A_57], %add3A_55 {strides = array<i32>} : memref<64x768xf32, #tpu.memory_space<vmem>>, vector<16xf32>,
      %get3A_59 = arith.index_cast %scan3A_19 : i32 to index
      %get3A_60 = arith.constant 64 : index
      %get3A_61 = tpu.vector_load %arg8[%get3A_59, %get3A_60] {strides = array<i32>} : memref<64x768xf32, #tpu.memory_space<vmem>>, vector<16xf32>,
      %get3A_62 = arith.index_cast %scan3A_19 : i32 to index
      %get3A_63 = arith.constant 64 : index
      %get3A_64 = tpu.vector_load %arg9[%get3A_62, %get3A_63] {strides = array<i32>} : memref<64x768xf32, #tpu.memory_space<vmem>>, vector<16xf32>,
      %add3A_65 = arith.addf %get3A_61, %get3A_64 : vector<16xf32>
      %swap3A_66 = arith.index_cast %scan3A_19 : i32 to index
      %swap3A_67 = arith.constant 64 : index
      %swap3A_68 = tpu.vector_load %arg8[%swap3A_66, %swap3A_67] {strides = array<i32>} : memref<64x768xf32, #tpu.memory_space<vmem>>, vector<16xf32>,
      tpu.vector_store %arg8[%swap3A_66, %swap3A_67], %add3A_65 {strides = array<i32>} : memref<64x768xf32, #tpu.memory_space<vmem>>, vector<16xf32>,
      %get3A_69 = arith.index_cast %scan3A_19 : i32 to index
      %get3A_70 = arith.constant 80 : index
      %get3A_71 = tpu.vector_load %arg8[%get3A_69, %get3A_70] {strides = array<i32>} : memref<64x768xf32, #tpu.memory_space<vmem>>, vector<16xf32>,
      %get3A_72 = arith.index_cast %scan3A_19 : i32 to index
      %get3A_73 = arith.constant 80 : index
      %get3A_74 = tpu.vector_load %arg9[%get3A_72, %get3A_73] {strides = array<i32>} : memref<64x768xf32, #tpu.memory_space<vmem>>, vector<16xf32>,
      %add3A_75 = arith.addf %get3A_71, %get3A_74 : vector<16xf32>
      %swap3A_76 = arith.index_cast %scan3A_19 : i32 to index
      %swap3A_77 = arith.constant 80 : index
      %swap3A_78 = tpu.vector_load %arg8[%swap3A_76, %swap3A_77] {strides = array<i32>} : memref<64x768xf32, #tpu.memory_space<vmem>>, vector<16xf32>,
      tpu.vector_store %arg8[%swap3A_76, %swap3A_77], %add3A_75 {strides = array<i32>} : memref<64x768xf32, #tpu.memory_space<vmem>>, vector<16xf32>,
      %get3A_79 = arith.index_cast %scan3A_19 : i32 to index
      %get3A_80 = arith.constant 96 : index
      %get3A_81 = tpu.vector_load %arg8[%get3A_79, %get3A_80] {strides = array<i32>} : memref<64x768xf32, #tpu.memory_space<vmem>>, vector<16xf32>,
      %get3A_82 = arith.index_cast %scan3A_19 : i32 to index
      %get3A_83 = arith.constant 96 : index
      %get3A_84 = tpu.vector_load %arg9[%get3A_82, %get3A_83] {strides = array<i32>} : memref<64x768xf32, #tpu.memory_space<vmem>>, vector<16xf32>,
      %add3A_85 = arith.addf %get3A_81, %get3A_84 : vector<16xf32>
      %swap3A_86 = arith.index_cast %scan3A_19 : i32 to index
      %swap3A_87 = arith.constant 96 : index
      %swap3A_88 = tpu.vector_load %arg8[%swap3A_86, %swap3A_87] {strides = array<i32>} : memref<64x768xf32, #tpu.memory_space<vmem>>, vector<16xf32>,
      tpu.vector_store %arg8[%swap3A_86, %swap3A_87], %add3A_85 {strides = array<i32>} : memref<64x768xf32, #tpu.memory_space<vmem>>, vector<16xf32>,
      %get3A_89 = arith.index_cast %scan3A_19 : i32 to index
      %get3A_90 = arith.constant 112 : index
      %get3A_91 = tpu.vector_load %arg8[%get3A_89, %get3A_90] {strides = array<i32>} : memref<64x768xf32, #tpu.memory_space<vmem>>, vector<16xf32>,
      %get3A_92 = arith.index_cast %scan3A_19 : i32 to index
      %get3A_93 = arith.constant 112 : index
      %get3A_94 = tpu.vector_load %arg9[%get3A_92, %get3A_93] {strides = array<i32>} : memref<64x768xf32, #tpu.memory_space<vmem>>, vector<16xf32>,
      %add3A_95 = arith.addf %get3A_91, %get3A_94 : vector<16xf32>
      %swap3A_96 = arith.index_cast %scan3A_19 : i32 to index
      %swap3A_97 = arith.constant 112 : index
      %swap3A_98 = tpu.vector_load %arg8[%swap3A_96, %swap3A_97] {strides = array<i32>} : memref<64x768xf32, #tpu.memory_space<vmem>>, vector<16xf32>,
      tpu.vector_store %arg8[%swap3A_96, %swap3A_97], %add3A_95 {strides = array<i32>} : memref<64x768xf32, #tpu.memory_space<vmem>>, vector<16xf32>,
      %get3A_99 = arith.index_cast %scan3A_19 : i32 to index
      %get3A_100 = arith.constant 128 : index
      %get3A_101 = tpu.vector_load %arg8[%get3A_99, %get3A_100] {strides = array<i32>} : memref<64x768xf32, #tpu.memory_space<vmem>>, vector<16xf32>,
      %get3A_102 = arith.index_cast %scan3A_19 : i32 to index
      %get3A_103 = arith.constant 128 : index
      %get3A_104 = tpu.vector_load %arg9[%get3A_102, %get3A_103] {strides = array<i32>} : memref<64x768xf32, #tpu.memory_space<vmem>>, vector<16xf32>,
      %add3A_105 = arith.addf %get3A_101, %get3A_104 : vector<16xf32>
      %swap3A_106 = arith.index_cast %scan3A_19 : i32 to index
      %swap3A_107 = arith.constant 128 : index
      %swap3A_108 = tpu.vector_load %arg8[%swap3A_106, %swap3A_107] {strides = array<i32>} : memref<64x768xf32, #tpu.memory_space<vmem>>, vector<16xf32>,
      tpu.vector_store %arg8[%swap3A_106, %swap3A_107], %add3A_105 {strides = array<i32>} : memref<64x768xf32, #tpu.memory_space<vmem>>, vector<16xf32>,
      %get3A_109 = arith.index_cast %scan3A_19 : i32 to index
      %get3A_110 = arith.constant 144 : index
      %get3A_111 = tpu.vector_load %arg8[%get3A_109, %get3A_110] {strides = array<i32>} : memref<64x768xf32, #tpu.memory_space<vmem>>, vector<16xf32>,
      %get3A_112 = arith.index_cast %scan3A_19 : i32 to index
      %get3A_113 = arith.constant 144 : index
      %get3A_114 = tpu.vector_load %arg9[%get3A_112, %get3A_113] {strides = array<i32>} : memref<64x768xf32, #tpu.memory_space<vmem>>, vector<16xf32>,
      %add3A_115 = arith.addf %get3A_111, %get3A_114 : vector<16xf32>
      %swap3A_116 = arith.index_cast %scan3A_19 : i32 to index
      %swap3A_117 = arith.constant 144 : index
      %swap3A_118 = tpu.vector_load %arg8[%swap3A_116, %swap3A_117] {strides = array<i32>} : memref<64x768xf32, #tpu.memory_space<vmem>>, vector<16xf32>,
      tpu.vector_store %arg8[%swap3A_116, %swap3A_117], %add3A_115 {strides = array<i32>} : memref<64x768xf32, #tpu.memory_space<vmem>>, vector<16xf32>,
      %get3A_119 = arith.index_cast %scan3A_19 : i32 to index
      %get3A_120 = arith.constant 160 : index
      %get3A_121 = tpu.vector_load %arg8[%get3A_119, %get3A_120] {strides = array<i32>} : memref<64x768xf32, #tpu.memory_space<vmem>>, vector<16xf32>,
      %get3A_122 = arith.index_cast %scan3A_19 : i32 to index
      %get3A_123 = arith.constant 160 : index
      %get3A_124 = tpu.vector_load %arg9[%get3A_122, %get3A_123] {strides = array<i32>} : memref<64x768xf32, #tpu.memory_space<vmem>>, vector<16xf32>,
      %add3A_125 = arith.addf %get3A_121, %get3A_124 : vector<16xf32>
      %swap3A_126 = arith.index_cast %scan3A_19 : i32 to index
      %swap3A_127 = arith.constant 160 : index
      %swap3A_128 = tpu.vector_load %arg8[%swap3A_126, %swap3A_127] {strides = array<i32>} : memref<64x768xf32, #tpu.memory_space<vmem>>, vector<16xf32>,
      tpu.vector_store %arg8[%swap3A_126, %swap3A_127], %add3A_125 {strides = array<i32>} : memref<64x768xf32, #tpu.memory_space<vmem>>, vector<16xf32>,
      %get3A_129 = arith.index_cast %scan3A_19 : i32 to index
      %get3A_130 = arith.constant 176 : index
      %get3A_131 = tpu.vector_load %arg8[%get3A_129, %get3A_130] {strides = array<i32>} : memref<64x768xf32, #tpu.memory_space<vmem>>, vector<16xf32>,
      %get3A_132 = arith.index_cast %scan3A_19 : i32 to index
      %get3A_133 = arith.constant 176 : index
      %get3A_134 = tpu.vector_load %arg9[%get3A_132, %get3A_133] {strides = array<i32>} : memref<64x768xf32, #tpu.memory_space<vmem>>, vector<16xf32>,
      %add3A_135 = arith.addf %get3A_131, %get3A_134 : vector<16xf32>
      %swap3A_136 = arith.index_cast %scan3A_19 : i32 to index
      %swap3A_137 = arith.constant 176 : index
      %swap3A_138 = tpu.vector_load %arg8[%swap3A_136, %swap3A_137] {strides = array<i32>} : memref<64x768xf32, #tpu.memory_space<vmem>>, vector<16xf32>,
      tpu.vector_store %arg8[%swap3A_136, %swap3A_137], %add3A_135 {strides = array<i32>} : memref<64x768xf32, #tpu.memory_space<vmem>>, vector<16xf32>,
      %get3A_139 = arith.index_cast %scan3A_19 : i32 to index
      %get3A_140 = arith.constant 192 : index
      %get3A_141 = tpu.vector_load %arg8[%get3A_139, %get3A_140] {strides = array<i32>} : memref<64x768xf32, #tpu.memory_space<vmem>>, vector<16xf32>,
      %get3A_142 = arith.index_cast %scan3A_19 : i32 to index
      %get3A_143 = arith.constant 192 : index
      %get3A_144 = tpu.vector_load %arg9[%get3A_142, %get3A_143] {strides = array<i32>} : memref<64x768xf32, #tpu.memory_space<vmem>>, vector<16xf32>,
      %add3A_145 = arith.addf %get3A_141, %get3A_144 : vector<16xf32>
      %swap3A_146 = arith.index_cast %scan3A_19 : i32 to index
      %swap3A_147 = arith.constant 192 : index
      %swap3A_148 = tpu.vector_load %arg8[%swap3A_146, %swap3A_147] {strides = array<i32>} : memref<64x768xf32, #tpu.memory_space<vmem>>, vector<16xf32>,
      tpu.vector_store %arg8[%swap3A_146, %swap3A_147], %add3A_145 {strides = array<i32>} : memref<64x768xf32, #tpu.memory_space<vmem>>, vector<16xf32>,
      %get3A_149 = arith.index_cast %scan3A_19 : i32 to index
      %get3A_150 = arith.constant 208 : index
      %get3A_151 = tpu.vector_load %arg8[%get3A_149, %get3A_150] {strides = array<i32>} : memref<64x768xf32, #tpu.memory_space<vmem>>, vector<16xf32>,
      %get3A_152 = arith.index_cast %scan3A_19 : i32 to index
      %get3A_153 = arith.constant 208 : index
      %get3A_154 = tpu.vector_load %arg9[%get3A_152, %get3A_153] {strides = array<i32>} : memref<64x768xf32, #tpu.memory_space<vmem>>, vector<16xf32>,
      %add3A_155 = arith.addf %get3A_151, %get3A_154 : vector<16xf32>
      %swap3A_156 = arith.index_cast %scan3A_19 : i32 to index
      %swap3A_157 = arith.constant 208 : index
      %swap3A_158 = tpu.vector_load %arg8[%swap3A_156, %swap3A_157] {strides = array<i32>} : memref<64x768xf32, #tpu.memory_space<vmem>>, vector<16xf32>,
      tpu.vector_store %arg8[%swap3A_156, %swap3A_157], %add3A_155 {strides = array<i32>} : memref<64x768xf32, #tpu.memory_space<vmem>>, vector<16xf32>,
      %get3A_159 = arith.index_cast %scan3A_19 : i32 to index
      %get3A_160 = arith.constant 224 : index
      %get3A_161 = tpu.vector_load %arg8[%get3A_159, %get3A_160] {strides = array<i32>} : memref<64x768xf32, #tpu.memory_space<vmem>>, vector<16xf32>,
      %get3A_162 = arith.index_cast %scan3A_19 : i32 to index
      %get3A_163 = arith.constant 224 : index
      %get3A_164 = tpu.vector_load %arg9[%get3A_162, %get3A_163] {strides = array<i32>} : memref<64x768xf32, #tpu.memory_space<vmem>>, vector<16xf32>,
      %add3A_165 = arith.addf %get3A_161, %get3A_164 : vector<16xf32>
      %swap3A_166 = arith.index_cast %scan3A_19 : i32 to index
      %swap3A_167 = arith.constant 224 : index
      %swap3A_168 = tpu.vector_load %arg8[%swap3A_166, %swap3A_167] {strides = array<i32>} : memref<64x768xf32, #tpu.memory_space<vmem>>, vector<16xf32>,
      tpu.vector_store %arg8[%swap3A_166, %swap3A_167], %add3A_165 {strides = array<i32>} : memref<64x768xf32, #tpu.memory_space<vmem>>, vector<16xf32>,
      %get3A_169 = arith.index_cast %scan3A_19 : i32 to index
      %get3A_170 = arith.constant 240 : index
      %get3A_171 = tpu.vector_load %arg8[%get3A_169, %get3A_170] {strides = array<i32>} : memref<64x768xf32, #tpu.memory_space<vmem>>, vector<16xf32>,
      %get3A_172 = arith.index_cast %scan3A_19 : i32 to index
      %get3A_173 = arith.constant 240 : index
      %get3A_174 = tpu.vector_load %arg9[%get3A_172, %get3A_173] {strides = array<i32>} : memref<64x768xf32, #tpu.memory_space<vmem>>, vector<16xf32>,
      %add3A_175 = arith.addf %get3A_171, %get3A_174 : vector<16xf32>
      %swap3A_176 = arith.index_cast %scan3A_19 : i32 to index
      %swap3A_177 = arith.constant 240 : index
      %swap3A_178 = tpu.vector_load %arg8[%swap3A_176, %swap3A_177] {strides = array<i32>} : memref<64x768xf32, #tpu.memory_space<vmem>>, vector<16xf32>,
      tpu.vector_store %arg8[%swap3A_176, %swap3A_177], %add3A_175 {strides = array<i32>} : memref<64x768xf32, #tpu.memory_space<vmem>>, vector<16xf32>,
      %get3A_179 = arith.index_cast %scan3A_19 : i32 to index
      %get3A_180 = arith.constant 256 : index
      %get3A_181 = tpu.vector_load %arg8[%get3A_179, %get3A_180] {strides = array<i32>} : memref<64x768xf32, #tpu.memory_space<vmem>>, vector<16xf32>,
      %get3A_182 = arith.index_cast %scan3A_19 : i32 to index
      %get3A_183 = arith.constant 256 : index
      %get3A_184 = tpu.vector_load %arg9[%get3A_182, %get3A_183] {strides = array<i32>} : memref<64x768xf32, #tpu.memory_space<vmem>>, vector<16xf32>,
      %add3A_185 = arith.addf %get3A_181, %get3A_184 : vector<16xf32>
      %swap3A_186 = arith.index_cast %scan3A_19 : i32 to index
      %swap3A_187 = arith.constant 256 : index
      %swap3A_188 = tpu.vector_load %arg8[%swap3A_186, %swap3A_187] {strides = array<i32>} : memref<64x768xf32, #tpu.memory_space<vmem>>, vector<16xf32>,
      tpu.vector_store %arg8[%swap3A_186, %swap3A_187], %add3A_185 {strides = array<i32>} : memref<64x768xf32, #tpu.memory_space<vmem>>, vector<16xf32>,
      %get3A_189 = arith.index_cast %scan3A_19 : i32 to index
      %get3A_190 = arith.constant 272 : index
      %get3A_191 = tpu.vector_load %arg8[%get3A_189, %get3A_190] {strides = array<i32>} : memref<64x768xf32, #tpu.memory_space<vmem>>, vector<16xf32>,
      %get3A_192 = arith.index_cast %scan3A_19 : i32 to index
      %get3A_193 = arith.constant 272 : index
      %get3A_194 = tpu.vector_load %arg9[%get3A_192, %get3A_193] {strides = array<i32>} : memref<64x768xf32, #tpu.memory_space<vmem>>, vector<16xf32>,
      %add3A_195 = arith.addf %get3A_191, %get3A_194 : vector<16xf32>
      %swap3A_196 = arith.index_cast %scan3A_19 : i32 to index
      %swap3A_197 = arith.constant 272 : index
      %swap3A_198 = tpu.vector_load %arg8[%swap3A_196, %swap3A_197] {strides = array<i32>} : memref<64x768xf32, #tpu.memory_space<vmem>>, vector<16xf32>,
      tpu.vector_store %arg8[%swap3A_196, %swap3A_197], %add3A_195 {strides = array<i32>} : memref<64x768xf32, #tpu.memory_space<vmem>>, vector<16xf32>,
      %get3A_199 = arith.index_cast %scan3A_19 : i32 to index
      %get3A_200 = arith.constant 288 : index
      %get3A_201 = tpu.vector_load %arg8[%get3A_199, %get3A_200] {strides = array<i32>} : memref<64x768xf32, #tpu.memory_space<vmem>>, vector<16xf32>,
      %get3A_202 = arith.index_cast %scan3A_19 : i32 to index
      %get3A_203 = arith.constant 288 : index
      %get3A_204 = tpu.vector_load %arg9[%get3A_202, %get3A_203] {strides = array<i32>} : memref<64x768xf32, #tpu.memory_space<vmem>>, vector<16xf32>,
      %add3A_205 = arith.addf %get3A_201, %get3A_204 : vector<16xf32>
      %swap3A_206 = arith.index_cast %scan3A_19 : i32 to index
      %swap3A_207 = arith.constant 288 : index
      %swap3A_208 = tpu.vector_load %arg8[%swap3A_206, %swap3A_207] {strides = array<i32>} : memref<64x768xf32, #tpu.memory_space<vmem>>, vector<16xf32>,
      tpu.vector_store %arg8[%swap3A_206, %swap3A_207], %add3A_205 {strides = array<i32>} : memref<64x768xf32, #tpu.memory_space<vmem>>, vector<16xf32>,
      %get3A_209 = arith.index_cast %scan3A_19 : i32 to index
      %get3A_210 = arith.constant 304 : index
      %get3A_211 = tpu.vector_load %arg8[%get3A_209, %get3A_210] {strides = array<i32>} : memref<64x768xf32, #tpu.memory_space<vmem>>, vector<16xf32>,
      %get3A_212 = arith.index_cast %scan3A_19 : i32 to index
      %get3A_213 = arith.constant 304 : index
      %get3A_214 = tpu.vector_load %arg9[%get3A_212, %get3A_213] {strides = array<i32>} : memref<64x768xf32, #tpu.memory_space<vmem>>, vector<16xf32>,
      %add3A_215 = arith.addf %get3A_211, %get3A_214 : vector<16xf32>
      %swap3A_216 = arith.index_cast %scan3A_19 : i32 to index
      %swap3A_217 = arith.constant 304 : index
      %swap3A_218 = tpu.vector_load %arg8[%swap3A_216, %swap3A_217] {strides = array<i32>} : memref<64x768xf32, #tpu.memory_space<vmem>>, vector<16xf32>,
      tpu.vector_store %arg8[%swap3A_216, %swap3A_217], %add3A_215 {strides = array<i32>} : memref<64x768xf32, #tpu.memory_space<vmem>>, vector<16xf32>,
      %get3A_219 = arith.index_cast %scan3A_19 : i32 to index
      %get3A_220 = arith.constant 320 : index
      %get3A_221 = tpu.vector_load %arg8[%get3A_219, %get3A_220] {strides = array<i32>} : memref<64x768xf32, #tpu.memory_space<vmem>>, vector<16xf32>,
      %get3A_222 = arith.index_cast %scan3A_19 : i32 to index
      %get3A_223 = arith.constant 320 : index
      %get3A_224 = tpu.vector_load %arg9[%get3A_222, %get3A_223] {strides = array<i32>} : memref<64x768xf32, #tpu.memory_space<vmem>>, vector<16xf32>,
      %add3A_225 = arith.addf %get3A_221, %get3A_224 : vector<16xf32>
      %swap3A_226 = arith.index_cast %scan3A_19 : i32 to index
      %swap3A_227 = arith.constant 320 : index
      %swap3A_228 = tpu.vector_load %arg8[%swap3A_226, %swap3A_227] {strides = array<i32>} : memref<64x768xf32, #tpu.memory_space<vmem>>, vector<16xf32>,
      tpu.vector_store %arg8[%swap3A_226, %swap3A_227], %add3A_225 {strides = array<i32>} : memref<64x768xf32, #tpu.memory_space<vmem>>, vector<16xf32>,
      %get3A_229 = arith.index_cast %scan3A_19 : i32 to index
      %get3A_230 = arith.constant 336 : index
      %get3A_231 = tpu.vector_load %arg8[%get3A_229, %get3A_230] {strides = array<i32>} : memref<64x768xf32, #tpu.memory_space<vmem>>, vector<16xf32>,
      %get3A_232 = arith.index_cast %scan3A_19 : i32 to index
      %get3A_233 = arith.constant 336 : index
      %get3A_234 = tpu.vector_load %arg9[%get3A_232, %get3A_233] {strides = array<i32>} : memref<64x768xf32, #tpu.memory_space<vmem>>, vector<16xf32>,
      %add3A_235 = arith.addf %get3A_231, %get3A_234 : vector<16xf32>
      %swap3A_236 = arith.index_cast %scan3A_19 : i32 to index
      %swap3A_237 = arith.constant 336 : index
      %swap3A_238 = tpu.vector_load %arg8[%swap3A_236, %swap3A_237] {strides = array<i32>} : memref<64x768xf32, #tpu.memory_space<vmem>>, vector<16xf32>,
      tpu.vector_store %arg8[%swap3A_236, %swap3A_237], %add3A_235 {strides = array<i32>} : memref<64x768xf32, #tpu.memory_space<vmem>>, vector<16xf32>,
      %get3A_239 = arith.index_cast %scan3A_19 : i32 to index
      %get3A_240 = arith.constant 352 : index
      %get3A_241 = tpu.vector_load %arg8[%get3A_239, %get3A_240] {strides = array<i32>} : memref<64x768xf32, #tpu.memory_space<vmem>>, vector<16xf32>,
      %get3A_242 = arith.index_cast %scan3A_19 : i32 to index
      %get3A_243 = arith.constant 352 : index
      %get3A_244 = tpu.vector_load %arg9[%get3A_242, %get3A_243] {strides = array<i32>} : memref<64x768xf32, #tpu.memory_space<vmem>>, vector<16xf32>,
      %add3A_245 = arith.addf %get3A_241, %get3A_244 : vector<16xf32>
      %swap3A_246 = arith.index_cast %scan3A_19 : i32 to index
      %swap3A_247 = arith.constant 352 : index
      %swap3A_248 = tpu.vector_load %arg8[%swap3A_246, %swap3A_247] {strides = array<i32>} : memref<64x768xf32, #tpu.memory_space<vmem>>, vector<16xf32>,
      tpu.vector_store %arg8[%swap3A_246, %swap3A_247], %add3A_245 {strides = array<i32>} : memref<64x768xf32, #tpu.memory_space<vmem>>, vector<16xf32>,
      %get3A_249 = arith.index_cast %scan3A_19 : i32 to index
      %get3A_250 = arith.constant 368 : index
      %get3A_251 = tpu.vector_load %arg8[%get3A_249, %get3A_250] {strides = array<i32>} : memref<64x768xf32, #tpu.memory_space<vmem>>, vector<16xf32>,
      %get3A_252 = arith.index_cast %scan3A_19 : i32 to index
      %get3A_253 = arith.constant 368 : index
      %get3A_254 = tpu.vector_load %arg9[%get3A_252, %get3A_253] {strides = array<i32>} : memref<64x768xf32, #tpu.memory_space<vmem>>, vector<16xf32>,
      %add3A_255 = arith.addf %get3A_251, %get3A_254 : vector<16xf32>
      %swap3A_256 = arith.index_cast %scan3A_19 : i32 to index
      %swap3A_257 = arith.constant 368 : index
      %swap3A_258 = tpu.vector_load %arg8[%swap3A_256, %swap3A_257] {strides = array<i32>} : memref<64x768xf32, #tpu.memory_space<vmem>>, vector<16xf32>,
      tpu.vector_store %arg8[%swap3A_256, %swap3A_257], %add3A_255 {strides = array<i32>} : memref<64x768xf32, #tpu.memory_space<vmem>>, vector<16xf32>,
      %get3A_259 = arith.index_cast %scan3A_19 : i32 to index
      %get3A_260 = arith.constant 384 : index
      %get3A_261 = tpu.vector_load %arg8[%get3A_259, %get3A_260] {strides = array<i32>} : memref<64x768xf32, #tpu.memory_space<vmem>>, vector<16xf32>,
      %get3A_262 = arith.index_cast %scan3A_19 : i32 to index
      %get3A_263 = arith.constant 384 : index
      %get3A_264 = tpu.vector_load %arg9[%get3A_262, %get3A_263] {strides = array<i32>} : memref<64x768xf32, #tpu.memory_space<vmem>>, vector<16xf32>,
      %add3A_265 = arith.addf %get3A_261, %get3A_264 : vector<16xf32>
      %swap3A_266 = arith.index_cast %scan3A_19 : i32 to index
      %swap3A_267 = arith.constant 384 : index
      %swap3A_268 = tpu.vector_load %arg8[%swap3A_266, %swap3A_267] {strides = array<i32>} : memref<64x768xf32, #tpu.memory_space<vmem>>, vector<16xf32>,
      tpu.vector_store %arg8[%swap3A_266, %swap3A_267], %add3A_265 {strides = array<i32>} : memref<64x768xf32, #tpu.memory_space<vmem>>, vector<16xf32>,
      %get3A_269 = arith.index_cast %scan3A_19 : i32 to index
      %get3A_270 = arith.constant 400 : index
      %get3A_271 = tpu.vector_load %arg8[%get3A_269, %get3A_270] {strides = array<i32>} : memref<64x768xf32, #tpu.memory_space<vmem>>, vector<16xf32>,
      %get3A_272 = arith.index_cast %scan3A_19 : i32 to index
      %get3A_273 = arith.constant 400 : index
      %get3A_274 = tpu.vector_load %arg9[%get3A_272, %get3A_273] {strides = array<i32>} : memref<64x768xf32, #tpu.memory_space<vmem>>, vector<16xf32>,
      %add3A_275 = arith.addf %get3A_271, %get3A_274 : vector<16xf32>
      %swap3A_276 = arith.index_cast %scan3A_19 : i32 to index
      %swap3A_277 = arith.constant 400 : index
      %swap3A_278 = tpu.vector_load %arg8[%swap3A_276, %swap3A_277] {strides = array<i32>} : memref<64x768xf32, #tpu.memory_space<vmem>>, vector<16xf32>,
      tpu.vector_store %arg8[%swap3A_276, %swap3A_277], %add3A_275 {strides = array<i32>} : memref<64x768xf32, #tpu.memory_space<vmem>>, vector<16xf32>,
      %get3A_279 = arith.index_cast %scan3A_19 : i32 to index
      %get3A_280 = arith.constant 416 : index
      %get3A_281 = tpu.vector_load %arg8[%get3A_279, %get3A_280] {strides = array<i32>} : memref<64x768xf32, #tpu.memory_space<vmem>>, vector<16xf32>,
      %get3A_282 = arith.index_cast %scan3A_19 : i32 to index
      %get3A_283 = arith.constant 416 : index
      %get3A_284 = tpu.vector_load %arg9[%get3A_282, %get3A_283] {strides = array<i32>} : memref<64x768xf32, #tpu.memory_space<vmem>>, vector<16xf32>,
      %add3A_285 = arith.addf %get3A_281, %get3A_284 : vector<16xf32>
      %swap3A_286 = arith.index_cast %scan3A_19 : i32 to index
      %swap3A_287 = arith.constant 416 : index
      %swap3A_288 = tpu.vector_load %arg8[%swap3A_286, %swap3A_287] {strides = array<i32>} : memref<64x768xf32, #tpu.memory_space<vmem>>, vector<16xf32>,
      tpu.vector_store %arg8[%swap3A_286, %swap3A_287], %add3A_285 {strides = array<i32>} : memref<64x768xf32, #tpu.memory_space<vmem>>, vector<16xf32>,
      %get3A_289 = arith.index_cast %scan3A_19 : i32 to index
      %get3A_290 = arith.constant 432 : index
      %get3A_291 = tpu.vector_load %arg8[%get3A_289, %get3A_290] {strides = array<i32>} : memref<64x768xf32, #tpu.memory_space<vmem>>, vector<16xf32>,
      %get3A_292 = arith.index_cast %scan3A_19 : i32 to index
      %get3A_293 = arith.constant 432 : index
      %get3A_294 = tpu.vector_load %arg9[%get3A_292, %get3A_293] {strides = array<i32>} : memref<64x768xf32, #tpu.memory_space<vmem>>, vector<16xf32>,
      %add3A_295 = arith.addf %get3A_291, %get3A_294 : vector<16xf32>
      %swap3A_296 = arith.index_cast %scan3A_19 : i32 to index
      %swap3A_297 = arith.constant 432 : index
      %swap3A_298 = tpu.vector_load %arg8[%swap3A_296, %swap3A_297] {strides = array<i32>} : memref<64x768xf32, #tpu.memory_space<vmem>>, vector<16xf32>,
      tpu.vector_store %arg8[%swap3A_296, %swap3A_297], %add3A_295 {strides = array<i32>} : memref<64x768xf32, #tpu.memory_space<vmem>>, vector<16xf32>,
      %get3A_299 = arith.index_cast %scan3A_19 : i32 to index
      %get3A_300 = arith.constant 448 : index
      %get3A_301 = tpu.vector_load %arg8[%get3A_299, %get3A_300] {strides = array<i32>} : memref<64x768xf32, #tpu.memory_space<vmem>>, vector<16xf32>,
      %get3A_302 = arith.index_cast %scan3A_19 : i32 to index
      %get3A_303 = arith.constant 448 : index
      %get3A_304 = tpu.vector_load %arg9[%get3A_302, %get3A_303] {strides = array<i32>} : memref<64x768xf32, #tpu.memory_space<vmem>>, vector<16xf32>,
      %add3A_305 = arith.addf %get3A_301, %get3A_304 : vector<16xf32>
      %swap3A_306 = arith.index_cast %scan3A_19 : i32 to index
      %swap3A_307 = arith.constant 448 : index
      %swap3A_308 = tpu.vector_load %arg8[%swap3A_306, %swap3A_307] {strides = array<i32>} : memref<64x768xf32, #tpu.memory_space<vmem>>, vector<16xf32>,
      tpu.vector_store %arg8[%swap3A_306, %swap3A_307], %add3A_305 {strides = array<i32>} : memref<64x768xf32, #tpu.memory_space<vmem>>, vector<16xf32>,
      %get3A_309 = arith.index_cast %scan3A_19 : i32 to index
      %get3A_310 = arith.constant 464 : index
      %get3A_311 = tpu.vector_load %arg8[%get3A_309, %get3A_310] {strides = array<i32>} : memref<64x768xf32, #tpu.memory_space<vmem>>, vector<16xf32>,
      %get3A_312 = arith.index_cast %scan3A_19 : i32 to index
      %get3A_313 = arith.constant 464 : index
      %get3A_314 = tpu.vector_load %arg9[%get3A_312, %get3A_313] {strides = array<i32>} : memref<64x768xf32, #tpu.memory_space<vmem>>, vector<16xf32>,
      %add3A_315 = arith.addf %get3A_311, %get3A_314 : vector<16xf32>
      %swap3A_316 = arith.index_cast %scan3A_19 : i32 to index
      %swap3A_317 = arith.constant 464 : index
      %swap3A_318 = tpu.vector_load %arg8[%swap3A_316, %swap3A_317] {strides = array<i32>} : memref<64x768xf32, #tpu.memory_space<vmem>>, vector<16xf32>,
      tpu.vector_store %arg8[%swap3A_316, %swap3A_317], %add3A_315 {strides = array<i32>} : memref<64x768xf32, #tpu.memory_space<vmem>>, vector<16xf32>,
      %get3A_319 = arith.index_cast %scan3A_19 : i32 to index
      %get3A_320 = arith.constant 480 : index
      %get3A_321 = tpu.vector_load %arg8[%get3A_319, %get3A_320] {strides = array<i32>} : memref<64x768xf32, #tpu.memory_space<vmem>>, vector<16xf32>,
      %get3A_322 = arith.index_cast %scan3A_19 : i32 to index
      %get3A_323 = arith.constant 480 : index
      %get3A_324 = tpu.vector_load %arg9[%get3A_322, %get3A_323] {strides = array<i32>} : memref<64x768xf32, #tpu.memory_space<vmem>>, vector<16xf32>,
      %add3A_325 = arith.addf %get3A_321, %get3A_324 : vector<16xf32>
      %swap3A_326 = arith.index_cast %scan3A_19 : i32 to index
      %swap3A_327 = arith.constant 480 : index
      %swap3A_328 = tpu.vector_load %arg8[%swap3A_326, %swap3A_327] {strides = array<i32>} : memref<64x768xf32, #tpu.memory_space<vmem>>, vector<16xf32>,
      tpu.vector_store %arg8[%swap3A_326, %swap3A_327], %add3A_325 {strides = array<i32>} : memref<64x768xf32, #tpu.memory_space<vmem>>, vector<16xf32>,
      %get3A_329 = arith.index_cast %scan3A_19 : i32 to index
      %get3A_330 = arith.constant 496 : index
      %get3A_331 = tpu.vector_load %arg8[%get3A_329, %get3A_330] {strides = array<i32>} : memref<64x768xf32, #tpu.memory_space<vmem>>, vector<16xf32>,
      %get3A_332 = arith.index_cast %scan3A_19 : i32 to index
      %get3A_333 = arith.constant 496 : index
      %get3A_334 = tpu.vector_load %arg9[%get3A_332, %get3A_333] {strides = array<i32>} : memref<64x768xf32, #tpu.memory_space<vmem>>, vector<16xf32>,
      %add3A_335 = arith.addf %get3A_331, %get3A_334 : vector<16xf32>
      %swap3A_336 = arith.index_cast %scan3A_19 : i32 to index
      %swap3A_337 = arith.constant 496 : index
      %swap3A_338 = tpu.vector_load %arg8[%swap3A_336, %swap3A_337] {strides = array<i32>} : memref<64x768xf32, #tpu.memory_space<vmem>>, vector<16xf32>,
      tpu.vector_store %arg8[%swap3A_336, %swap3A_337], %add3A_335 {strides = array<i32>} : memref<64x768xf32, #tpu.memory_space<vmem>>, vector<16xf32>,
      %get3A_339 = arith.index_cast %scan3A_19 : i32 to index
      %get3A_340 = arith.constant 512 : index
      %get3A_341 = tpu.vector_load %arg8[%get3A_339, %get3A_340] {strides = array<i32>} : memref<64x768xf32, #tpu.memory_space<vmem>>, vector<16xf32>,
      %get3A_342 = arith.index_cast %scan3A_19 : i32 to index
      %get3A_343 = arith.constant 512 : index
      %get3A_344 = tpu.vector_load %arg9[%get3A_342, %get3A_343] {strides = array<i32>} : memref<64x768xf32, #tpu.memory_space<vmem>>, vector<16xf32>,
      %add3A_345 = arith.addf %get3A_341, %get3A_344 : vector<16xf32>
      %swap3A_346 = arith.index_cast %scan3A_19 : i32 to index
      %swap3A_347 = arith.constant 512 : index
      %swap3A_348 = tpu.vector_load %arg8[%swap3A_346, %swap3A_347] {strides = array<i32>} : memref<64x768xf32, #tpu.memory_space<vmem>>, vector<16xf32>,
      tpu.vector_store %arg8[%swap3A_346, %swap3A_347], %add3A_345 {strides = array<i32>} : memref<64x768xf32, #tpu.memory_space<vmem>>, vector<16xf32>,
      %get3A_349 = arith.index_cast %scan3A_19 : i32 to index
      %get3A_350 = arith.constant 528 : index
      %get3A_351 = tpu.vector_load %arg8[%get3A_349, %get3A_350] {strides = array<i32>} : memref<64x768xf32, #tpu.memory_space<vmem>>, vector<16xf32>,
      %get3A_352 = arith.index_cast %scan3A_19 : i32 to index
      %get3A_353 = arith.constant 528 : index
      %get3A_354 = tpu.vector_load %arg9[%get3A_352, %get3A_353] {strides = array<i32>} : memref<64x768xf32, #tpu.memory_space<vmem>>, vector<16xf32>,
      %add3A_355 = arith.addf %get3A_351, %get3A_354 : vector<16xf32>
      %swap3A_356 = arith.index_cast %scan3A_19 : i32 to index
      %swap3A_357 = arith.constant 528 : index
      %swap3A_358 = tpu.vector_load %arg8[%swap3A_356, %swap3A_357] {strides = array<i32>} : memref<64x768xf32, #tpu.memory_space<vmem>>, vector<16xf32>,
      tpu.vector_store %arg8[%swap3A_356, %swap3A_357], %add3A_355 {strides = array<i32>} : memref<64x768xf32, #tpu.memory_space<vmem>>, vector<16xf32>,
      %get3A_359 = arith.index_cast %scan3A_19 : i32 to index
      %get3A_360 = arith.constant 544 : index
      %get3A_361 = tpu.vector_load %arg8[%get3A_359, %get3A_360] {strides = array<i32>} : memref<64x768xf32, #tpu.memory_space<vmem>>, vector<16xf32>,
      %get3A_362 = arith.index_cast %scan3A_19 : i32 to index
      %get3A_363 = arith.constant 544 : index
      %get3A_364 = tpu.vector_load %arg9[%get3A_362, %get3A_363] {strides = array<i32>} : memref<64x768xf32, #tpu.memory_space<vmem>>, vector<16xf32>,
      %add3A_365 = arith.addf %get3A_361, %get3A_364 : vector<16xf32>
      %swap3A_366 = arith.index_cast %scan3A_19 : i32 to index
      %swap3A_367 = arith.constant 544 : index
      %swap3A_368 = tpu.vector_load %arg8[%swap3A_366, %swap3A_367] {strides = array<i32>} : memref<64x768xf32, #tpu.memory_space<vmem>>, vector<16xf32>,
      tpu.vector_store %arg8[%swap3A_366, %swap3A_367], %add3A_365 {strides = array<i32>} : memref<64x768xf32, #tpu.memory_space<vmem>>, vector<16xf32>,
      %get3A_369 = arith.index_cast %scan3A_19 : i32 to index
      %get3A_370 = arith.constant 560 : index
      %get3A_371 = tpu.vector_load %arg8[%get3A_369, %get3A_370] {strides = array<i32>} : memref<64x768xf32, #tpu.memory_space<vmem>>, vector<16xf32>,
      %get3A_372 = arith.index_cast %scan3A_19 : i32 to index
      %get3A_373 = arith.constant 560 : index
      %get3A_374 = tpu.vector_load %arg9[%get3A_372, %get3A_373] {strides = array<i32>} : memref<64x768xf32, #tpu.memory_space<vmem>>, vector<16xf32>,
      %add3A_375 = arith.addf %get3A_371, %get3A_374 : vector<16xf32>
      %swap3A_376 = arith.index_cast %scan3A_19 : i32 to index
      %swap3A_377 = arith.constant 560 : index
      %swap3A_378 = tpu.vector_load %arg8[%swap3A_376, %swap3A_377] {strides = array<i32>} : memref<64x768xf32, #tpu.memory_space<vmem>>, vector<16xf32>,
      tpu.vector_store %arg8[%swap3A_376, %swap3A_377], %add3A_375 {strides = array<i32>} : memref<64x768xf32, #tpu.memory_space<vmem>>, vector<16xf32>,
      %get3A_379 = arith.index_cast %scan3A_19 : i32 to index
      %get3A_380 = arith.constant 576 : index
      %get3A_381 = tpu.vector_load %arg8[%get3A_379, %get3A_380] {strides = array<i32>} : memref<64x768xf32, #tpu.memory_space<vmem>>, vector<16xf32>,
      %get3A_382 = arith.index_cast %scan3A_19 : i32 to index
      %get3A_383 = arith.constant 576 : index
      %get3A_384 = tpu.vector_load %arg9[%get3A_382, %get3A_383] {strides = array<i32>} : memref<64x768xf32, #tpu.memory_space<vmem>>, vector<16xf32>,
      %add3A_385 = arith.addf %get3A_381, %get3A_384 : vector<16xf32>
      %swap3A_386 = arith.index_cast %scan3A_19 : i32 to index
      %swap3A_387 = arith.constant 576 : index
      %swap3A_388 = tpu.vector_load %arg8[%swap3A_386, %swap3A_387] {strides = array<i32>} : memref<64x768xf32, #tpu.memory_space<vmem>>, vector<16xf32>,
      tpu.vector_store %arg8[%swap3A_386, %swap3A_387], %add3A_385 {strides = array<i32>} : memref<64x768xf32, #tpu.memory_space<vmem>>, vector<16xf32>,
      %get3A_389 = arith.index_cast %scan3A_19 : i32 to index
      %get3A_390 = arith.constant 592 : index
      %get3A_391 = tpu.vector_load %arg8[%get3A_389, %get3A_390] {strides = array<i32>} : memref<64x768xf32, #tpu.memory_space<vmem>>, vector<16xf32>,
      %get3A_392 = arith.index_cast %scan3A_19 : i32 to index
      %get3A_393 = arith.constant 592 : index
      %get3A_394 = tpu.vector_load %arg9[%get3A_392, %get3A_393] {strides = array<i32>} : memref<64x768xf32, #tpu.memory_space<vmem>>, vector<16xf32>,
      %add3A_395 = arith.addf %get3A_391, %get3A_394 : vector<16xf32>
      %swap3A_396 = arith.index_cast %scan3A_19 : i32 to index
      %swap3A_397 = arith.constant 592 : index
      %swap3A_398 = tpu.vector_load %arg8[%swap3A_396, %swap3A_397] {strides = array<i32>} : memref<64x768xf32, #tpu.memory_space<vmem>>, vector<16xf32>,
      tpu.vector_store %arg8[%swap3A_396, %swap3A_397], %add3A_395 {strides = array<i32>} : memref<64x768xf32, #tpu.memory_space<vmem>>, vector<16xf32>,
      %get3A_399 = arith.index_cast %scan3A_19 : i32 to index
      %get3A_400 = arith.constant 608 : index
      %get3A_401 = tpu.vector_load %arg8[%get3A_399, %get3A_400] {strides = array<i32>} : memref<64x768xf32, #tpu.memory_space<vmem>>, vector<16xf32>,
      %get3A_402 = arith.index_cast %scan3A_19 : i32 to index
      %get3A_403 = arith.constant 608 : index
      %get3A_404 = tpu.vector_load %arg9[%get3A_402, %get3A_403] {strides = array<i32>} : memref<64x768xf32, #tpu.memory_space<vmem>>, vector<16xf32>,
      %add3A_405 = arith.addf %get3A_401, %get3A_404 : vector<16xf32>
      %swap3A_406 = arith.index_cast %scan3A_19 : i32 to index
      %swap3A_407 = arith.constant 608 : index
      %swap3A_408 = tpu.vector_load %arg8[%swap3A_406, %swap3A_407] {strides = array<i32>} : memref<64x768xf32, #tpu.memory_space<vmem>>, vector<16xf32>,
      tpu.vector_store %arg8[%swap3A_406, %swap3A_407], %add3A_405 {strides = array<i32>} : memref<64x768xf32, #tpu.memory_space<vmem>>, vector<16xf32>,
      %get3A_409 = arith.index_cast %scan3A_19 : i32 to index
      %get3A_410 = arith.constant 624 : index
      %get3A_411 = tpu.vector_load %arg8[%get3A_409, %get3A_410] {strides = array<i32>} : memref<64x768xf32, #tpu.memory_space<vmem>>, vector<16xf32>,
      %get3A_412 = arith.index_cast %scan3A_19 : i32 to index
      %get3A_413 = arith.constant 624 : index
      %get3A_414 = tpu.vector_load %arg9[%get3A_412, %get3A_413] {strides = array<i32>} : memref<64x768xf32, #tpu.memory_space<vmem>>, vector<16xf32>,
      %add3A_415 = arith.addf %get3A_411, %get3A_414 : vector<16xf32>
      %swap3A_416 = arith.index_cast %scan3A_19 : i32 to index
      %swap3A_417 = arith.constant 624 : index
      %swap3A_418 = tpu.vector_load %arg8[%swap3A_416, %swap3A_417] {strides = array<i32>} : memref<64x768xf32, #tpu.memory_space<vmem>>, vector<16xf32>,
      tpu.vector_store %arg8[%swap3A_416, %swap3A_417], %add3A_415 {strides = array<i32>} : memref<64x768xf32, #tpu.memory_space<vmem>>, vector<16xf32>,
      %get3A_419 = arith.index_cast %scan3A_19 : i32 to index
      %get3A_420 = arith.constant 640 : index
      %get3A_421 = tpu.vector_load %arg8[%get3A_419, %get3A_420] {strides = array<i32>} : memref<64x768xf32, #tpu.memory_space<vmem>>, vector<16xf32>,
      %get3A_422 = arith.index_cast %scan3A_19 : i32 to index
      %get3A_423 = arith.constant 640 : index
      %get3A_424 = tpu.vector_load %arg9[%get3A_422, %get3A_423] {strides = array<i32>} : memref<64x768xf32, #tpu.memory_space<vmem>>, vector<16xf32>,
      %add3A_425 = arith.addf %get3A_421, %get3A_424 : vector<16xf32>
      %swap3A_426 = arith.index_cast %scan3A_19 : i32 to index
      %swap3A_427 = arith.constant 640 : index
      %swap3A_428 = tpu.vector_load %arg8[%swap3A_426, %swap3A_427] {strides = array<i32>} : memref<64x768xf32, #tpu.memory_space<vmem>>, vector<16xf32>,
      tpu.vector_store %arg8[%swap3A_426, %swap3A_427], %add3A_425 {strides = array<i32>} : memref<64x768xf32, #tpu.memory_space<vmem>>, vector<16xf32>,
      %get3A_429 = arith.index_cast %scan3A_19 : i32 to index
      %get3A_430 = arith.constant 656 : index
      %get3A_431 = tpu.vector_load %arg8[%get3A_429, %get3A_430] {strides = array<i32>} : memref<64x768xf32, #tpu.memory_space<vmem>>, vector<16xf32>,
      %get3A_432 = arith.index_cast %scan3A_19 : i32 to index
      %get3A_433 = arith.constant 656 : index
      %get3A_434 = tpu.vector_load %arg9[%get3A_432, %get3A_433] {strides = array<i32>} : memref<64x768xf32, #tpu.memory_space<vmem>>, vector<16xf32>,
      %add3A_435 = arith.addf %get3A_431, %get3A_434 : vector<16xf32>
      %swap3A_436 = arith.index_cast %scan3A_19 : i32 to index
      %swap3A_437 = arith.constant 656 : index
      %swap3A_438 = tpu.vector_load %arg8[%swap3A_436, %swap3A_437] {strides = array<i32>} : memref<64x768xf32, #tpu.memory_space<vmem>>, vector<16xf32>,
      tpu.vector_store %arg8[%swap3A_436, %swap3A_437], %add3A_435 {strides = array<i32>} : memref<64x768xf32, #tpu.memory_space<vmem>>, vector<16xf32>,
      %get3A_439 = arith.index_cast %scan3A_19 : i32 to index
      %get3A_440 = arith.constant 672 : index
      %get3A_441 = tpu.vector_load %arg8[%get3A_439, %get3A_440] {strides = array<i32>} : memref<64x768xf32, #tpu.memory_space<vmem>>, vector<16xf32>,
      %get3A_442 = arith.index_cast %scan3A_19 : i32 to index
      %get3A_443 = arith.constant 672 : index
      %get3A_444 = tpu.vector_load %arg9[%get3A_442, %get3A_443] {strides = array<i32>} : memref<64x768xf32, #tpu.memory_space<vmem>>, vector<16xf32>,
      %add3A_445 = arith.addf %get3A_441, %get3A_444 : vector<16xf32>
      %swap3A_446 = arith.index_cast %scan3A_19 : i32 to index
      %swap3A_447 = arith.constant 672 : index
      %swap3A_448 = tpu.vector_load %arg8[%swap3A_446, %swap3A_447] {strides = array<i32>} : memref<64x768xf32, #tpu.memory_space<vmem>>, vector<16xf32>,
      tpu.vector_store %arg8[%swap3A_446, %swap3A_447], %add3A_445 {strides = array<i32>} : memref<64x768xf32, #tpu.memory_space<vmem>>, vector<16xf32>,
      %get3A_449 = arith.index_cast %scan3A_19 : i32 to index
      %get3A_450 = arith.constant 688 : index
      %get3A_451 = tpu.vector_load %arg8[%get3A_449, %get3A_450] {strides = array<i32>} : memref<64x768xf32, #tpu.memory_space<vmem>>, vector<16xf32>,
      %get3A_452 = arith.index_cast %scan3A_19 : i32 to index
      %get3A_453 = arith.constant 688 : index
      %get3A_454 = tpu.vector_load %arg9[%get3A_452, %get3A_453] {strides = array<i32>} : memref<64x768xf32, #tpu.memory_space<vmem>>, vector<16xf32>,
      %add3A_455 = arith.addf %get3A_451, %get3A_454 : vector<16xf32>
      %swap3A_456 = arith.index_cast %scan3A_19 : i32 to index
      %swap3A_457 = arith.constant 688 : index
      %swap3A_458 = tpu.vector_load %arg8[%swap3A_456, %swap3A_457] {strides = array<i32>} : memref<64x768xf32, #tpu.memory_space<vmem>>, vector<16xf32>,
      tpu.vector_store %arg8[%swap3A_456, %swap3A_457], %add3A_455 {strides = array<i32>} : memref<64x768xf32, #tpu.memory_space<vmem>>, vector<16xf32>,
      %get3A_459 = arith.index_cast %scan3A_19 : i32 to index
      %get3A_460 = arith.constant 704 : index
      %get3A_461 = tpu.vector_load %arg8[%get3A_459, %get3A_460] {strides = array<i32>} : memref<64x768xf32, #tpu.memory_space<vmem>>, vector<16xf32>,
      %get3A_462 = arith.index_cast %scan3A_19 : i32 to index
      %get3A_463 = arith.constant 704 : index
      %get3A_464 = tpu.vector_load %arg9[%get3A_462, %get3A_463] {strides = array<i32>} : memref<64x768xf32, #tpu.memory_space<vmem>>, vector<16xf32>,
      %add3A_465 = arith.addf %get3A_461, %get3A_464 : vector<16xf32>
      %swap3A_466 = arith.index_cast %scan3A_19 : i32 to index
      %swap3A_467 = arith.constant 704 : index
      %swap3A_468 = tpu.vector_load %arg8[%swap3A_466, %swap3A_467] {strides = array<i32>} : memref<64x768xf32, #tpu.memory_space<vmem>>, vector<16xf32>,
      tpu.vector_store %arg8[%swap3A_466, %swap3A_467], %add3A_465 {strides = array<i32>} : memref<64x768xf32, #tpu.memory_space<vmem>>, vector<16xf32>,
      %get3A_469 = arith.index_cast %scan3A_19 : i32 to index
      %get3A_470 = arith.constant 720 : index
      %get3A_471 = tpu.vector_load %arg8[%get3A_469, %get3A_470] {strides = array<i32>} : memref<64x768xf32, #tpu.memory_space<vmem>>, vector<16xf32>,
      %get3A_472 = arith.index_cast %scan3A_19 : i32 to index
      %get3A_473 = arith.constant 720 : index
      %get3A_474 = tpu.vector_load %arg9[%get3A_472, %get3A_473] {strides = array<i32>} : memref<64x768xf32, #tpu.memory_space<vmem>>, vector<16xf32>,
      %add3A_475 = arith.addf %get3A_471, %get3A_474 : vector<16xf32>
      %swap3A_476 = arith.index_cast %scan3A_19 : i32 to index
      %swap3A_477 = arith.constant 720 : index
      %swap3A_478 = tpu.vector_load %arg8[%swap3A_476, %swap3A_477] {strides = array<i32>} : memref<64x768xf32, #tpu.memory_space<vmem>>, vector<16xf32>,
      tpu.vector_store %arg8[%swap3A_476, %swap3A_477], %add3A_475 {strides = array<i32>} : memref<64x768xf32, #tpu.memory_space<vmem>>, vector<16xf32>,
      %get3A_479 = arith.index_cast %scan3A_19 : i32 to index
      %get3A_480 = arith.constant 736 : index
      %get3A_481 = tpu.vector_load %arg8[%get3A_479, %get3A_480] {strides = array<i32>} : memref<64x768xf32, #tpu.memory_space<vmem>>, vector<16xf32>,
      %get3A_482 = arith.index_cast %scan3A_19 : i32 to index
      %get3A_483 = arith.constant 736 : index
      %get3A_484 = tpu.vector_load %arg9[%get3A_482, %get3A_483] {strides = array<i32>} : memref<64x768xf32, #tpu.memory_space<vmem>>, vector<16xf32>,
      %add3A_485 = arith.addf %get3A_481, %get3A_484 : vector<16xf32>
      %swap3A_486 = arith.index_cast %scan3A_19 : i32 to index
      %swap3A_487 = arith.constant 736 : index
      %swap3A_488 = tpu.vector_load %arg8[%swap3A_486, %swap3A_487] {strides = array<i32>} : memref<64x768xf32, #tpu.memory_space<vmem>>, vector<16xf32>,
      tpu.vector_store %arg8[%swap3A_486, %swap3A_487], %add3A_485 {strides = array<i32>} : memref<64x768xf32, #tpu.memory_space<vmem>>, vector<16xf32>,
      %get3A_489 = arith.index_cast %scan3A_19 : i32 to index
      %get3A_490 = arith.constant 752 : index
      %get3A_491 = tpu.vector_load %arg8[%get3A_489, %get3A_490] {strides = array<i32>} : memref<64x768xf32, #tpu.memory_space<vmem>>, vector<16xf32>,
      %get3A_492 = arith.index_cast %scan3A_19 : i32 to index
      %get3A_493 = arith.constant 752 : index
      %get3A_494 = tpu.vector_load %arg9[%get3A_492, %get3A_493] {strides = array<i32>} : memref<64x768xf32, #tpu.memory_space<vmem>>, vector<16xf32>,
      %add3A_495 = arith.addf %get3A_491, %get3A_494 : vector<16xf32>
      %swap3A_496 = arith.index_cast %scan3A_19 : i32 to index
      %swap3A_497 = arith.constant 752 : index
      %swap3A_498 = tpu.vector_load %arg8[%swap3A_496, %swap3A_497] {strides = array<i32>} : memref<64x768xf32, #tpu.memory_space<vmem>>, vector<16xf32>,
      tpu.vector_store %arg8[%swap3A_496, %swap3A_497], %add3A_495 {strides = array<i32>} : memref<64x768xf32, #tpu.memory_space<vmem>>, vector<16xf32>,
      %scan3A_499 = arith.constant 0 : i32
      scf.yield %scan3A_499 : i32
    }
    %scan3A_18 = arith.constant 64 : i32
    "tpu.region"() ({
      %run_scoped3A = tpu.sem_alloc : memref<!tpu.dma_semaphore, #tpu.memory_space<semaphore_mem>>
      %dma_start3A_19 = arith.constant 0 : i32
      %dma_start3A_20 = tpu.memref_slice %arg5[%mul3A_2, %dma_start3A_19] : memref<2048x768xf32, #tpu.memory_space<hbm>> -> memref<64x768xf32, #tpu.memory_space<hbm>>
      %dma_start3A_21 = arith.constant 0 : i32
      %dma_start3A_22 = tpu.memref_slice %arg5[%mul3A_2, %dma_start3A_21] : memref<2048x768xf32, #tpu.memory_space<hbm>> -> memref<64x768xf32, #tpu.memory_space<hbm>>
      tpu.enqueue_dma source(%arg8 : memref<64x768xf32, #tpu.memory_space<vmem>>) target(%dma_start3A_22 : memref<64x768xf32, #tpu.memory_space<hbm>>) target_semaphore(%run_scoped3A : memref<!tpu.dma_semaphore, #tpu.memory_space<semaphore_mem>>)
      %dma_wait3A_23 = arith.constant 0 : i32
      %dma_wait3A_24 = tpu.memref_slice %arg5[%mul3A_2, %dma_wait3A_23] : memref<2048x768xf32, #tpu.memory_space<hbm>> -> memref<64x768xf32, #tpu.memory_space<hbm>>
      %dma_wait3A_25 = arith.constant 0 : i32
      %dma_wait3A_26 = tpu.memref_slice %arg5[%mul3A_2, %dma_wait3A_25] : memref<2048x768xf32, #tpu.memory_space<hbm>> -> memref<64x768xf32, #tpu.memory_space<hbm>>
      tpu.wait_dma2 semaphore(%run_scoped3A : memref<!tpu.dma_semaphore, #tpu.memory_space<semaphore_mem>>) src(%arg8 : memref<64x768xf32, #tpu.memory_space<vmem>>) dst(%dma_wait3A_26 : memref<64x768xf32, #tpu.memory_space<hbm>>)
      tpu.yield
    }) : () -> ()
    return
  }
}

module attributes {stable_mosaic.version = 14 : i64} {
  func.func @_gate_body(%arg0: memref<2048x768xf32, #tpu.memory_space<vmem>>, %arg1: memref<768x64xf32, #tpu.memory_space<vmem>>, %arg2: memref<64x64xf32, #tpu.memory_space<vmem>>, %arg3: memref<512x512xbf16, #tpu.memory_space<vmem>>, %arg4: memref<2048x1xi32, #tpu.memory_space<vmem>>, %arg5: memref<2048x1xi32, #tpu.memory_space<vmem>>, %arg6: memref<2048x1xf32, #tpu.memory_space<vmem>>, %arg7: memref<2048x1xf32, #tpu.memory_space<vmem>>, %arg8: memref<1x64xf32, #tpu.memory_space<vmem>>, %arg9: memref<1x64xf32, #tpu.memory_space<vmem>>, %arg10: memref<1x1xf32, #tpu.memory_space<vmem>>, %arg11: memref<96x1xi32, #tpu.memory_space<vmem>>, %arg12: memref<1x1xi32, #tpu.memory_space<vmem>>) attributes {dimension_semantics = [], scalar_prefetch = 0 : i64, scratch_operands = 0 : i64, tpu.core_type = #tpu.core_type<tc>} {
    %get3A = arith.constant 0 : index
    %get3A_0 = arith.constant 0 : index
    %get3A_1 = vector.load %arg0[%get3A, %get3A_0] : memref<2048x768xf32, #tpu.memory_space<vmem>>, vector<2048x768xf32>
    %get3A_2 = arith.constant 0 : index
    %get3A_3 = arith.constant 0 : index
    %get3A_4 = vector.load %arg1[%get3A_2, %get3A_3] : memref<768x64xf32, #tpu.memory_space<vmem>>, vector<768x64xf32>
    %dot_general3A = arith.constant dense<0.000000e+00> : vector<2048x64xf32>
    %dot_general3A_5 = tpu.matmul %get3A_1, %get3A_4, %dot_general3A {dimension_numbers = #tpu.dot_dimension_numbers<[1], [0], [0], [1], [0, 0, 1, 1], [], []>, transpose_lhs_hint = false} : vector<2048x768xf32>, vector<768x64xf32>, vector<2048x64xf32> -> vector<2048x64xf32>
    %tanh3A = math.tanh %dot_general3A_5 : vector<2048x64xf32>
    %get3A_6 = arith.constant 0 : index
    %get3A_7 = arith.constant 0 : index
    %get3A_8 = vector.load %arg2[%get3A_6, %get3A_7] : memref<64x64xf32, #tpu.memory_space<vmem>>, vector<64x64xf32>
    %dot_general3A_9 = arith.constant dense<0.000000e+00> : vector<2048x64xf32>
    %dot_general3A_10 = tpu.matmul %tanh3A, %get3A_8, %dot_general3A_9 {dimension_numbers = #tpu.dot_dimension_numbers<[1], [0], [0], [1], [0, 0, 1, 1], [], []>, transpose_lhs_hint = false} : vector<2048x64xf32>, vector<64x64xf32>, vector<2048x64xf32> -> vector<2048x64xf32>
    %iota3A = tpu.iota {dimensions = array<i32: 1>} : vector<2048x64xi32>
    %convert_element_type3A = arith.sitofp %iota3A : vector<2048x64xi32> to vector<2048x64xf32>
    %reduce_max3A = arith.constant dense<0xFF800000> : vector<2048xf32>
    %reduce_max3A_11 = vector.multi_reduction <maximumf>, %dot_general3A_10, %reduce_max3A [1] : vector<2048x64xf32> to vector<2048xf32>
    %broadcast_in_dim3A = vector.shape_cast %reduce_max3A_11 : vector<2048xf32> to vector<2048x1xf32>
    %eq3A = vector.broadcast %broadcast_in_dim3A : vector<2048x1xf32> to vector<2048x64xf32>
    %eq3A_12 = arith.cmpf oeq, %dot_general3A_10, %eq3A : vector<2048x64xf32>
    %jit3A = arith.constant 6.400000e+01 : f32
    %broadcast_in_dim3A_13 = vector.broadcast %jit3A : f32 to vector<2048x64xf32>
    %select_n3A = arith.select %eq3A_12, %convert_element_type3A, %broadcast_in_dim3A_13 : vector<2048x64xi1>, vector<2048x64xf32>
    %reduce_min3A = arith.constant dense<0x7F800000> : vector<2048xf32>
    %reduce_min3A_14 = vector.multi_reduction <minimumf>, %select_n3A, %reduce_min3A [1] : vector<2048x64xf32> to vector<2048xf32>
    %broadcast_in_dim3A_15 = vector.shape_cast %reduce_min3A_14 : vector<2048xf32> to vector<2048x1xf32>
    %eq3A_16 = vector.broadcast %broadcast_in_dim3A_15 : vector<2048x1xf32> to vector<2048x64xf32>
    %eq3A_17 = arith.cmpf oeq, %convert_element_type3A, %eq3A_16 : vector<2048x64xf32>
    %jit3A_18 = arith.constant 0xFF800000 : f32
    %broadcast_in_dim3A_19 = vector.broadcast %jit3A_18 : f32 to vector<2048x64xf32>
    %select_n3A_20 = arith.select %eq3A_17, %broadcast_in_dim3A_19, %dot_general3A_10 : vector<2048x64xi1>, vector<2048x64xf32>
    %reduce_max3A_21 = arith.constant dense<0xFF800000> : vector<2048xf32>
    %reduce_max3A_22 = vector.multi_reduction <maximumf>, %select_n3A_20, %reduce_max3A_21 [1] : vector<2048x64xf32> to vector<2048xf32>
    %broadcast_in_dim3A_23 = vector.shape_cast %reduce_max3A_22 : vector<2048xf32> to vector<2048x1xf32>
    %eq3A_24 = vector.broadcast %broadcast_in_dim3A_23 : vector<2048x1xf32> to vector<2048x64xf32>
    %eq3A_25 = arith.cmpf oeq, %select_n3A_20, %eq3A_24 : vector<2048x64xf32>
    %jit3A_26 = arith.constant 6.400000e+01 : f32
    %broadcast_in_dim3A_27 = vector.broadcast %jit3A_26 : f32 to vector<2048x64xf32>
    %select_n3A_28 = arith.select %eq3A_25, %convert_element_type3A, %broadcast_in_dim3A_27 : vector<2048x64xi1>, vector<2048x64xf32>
    %reduce_min3A_29 = arith.constant dense<0x7F800000> : vector<2048xf32>
    %reduce_min3A_30 = vector.multi_reduction <minimumf>, %select_n3A_28, %reduce_min3A_29 [1] : vector<2048x64xf32> to vector<2048xf32>
    %broadcast_in_dim3A_31 = vector.shape_cast %reduce_min3A_30 : vector<2048xf32> to vector<2048x1xf32>
    %eq3A_32 = vector.broadcast %broadcast_in_dim3A_31 : vector<2048x1xf32> to vector<2048x64xf32>
    %eq3A_33 = arith.cmpf oeq, %convert_element_type3A, %eq3A_32 : vector<2048x64xf32>
    %sub3A = arith.subf %broadcast_in_dim3A_23, %broadcast_in_dim3A : vector<2048x1xf32>
    %exp3A = math.exp %sub3A : vector<2048x1xf32>
    %add3A = arith.constant 1.000000e+00 : f32
    %add3A_34 = vector.broadcast %add3A : f32 to vector<2048x1xf32>
    %add3A_35 = arith.addf %add3A_34, %exp3A : vector<2048x1xf32>
    %div3A = arith.constant 1.000000e+00 : f32
    %div3A_36 = vector.broadcast %div3A : f32 to vector<2048x1xf32>
    %div3A_37 = arith.divf %div3A_36, %add3A_35 : vector<2048x1xf32>
    %add3A_38 = arith.constant 1.000000e+00 : f32
    %add3A_39 = vector.broadcast %add3A_38 : f32 to vector<2048x1xf32>
    %add3A_40 = arith.addf %add3A_39, %exp3A : vector<2048x1xf32>
    %div3A_41 = arith.divf %exp3A, %add3A_40 : vector<2048x1xf32>
    %convert_element_type3A_42 = arith.extui %eq3A_17 : vector<2048x64xi1> to vector<2048x64xi32>
    %convert_element_type3A_43 = arith.sitofp %convert_element_type3A_42 : vector<2048x64xi32> to vector<2048x64xf32>
    %convert_element_type3A_44 = arith.extui %eq3A_33 : vector<2048x64xi1> to vector<2048x64xi32>
    %convert_element_type3A_45 = arith.sitofp %convert_element_type3A_44 : vector<2048x64xi32> to vector<2048x64xf32>
    %add3A_46 = arith.addf %convert_element_type3A_43, %convert_element_type3A_45 : vector<2048x64xf32>
    %reduce_sum3A = arith.constant dense<0.000000e+00> : vector<64xf32>
    %reduce_sum3A_47 = vector.multi_reduction <add>, %add3A_46, %reduce_sum3A [0] : vector<2048x64xf32> to vector<64xf32>
    %broadcast_in_dim3A_48 = vector.shape_cast %reduce_sum3A_47 : vector<64xf32> to vector<1x64xf32>
    %mul3A = vector.broadcast %div3A_37 : vector<2048x1xf32> to vector<2048x64xf32>
    %mul3A_49 = arith.mulf %convert_element_type3A_43, %mul3A : vector<2048x64xf32>
    %mul3A_50 = vector.broadcast %div3A_41 : vector<2048x1xf32> to vector<2048x64xf32>
    %mul3A_51 = arith.mulf %convert_element_type3A_45, %mul3A_50 : vector<2048x64xf32>
    %add3A_52 = arith.addf %mul3A_49, %mul3A_51 : vector<2048x64xf32>
    %reduce_sum3A_53 = arith.constant dense<0.000000e+00> : vector<64xf32>
    %reduce_sum3A_54 = vector.multi_reduction <add>, %add3A_52, %reduce_sum3A_53 [0] : vector<2048x64xf32> to vector<64xf32>
    %broadcast_in_dim3A_55 = vector.shape_cast %reduce_sum3A_54 : vector<64xf32> to vector<1x64xf32>
    %get3A_56 = arith.constant 0 : index
    %get3A_57 = arith.constant 0 : index
    %get3A_58 = vector.load %arg3[%get3A_56, %get3A_57] : memref<512x512xbf16, #tpu.memory_space<vmem>>, vector<512x512xbf16>
    %broadcast_in_dim3A_59 = arith.constant 0.000000e+00 : f32
    %broadcast_in_dim3A_60 = vector.broadcast %broadcast_in_dim3A_59 : f32 to vector<1x64xf32>
    %slice3A = vector.extract_strided_slice %add3A_46 {offsets = [0, 0], sizes = [512, 64], strides = [1, 1]} : vector<2048x64xf32> to vector<512x64xf32>
    %convert_element_type3A_61 = arith.truncf %slice3A : vector<512x64xf32> to vector<512x64xbf16>
    %dot_general3A_62 = arith.constant dense<0.000000e+00> : vector<512x64xf32>
    %dot_general3A_63 = tpu.matmul %get3A_58, %convert_element_type3A_61, %dot_general3A_62 {dimension_numbers = #tpu.dot_dimension_numbers<[1], [0], [0], [1], [0, 0, 1, 1], [], []>, transpose_lhs_hint = false} : vector<512x512xbf16>, vector<512x64xbf16>, vector<512x64xf32> -> vector<512x64xf32>
    %add3A_64 = vector.broadcast %broadcast_in_dim3A_60 : vector<1x64xf32> to vector<512x64xf32>
    %add3A_65 = arith.addf %dot_general3A_63, %add3A_64 : vector<512x64xf32>
    %reduce_sum3A_66 = arith.constant dense<0.000000e+00> : vector<64xf32>
    %reduce_sum3A_67 = vector.multi_reduction <add>, %slice3A, %reduce_sum3A_66 [0] : vector<512x64xf32> to vector<64xf32>
    %broadcast_in_dim3A_68 = vector.shape_cast %reduce_sum3A_67 : vector<64xf32> to vector<1x64xf32>
    %add3A_69 = arith.addf %broadcast_in_dim3A_60, %broadcast_in_dim3A_68 : vector<1x64xf32>
    %slice3A_70 = vector.extract_strided_slice %add3A_46 {offsets = [512, 0], sizes = [512, 64], strides = [1, 1]} : vector<2048x64xf32> to vector<512x64xf32>
    %convert_element_type3A_71 = arith.truncf %slice3A_70 : vector<512x64xf32> to vector<512x64xbf16>
    %dot_general3A_72 = arith.constant dense<0.000000e+00> : vector<512x64xf32>
    %dot_general3A_73 = tpu.matmul %get3A_58, %convert_element_type3A_71, %dot_general3A_72 {dimension_numbers = #tpu.dot_dimension_numbers<[1], [0], [0], [1], [0, 0, 1, 1], [], []>, transpose_lhs_hint = false} : vector<512x512xbf16>, vector<512x64xbf16>, vector<512x64xf32> -> vector<512x64xf32>
    %add3A_74 = vector.broadcast %add3A_69 : vector<1x64xf32> to vector<512x64xf32>
    %add3A_75 = arith.addf %dot_general3A_73, %add3A_74 : vector<512x64xf32>
    %reduce_sum3A_76 = arith.constant dense<0.000000e+00> : vector<64xf32>
    %reduce_sum3A_77 = vector.multi_reduction <add>, %slice3A_70, %reduce_sum3A_76 [0] : vector<512x64xf32> to vector<64xf32>
    %broadcast_in_dim3A_78 = vector.shape_cast %reduce_sum3A_77 : vector<64xf32> to vector<1x64xf32>
    %add3A_79 = arith.addf %add3A_69, %broadcast_in_dim3A_78 : vector<1x64xf32>
    %slice3A_80 = vector.extract_strided_slice %add3A_46 {offsets = [1024, 0], sizes = [512, 64], strides = [1, 1]} : vector<2048x64xf32> to vector<512x64xf32>
    %convert_element_type3A_81 = arith.truncf %slice3A_80 : vector<512x64xf32> to vector<512x64xbf16>
    %dot_general3A_82 = arith.constant dense<0.000000e+00> : vector<512x64xf32>
    %dot_general3A_83 = tpu.matmul %get3A_58, %convert_element_type3A_81, %dot_general3A_82 {dimension_numbers = #tpu.dot_dimension_numbers<[1], [0], [0], [1], [0, 0, 1, 1], [], []>, transpose_lhs_hint = false} : vector<512x512xbf16>, vector<512x64xbf16>, vector<512x64xf32> -> vector<512x64xf32>
    %add3A_84 = vector.broadcast %add3A_79 : vector<1x64xf32> to vector<512x64xf32>
    %add3A_85 = arith.addf %dot_general3A_83, %add3A_84 : vector<512x64xf32>
    %reduce_sum3A_86 = arith.constant dense<0.000000e+00> : vector<64xf32>
    %reduce_sum3A_87 = vector.multi_reduction <add>, %slice3A_80, %reduce_sum3A_86 [0] : vector<512x64xf32> to vector<64xf32>
    %broadcast_in_dim3A_88 = vector.shape_cast %reduce_sum3A_87 : vector<64xf32> to vector<1x64xf32>
    %add3A_89 = arith.addf %add3A_79, %broadcast_in_dim3A_88 : vector<1x64xf32>
    %slice3A_90 = vector.extract_strided_slice %add3A_46 {offsets = [1536, 0], sizes = [512, 64], strides = [1, 1]} : vector<2048x64xf32> to vector<512x64xf32>
    %convert_element_type3A_91 = arith.truncf %slice3A_90 : vector<512x64xf32> to vector<512x64xbf16>
    %dot_general3A_92 = arith.constant dense<0.000000e+00> : vector<512x64xf32>
    %dot_general3A_93 = tpu.matmul %get3A_58, %convert_element_type3A_91, %dot_general3A_92 {dimension_numbers = #tpu.dot_dimension_numbers<[1], [0], [0], [1], [0, 0, 1, 1], [], []>, transpose_lhs_hint = false} : vector<512x512xbf16>, vector<512x64xbf16>, vector<512x64xf32> -> vector<512x64xf32>
    %add3A_94 = vector.broadcast %add3A_89 : vector<1x64xf32> to vector<512x64xf32>
    %add3A_95 = arith.addf %dot_general3A_93, %add3A_94 : vector<512x64xf32>
    %concatenate3A = tpu.concatenate %add3A_65, %add3A_75, %add3A_85, %add3A_95 in 0 : vector<512x64xf32>, vector<512x64xf32>, vector<512x64xf32>, vector<512x64xf32> -> vector<2048x64xf32>
    %jit3A_96 = arith.constant 0.000000e+00 : f32
    %broadcast_in_dim3A_97 = vector.broadcast %jit3A_96 : f32 to vector<2048x64xf32>
    %select_n3A_98 = arith.select %eq3A_17, %concatenate3A, %broadcast_in_dim3A_97 : vector<2048x64xi1>, vector<2048x64xf32>
    %reduce_sum3A_99 = arith.constant dense<0.000000e+00> : vector<2048xf32>
    %reduce_sum3A_100 = vector.multi_reduction <add>, %select_n3A_98, %reduce_sum3A_99 [1] : vector<2048x64xf32> to vector<2048xf32>
    %broadcast_in_dim3A_101 = vector.shape_cast %reduce_sum3A_100 : vector<2048xf32> to vector<2048x1xf32>
    %jit3A_102 = arith.constant 0.000000e+00 : f32
    %broadcast_in_dim3A_103 = vector.broadcast %jit3A_102 : f32 to vector<2048x64xf32>
    %select_n3A_104 = arith.select %eq3A_33, %concatenate3A, %broadcast_in_dim3A_103 : vector<2048x64xi1>, vector<2048x64xf32>
    %reduce_sum3A_105 = arith.constant dense<0.000000e+00> : vector<2048xf32>
    %reduce_sum3A_106 = vector.multi_reduction <add>, %select_n3A_104, %reduce_sum3A_105 [1] : vector<2048x64xf32> to vector<2048xf32>
    %broadcast_in_dim3A_107 = vector.shape_cast %reduce_sum3A_106 : vector<2048xf32> to vector<2048x1xf32>
    %div3A_108 = arith.constant 1.280000e+02 : f32
    %div3A_109 = vector.broadcast %div3A_108 : f32 to vector<1x64xf32>
    %div3A_110 = arith.divf %broadcast_in_dim3A_48, %div3A_109 : vector<1x64xf32>
    %ceil3A = math.ceil %div3A_110 : vector<1x64xf32>
    %mul3A_111 = arith.constant 1.280000e+02 : f32
    %mul3A_112 = vector.broadcast %mul3A_111 : f32 to vector<1x64xf32>
    %mul3A_113 = arith.mulf %ceil3A, %mul3A_112 : vector<1x64xf32>
    %broadcast_in_dim3A_114 = arith.constant 0.000000e+00 : f32
    %broadcast_in_dim3A_115 = vector.broadcast %broadcast_in_dim3A_114 : f32 to vector<1x1xf32>
    %slice3A_116 = vector.extract_strided_slice %mul3A_113 {offsets = [0, 0], sizes = [1, 63], strides = [1, 1]} : vector<1x64xf32> to vector<1x63xf32>
    %concatenate3A_117 = tpu.concatenate %broadcast_in_dim3A_115, %slice3A_116 in 1 : vector<1x1xf32>, vector<1x63xf32> -> vector<1x64xf32>
    %add3A_118 = arith.addf %mul3A_113, %concatenate3A_117 : vector<1x64xf32>
    %broadcast_in_dim3A_119 = arith.constant 0.000000e+00 : f32
    %broadcast_in_dim3A_120 = vector.broadcast %broadcast_in_dim3A_119 : f32 to vector<1x2xf32>
    %slice3A_121 = vector.extract_strided_slice %add3A_118 {offsets = [0, 0], sizes = [1, 62], strides = [1, 1]} : vector<1x64xf32> to vector<1x62xf32>
    %concatenate3A_122 = tpu.concatenate %broadcast_in_dim3A_120, %slice3A_121 in 1 : vector<1x2xf32>, vector<1x62xf32> -> vector<1x64xf32>
    %add3A_123 = arith.addf %add3A_118, %concatenate3A_122 : vector<1x64xf32>
    %broadcast_in_dim3A_124 = arith.constant 0.000000e+00 : f32
    %broadcast_in_dim3A_125 = vector.broadcast %broadcast_in_dim3A_124 : f32 to vector<1x4xf32>
    %slice3A_126 = vector.extract_strided_slice %add3A_123 {offsets = [0, 0], sizes = [1, 60], strides = [1, 1]} : vector<1x64xf32> to vector<1x60xf32>
    %concatenate3A_127 = tpu.concatenate %broadcast_in_dim3A_125, %slice3A_126 in 1 : vector<1x4xf32>, vector<1x60xf32> -> vector<1x64xf32>
    %add3A_128 = arith.addf %add3A_123, %concatenate3A_127 : vector<1x64xf32>
    %broadcast_in_dim3A_129 = arith.constant 0.000000e+00 : f32
    %broadcast_in_dim3A_130 = vector.broadcast %broadcast_in_dim3A_129 : f32 to vector<1x8xf32>
    %slice3A_131 = vector.extract_strided_slice %add3A_128 {offsets = [0, 0], sizes = [1, 56], strides = [1, 1]} : vector<1x64xf32> to vector<1x56xf32>
    %concatenate3A_132 = tpu.concatenate %broadcast_in_dim3A_130, %slice3A_131 in 1 : vector<1x8xf32>, vector<1x56xf32> -> vector<1x64xf32>
    %add3A_133 = arith.addf %add3A_128, %concatenate3A_132 : vector<1x64xf32>
    %broadcast_in_dim3A_134 = arith.constant 0.000000e+00 : f32
    %broadcast_in_dim3A_135 = vector.broadcast %broadcast_in_dim3A_134 : f32 to vector<1x16xf32>
    %slice3A_136 = vector.extract_strided_slice %add3A_133 {offsets = [0, 0], sizes = [1, 48], strides = [1, 1]} : vector<1x64xf32> to vector<1x48xf32>
    %concatenate3A_137 = tpu.concatenate %broadcast_in_dim3A_135, %slice3A_136 in 1 : vector<1x16xf32>, vector<1x48xf32> -> vector<1x64xf32>
    %add3A_138 = arith.addf %add3A_133, %concatenate3A_137 : vector<1x64xf32>
    %broadcast_in_dim3A_139 = arith.constant 0.000000e+00 : f32
    %broadcast_in_dim3A_140 = vector.broadcast %broadcast_in_dim3A_139 : f32 to vector<1x32xf32>
    %slice3A_141 = vector.extract_strided_slice %add3A_138 {offsets = [0, 0], sizes = [1, 32], strides = [1, 1]} : vector<1x64xf32> to vector<1x32xf32>
    %concatenate3A_142 = tpu.concatenate %broadcast_in_dim3A_140, %slice3A_141 in 1 : vector<1x32xf32>, vector<1x32xf32> -> vector<1x64xf32>
    %add3A_143 = arith.addf %add3A_138, %concatenate3A_142 : vector<1x64xf32>
    %sub3A_144 = arith.subf %add3A_143, %mul3A_113 : vector<1x64xf32>
    %broadcast_in_dim3A_145 = vector.shape_cast %sub3A_144 : vector<1x64xf32> to vector<1x64xf32>
    %broadcast_in_dim3A_146 = vector.broadcast %broadcast_in_dim3A_145 : vector<1x64xf32> to vector<2048x64xf32>
    %jit3A_147 = arith.constant 0.000000e+00 : f32
    %broadcast_in_dim3A_148 = vector.broadcast %jit3A_147 : f32 to vector<2048x64xf32>
    %select_n3A_149 = arith.select %eq3A_17, %broadcast_in_dim3A_146, %broadcast_in_dim3A_148 : vector<2048x64xi1>, vector<2048x64xf32>
    %reduce_sum3A_150 = arith.constant dense<0.000000e+00> : vector<2048xf32>
    %reduce_sum3A_151 = vector.multi_reduction <add>, %select_n3A_149, %reduce_sum3A_150 [1] : vector<2048x64xf32> to vector<2048xf32>
    %broadcast_in_dim3A_152 = vector.shape_cast %reduce_sum3A_151 : vector<2048xf32> to vector<2048x1xf32>
    %jit3A_153 = arith.constant 0.000000e+00 : f32
    %broadcast_in_dim3A_154 = vector.broadcast %jit3A_153 : f32 to vector<2048x64xf32>
    %select_n3A_155 = arith.select %eq3A_33, %broadcast_in_dim3A_146, %broadcast_in_dim3A_154 : vector<2048x64xi1>, vector<2048x64xf32>
    %reduce_sum3A_156 = arith.constant dense<0.000000e+00> : vector<2048xf32>
    %reduce_sum3A_157 = vector.multi_reduction <add>, %select_n3A_155, %reduce_sum3A_156 [1] : vector<2048x64xf32> to vector<2048xf32>
    %broadcast_in_dim3A_158 = vector.shape_cast %reduce_sum3A_157 : vector<2048xf32> to vector<2048x1xf32>
    %add3A_159 = arith.addf %broadcast_in_dim3A_152, %broadcast_in_dim3A_101 : vector<2048x1xf32>
    %convert_element_type3A_160 = arith.fptosi %add3A_159 : vector<2048x1xf32> to vector<2048x1xi32>
    %swap3A = arith.constant 0 : index
    %swap3A_161 = arith.constant 0 : index
    %swap3A_162 = vector.load %arg4[%swap3A, %swap3A_161] : memref<2048x1xi32, #tpu.memory_space<vmem>>, vector<2048x1xi32>
    tpu.vector_store %arg4[%swap3A, %swap3A_161], %convert_element_type3A_160 {strides = array<i32>} : memref<2048x1xi32, #tpu.memory_space<vmem>>, vector<2048x1xi32>,
    %add3A_163 = arith.addf %broadcast_in_dim3A_158, %broadcast_in_dim3A_107 : vector<2048x1xf32>
    %convert_element_type3A_164 = arith.fptosi %add3A_163 : vector<2048x1xf32> to vector<2048x1xi32>
    %swap3A_165 = arith.constant 0 : index
    %swap3A_166 = arith.constant 0 : index
    %swap3A_167 = vector.load %arg5[%swap3A_165, %swap3A_166] : memref<2048x1xi32, #tpu.memory_space<vmem>>, vector<2048x1xi32>
    tpu.vector_store %arg5[%swap3A_165, %swap3A_166], %convert_element_type3A_164 {strides = array<i32>} : memref<2048x1xi32, #tpu.memory_space<vmem>>, vector<2048x1xi32>,
    %swap3A_168 = arith.constant 0 : index
    %swap3A_169 = arith.constant 0 : index
    %swap3A_170 = vector.load %arg6[%swap3A_168, %swap3A_169] : memref<2048x1xf32, #tpu.memory_space<vmem>>, vector<2048x1xf32>
    tpu.vector_store %arg6[%swap3A_168, %swap3A_169], %div3A_37 {strides = array<i32>} : memref<2048x1xf32, #tpu.memory_space<vmem>>, vector<2048x1xf32>,
    %swap3A_171 = arith.constant 0 : index
    %swap3A_172 = arith.constant 0 : index
    %swap3A_173 = vector.load %arg7[%swap3A_171, %swap3A_172] : memref<2048x1xf32, #tpu.memory_space<vmem>>, vector<2048x1xf32>
    tpu.vector_store %arg7[%swap3A_171, %swap3A_172], %div3A_41 {strides = array<i32>} : memref<2048x1xf32, #tpu.memory_space<vmem>>, vector<2048x1xf32>,
    %swap3A_174 = arith.constant 0 : index
    %swap3A_175 = arith.constant 0 : index
    %swap3A_176 = vector.load %arg8[%swap3A_174, %swap3A_175] : memref<1x64xf32, #tpu.memory_space<vmem>>, vector<1x64xf32>
    tpu.vector_store %arg8[%swap3A_174, %swap3A_175], %broadcast_in_dim3A_48 {strides = array<i32>} : memref<1x64xf32, #tpu.memory_space<vmem>>, vector<1x64xf32>,
    %swap3A_177 = arith.constant 0 : index
    %swap3A_178 = arith.constant 0 : index
    %swap3A_179 = vector.load %arg9[%swap3A_177, %swap3A_178] : memref<1x64xf32, #tpu.memory_space<vmem>>, vector<1x64xf32>
    tpu.vector_store %arg9[%swap3A_177, %swap3A_178], %broadcast_in_dim3A_55 {strides = array<i32>} : memref<1x64xf32, #tpu.memory_space<vmem>>, vector<1x64xf32>,
    %reduce_sum3A_180 = arith.constant dense<0.000000e+00> : vector<1xf32>
    %reduce_sum3A_181 = vector.multi_reduction <add>, %mul3A_113, %reduce_sum3A_180 [1] : vector<1x64xf32> to vector<1xf32>
    %broadcast_in_dim3A_182 = vector.shape_cast %reduce_sum3A_181 : vector<1xf32> to vector<1x1xf32>
    %div3A_183 = arith.constant 1.280000e+02 : f32
    %div3A_184 = vector.broadcast %div3A_183 : f32 to vector<1x1xf32>
    %div3A_185 = arith.divf %broadcast_in_dim3A_182, %div3A_184 : vector<1x1xf32>
    %convert_element_type3A_186 = arith.fptosi %div3A_185 : vector<1x1xf32> to vector<1x1xi32>
    %swap3A_187 = arith.constant 0 : index
    %swap3A_188 = arith.constant 0 : index
    %swap3A_189 = vector.load %arg12[%swap3A_187, %swap3A_188] : memref<1x1xi32, #tpu.memory_space<vmem>>, vector<1x1xi32>
    tpu.vector_store %arg12[%swap3A_187, %swap3A_188], %convert_element_type3A_186 {strides = array<i32>} : memref<1x1xi32, #tpu.memory_space<vmem>>, vector<1x1xi32>,
    %iota3A_190 = tpu.iota {dimensions = array<i32: 0>} : vector<96x64xi32>
    %convert_element_type3A_191 = arith.sitofp %iota3A_190 : vector<96x64xi32> to vector<96x64xf32>
    %mul3A_192 = arith.constant 1.280000e+02 : f32
    %mul3A_193 = vector.broadcast %mul3A_192 : f32 to vector<96x64xf32>
    %mul3A_194 = arith.mulf %convert_element_type3A_191, %mul3A_193 : vector<96x64xf32>
    %broadcast_in_dim3A_195 = vector.shape_cast %sub3A_144 : vector<1x64xf32> to vector<1x64xf32>
    %broadcast_in_dim3A_196 = vector.broadcast %broadcast_in_dim3A_195 : vector<1x64xf32> to vector<96x64xf32>
    %le3A = arith.cmpf ole, %broadcast_in_dim3A_196, %mul3A_194 : vector<96x64xf32>
    %convert_element_type3A_197 = arith.extui %le3A : vector<96x64xi1> to vector<96x64xi32>
    %convert_element_type3A_198 = arith.sitofp %convert_element_type3A_197 : vector<96x64xi32> to vector<96x64xf32>
    %reduce_sum3A_199 = arith.constant dense<0.000000e+00> : vector<96xf32>
    %reduce_sum3A_200 = vector.multi_reduction <add>, %convert_element_type3A_198, %reduce_sum3A_199 [1] : vector<96x64xf32> to vector<96xf32>
    %broadcast_in_dim3A_201 = vector.shape_cast %reduce_sum3A_200 : vector<96xf32> to vector<96x1xf32>
    %sub3A_202 = arith.constant 1.000000e+00 : f32
    %sub3A_203 = vector.broadcast %sub3A_202 : f32 to vector<96x1xf32>
    %sub3A_204 = arith.subf %broadcast_in_dim3A_201, %sub3A_203 : vector<96x1xf32>
    %convert_element_type3A_205 = arith.fptosi %sub3A_204 : vector<96x1xf32> to vector<96x1xi32>
    %swap3A_206 = arith.constant 0 : index
    %swap3A_207 = arith.constant 0 : index
    %swap3A_208 = vector.load %arg11[%swap3A_206, %swap3A_207] : memref<96x1xi32, #tpu.memory_space<vmem>>, vector<96x1xi32>
    tpu.vector_store %arg11[%swap3A_206, %swap3A_207], %convert_element_type3A_205 {strides = array<i32>} : memref<96x1xi32, #tpu.memory_space<vmem>>, vector<96x1xi32>,
    %reduce_sum3A_209 = arith.constant dense<0.000000e+00> : vector<1xf32>
    %reduce_sum3A_210 = vector.multi_reduction <add>, %broadcast_in_dim3A_55, %reduce_sum3A_209 [1] : vector<1x64xf32> to vector<1xf32>
    %broadcast_in_dim3A_211 = vector.shape_cast %reduce_sum3A_210 : vector<1xf32> to vector<1x1xf32>
    %div3A_212 = arith.constant 6.400000e+01 : f32
    %div3A_213 = vector.broadcast %div3A_212 : f32 to vector<1x1xf32>
    %div3A_214 = arith.divf %broadcast_in_dim3A_211, %div3A_213 : vector<1x1xf32>
    %sub3A_215 = vector.broadcast %div3A_214 : vector<1x1xf32> to vector<1x64xf32>
    %sub3A_216 = arith.subf %broadcast_in_dim3A_55, %sub3A_215 : vector<1x64xf32>
    %integer_pow3A = arith.mulf %sub3A_216, %sub3A_216 : vector<1x64xf32>
    %reduce_sum3A_217 = arith.constant dense<0.000000e+00> : vector<1xf32>
    %reduce_sum3A_218 = vector.multi_reduction <add>, %integer_pow3A, %reduce_sum3A_217 [1] : vector<1x64xf32> to vector<1xf32>
    %broadcast_in_dim3A_219 = vector.shape_cast %reduce_sum3A_218 : vector<1xf32> to vector<1x1xf32>
    %div3A_220 = arith.constant 6.300000e+01 : f32
    %div3A_221 = vector.broadcast %div3A_220 : f32 to vector<1x1xf32>
    %div3A_222 = arith.divf %broadcast_in_dim3A_219, %div3A_221 : vector<1x1xf32>
    %mul3A_223 = arith.mulf %div3A_214, %div3A_214 : vector<1x1xf32>
    %add3A_224 = arith.constant 1.000000e-10 : f32
    %add3A_225 = vector.broadcast %add3A_224 : f32 to vector<1x1xf32>
    %add3A_226 = arith.addf %mul3A_223, %add3A_225 : vector<1x1xf32>
    %div3A_227 = arith.divf %div3A_222, %add3A_226 : vector<1x1xf32>
    %reduce_sum3A_228 = arith.constant dense<0.000000e+00> : vector<1xf32>
    %reduce_sum3A_229 = vector.multi_reduction <add>, %broadcast_in_dim3A_48, %reduce_sum3A_228 [1] : vector<1x64xf32> to vector<1xf32>
    %broadcast_in_dim3A_230 = vector.shape_cast %reduce_sum3A_229 : vector<1xf32> to vector<1x1xf32>
    %div3A_231 = arith.constant 6.400000e+01 : f32
    %div3A_232 = vector.broadcast %div3A_231 : f32 to vector<1x1xf32>
    %div3A_233 = arith.divf %broadcast_in_dim3A_230, %div3A_232 : vector<1x1xf32>
    %sub3A_234 = vector.broadcast %div3A_233 : vector<1x1xf32> to vector<1x64xf32>
    %sub3A_235 = arith.subf %broadcast_in_dim3A_48, %sub3A_234 : vector<1x64xf32>
    %integer_pow3A_236 = arith.mulf %sub3A_235, %sub3A_235 : vector<1x64xf32>
    %reduce_sum3A_237 = arith.constant dense<0.000000e+00> : vector<1xf32>
    %reduce_sum3A_238 = vector.multi_reduction <add>, %integer_pow3A_236, %reduce_sum3A_237 [1] : vector<1x64xf32> to vector<1xf32>
    %broadcast_in_dim3A_239 = vector.shape_cast %reduce_sum3A_238 : vector<1xf32> to vector<1x1xf32>
    %div3A_240 = arith.constant 6.300000e+01 : f32
    %div3A_241 = vector.broadcast %div3A_240 : f32 to vector<1x1xf32>
    %div3A_242 = arith.divf %broadcast_in_dim3A_239, %div3A_241 : vector<1x1xf32>
    %mul3A_243 = arith.mulf %div3A_233, %div3A_233 : vector<1x1xf32>
    %add3A_244 = arith.constant 1.000000e-10 : f32
    %add3A_245 = vector.broadcast %add3A_244 : f32 to vector<1x1xf32>
    %add3A_246 = arith.addf %mul3A_243, %add3A_245 : vector<1x1xf32>
    %div3A_247 = arith.divf %div3A_242, %add3A_246 : vector<1x1xf32>
    %add3A_248 = arith.addf %div3A_227, %div3A_247 : vector<1x1xf32>
    %mul3A_249 = arith.constant 0.00999999977 : f32
    %mul3A_250 = vector.broadcast %mul3A_249 : f32 to vector<1x1xf32>
    %mul3A_251 = arith.mulf %mul3A_250, %add3A_248 : vector<1x1xf32>
    %swap3A_252 = arith.constant 0 : index
    %swap3A_253 = arith.constant 0 : index
    %swap3A_254 = vector.load %arg10[%swap3A_252, %swap3A_253] : memref<1x1xf32, #tpu.memory_space<vmem>>, vector<1x1xf32>
    tpu.vector_store %arg10[%swap3A_252, %swap3A_253], %mul3A_251 {strides = array<i32>} : memref<1x1xf32, #tpu.memory_space<vmem>>, vector<1x1xf32>,
    return
  }
}

module attributes {stable_mosaic.version = 14 : i64} {
  func.func @_mlp_body(%arg0: i32, %arg1: memref<96xi32, #tpu.memory_space<smem>>, %arg2: memref<1xi32, #tpu.memory_space<smem>>, %arg3: memref<128x768xf32, #tpu.memory_space<vmem>>, %arg4: memref<128x1xf32, #tpu.memory_space<vmem>>, %arg5: memref<1x768x768xf32, #tpu.memory_space<vmem>>, %arg6: memref<1x768x768xf32, #tpu.memory_space<vmem>>, %arg7: memref<1x768x768xf32, #tpu.memory_space<vmem>>, %arg8: memref<128x768xf32, #tpu.memory_space<vmem>>) attributes {dimension_semantics = [#tpu.dimension_semantics<arbitrary>], iteration_bounds = array<i64: 96>, scalar_prefetch = 2 : i64, scratch_operands = 0 : i64, tpu.core_type = #tpu.core_type<tc>, window_params = [{transform_indices = @transform_0, window_bounds = array<i64: 128, 768>}, {transform_indices = @transform_1, window_bounds = array<i64: 128, 1>}, {transform_indices = @transform_2, window_bounds = array<i64: 1, 768, 768>}, {transform_indices = @transform_3, window_bounds = array<i64: 1, 768, 768>}, {transform_indices = @transform_4, window_bounds = array<i64: 1, 768, 768>}, {transform_indices = @transform_5, window_bounds = array<i64: 128, 768>}]} {
    %get3A = arith.constant 0 : index
    %get3A_0 = memref.load %arg2[%get3A] : memref<1xi32, #tpu.memory_space<smem>>
    %lt3A = arith.cmpi slt, %arg0, %get3A_0 : i32
    %convert_element_type3A = arith.extui %lt3A : i1 to i32
    %cond3A = arith.constant 0 : i32
    %cond3A_1 = arith.cmpi ne, %convert_element_type3A, %cond3A : i32
    scf.if %cond3A_1 {
      %get3A_2 = arith.constant 0 : index
      %get3A_3 = arith.constant 0 : index
      %get3A_4 = vector.load %arg3[%get3A_2, %get3A_3] : memref<128x768xf32, #tpu.memory_space<vmem>>, vector<128x768xf32>
      %get3A_5 = arith.constant 0 : index
      %get3A_6 = arith.constant 0 : index
      %get3A_7 = arith.constant 0 : index
      %get3A_8 = vector.load %arg5[%get3A_5, %get3A_6, %get3A_7] : memref<1x768x768xf32, #tpu.memory_space<vmem>>, vector<1x768x768xf32>
      %get3A_9 = vector.shape_cast %get3A_8 : vector<1x768x768xf32> to vector<768x768xf32>
      %dot_general3A = arith.constant dense<0.000000e+00> : vector<128x768xf32>
      %dot_general3A_10 = tpu.matmul %get3A_4, %get3A_9, %dot_general3A {dimension_numbers = #tpu.dot_dimension_numbers<[1], [0], [0], [1], [0, 0, 1, 1], [], []>, transpose_lhs_hint = false} : vector<128x768xf32>, vector<768x768xf32>, vector<128x768xf32> -> vector<128x768xf32>
      %get3A_11 = arith.constant 0 : index
      %get3A_12 = arith.constant 0 : index
      %get3A_13 = arith.constant 0 : index
      %get3A_14 = vector.load %arg6[%get3A_11, %get3A_12, %get3A_13] : memref<1x768x768xf32, #tpu.memory_space<vmem>>, vector<1x768x768xf32>
      %get3A_15 = vector.shape_cast %get3A_14 : vector<1x768x768xf32> to vector<768x768xf32>
      %dot_general3A_16 = arith.constant dense<0.000000e+00> : vector<128x768xf32>
      %dot_general3A_17 = tpu.matmul %get3A_4, %get3A_15, %dot_general3A_16 {dimension_numbers = #tpu.dot_dimension_numbers<[1], [0], [0], [1], [0, 0, 1, 1], [], []>, transpose_lhs_hint = false} : vector<128x768xf32>, vector<768x768xf32>, vector<128x768xf32> -> vector<128x768xf32>
      %logistic3A = arith.negf %dot_general3A_10 : vector<128x768xf32>
      %logistic3A_18 = math.exp %logistic3A : vector<128x768xf32>
      %logistic3A_19 = arith.constant 1.000000e+00 : f32
      %logistic3A_20 = vector.broadcast %logistic3A_19 : f32 to vector<128x768xf32>
      %logistic3A_21 = arith.addf %logistic3A_20, %logistic3A_18 : vector<128x768xf32>
      %logistic3A_22 = arith.divf %logistic3A_20, %logistic3A_21 : vector<128x768xf32>
      %mul3A = arith.mulf %dot_general3A_10, %logistic3A_22 : vector<128x768xf32>
      %mul3A_23 = arith.mulf %mul3A, %dot_general3A_17 : vector<128x768xf32>
      %get3A_24 = arith.constant 0 : index
      %get3A_25 = arith.constant 0 : index
      %get3A_26 = arith.constant 0 : index
      %get3A_27 = vector.load %arg7[%get3A_24, %get3A_25, %get3A_26] : memref<1x768x768xf32, #tpu.memory_space<vmem>>, vector<1x768x768xf32>
      %get3A_28 = vector.shape_cast %get3A_27 : vector<1x768x768xf32> to vector<768x768xf32>
      %dot_general3A_29 = arith.constant dense<0.000000e+00> : vector<128x768xf32>
      %dot_general3A_30 = tpu.matmul %mul3A_23, %get3A_28, %dot_general3A_29 {dimension_numbers = #tpu.dot_dimension_numbers<[1], [0], [0], [1], [0, 0, 1, 1], [], []>, transpose_lhs_hint = false} : vector<128x768xf32>, vector<768x768xf32>, vector<128x768xf32> -> vector<128x768xf32>
      %get3A_31 = arith.constant 0 : index
      %get3A_32 = arith.constant 0 : index
      %get3A_33 = vector.load %arg4[%get3A_31, %get3A_32] : memref<128x1xf32, #tpu.memory_space<vmem>>, vector<128x1xf32>
      %mul3A_34 = vector.broadcast %get3A_33 : vector<128x1xf32> to vector<128x768xf32>
      %mul3A_35 = arith.mulf %dot_general3A_30, %mul3A_34 : vector<128x768xf32>
      %swap3A = arith.constant 0 : index
      %swap3A_36 = arith.constant 0 : index
      %swap3A_37 = vector.load %arg8[%swap3A, %swap3A_36] : memref<128x768xf32, #tpu.memory_space<vmem>>, vector<128x768xf32>
      tpu.vector_store %arg8[%swap3A, %swap3A_36], %mul3A_35 {strides = array<i32>} : memref<128x768xf32, #tpu.memory_space<vmem>>, vector<128x768xf32>,
    } else {
    }
    return
  }
  func.func @transform_0(%arg0: i32, %arg1: memref<96xi32, #tpu.memory_space<smem>>, %arg2: memref<1xi32, #tpu.memory_space<smem>>) -> (i32, i32) {
    %get3A = arith.constant 0 : index
    %get3A_0 = memref.load %arg2[%get3A] : memref<1xi32, #tpu.memory_space<smem>>
    %sub3A = arith.constant 1 : i32
    %sub3A_1 = arith.subi %get3A_0, %sub3A : i32
    %min3A = arith.minsi %arg0, %sub3A_1 : i32
    %c0_i32 = arith.constant 0 : i32
    %c0_i32_2 = arith.constant 0 : i32
    return %min3A, %c0_i32 : i32, i32
  }
  func.func @transform_1(%arg0: i32, %arg1: memref<96xi32, #tpu.memory_space<smem>>, %arg2: memref<1xi32, #tpu.memory_space<smem>>) -> (i32, i32) {
    %get3A = arith.constant 0 : index
    %get3A_0 = memref.load %arg2[%get3A] : memref<1xi32, #tpu.memory_space<smem>>
    %sub3A = arith.constant 1 : i32
    %sub3A_1 = arith.subi %get3A_0, %sub3A : i32
    %min3A = arith.minsi %arg0, %sub3A_1 : i32
    %c0_i32 = arith.constant 0 : i32
    %c0_i32_2 = arith.constant 0 : i32
    return %min3A, %c0_i32 : i32, i32
  }
  func.func @transform_2(%arg0: i32, %arg1: memref<96xi32, #tpu.memory_space<smem>>, %arg2: memref<1xi32, #tpu.memory_space<smem>>) -> (i32, i32, i32) {
    %get3A = arith.index_cast %arg0 : i32 to index
    %get3A_0 = memref.load %arg1[%get3A] : memref<96xi32, #tpu.memory_space<smem>>
    %c0_i32 = arith.constant 0 : i32
    %c0_i32_1 = arith.constant 0 : i32
    %c0_i32_2 = arith.constant 0 : i32
    return %get3A_0, %c0_i32, %c0_i32_1 : i32, i32, i32
  }
  func.func @transform_3(%arg0: i32, %arg1: memref<96xi32, #tpu.memory_space<smem>>, %arg2: memref<1xi32, #tpu.memory_space<smem>>) -> (i32, i32, i32) {
    %get3A = arith.index_cast %arg0 : i32 to index
    %get3A_0 = memref.load %arg1[%get3A] : memref<96xi32, #tpu.memory_space<smem>>
    %c0_i32 = arith.constant 0 : i32
    %c0_i32_1 = arith.constant 0 : i32
    %c0_i32_2 = arith.constant 0 : i32
    return %get3A_0, %c0_i32, %c0_i32_1 : i32, i32, i32
  }
  func.func @transform_4(%arg0: i32, %arg1: memref<96xi32, #tpu.memory_space<smem>>, %arg2: memref<1xi32, #tpu.memory_space<smem>>) -> (i32, i32, i32) {
    %get3A = arith.index_cast %arg0 : i32 to index
    %get3A_0 = memref.load %arg1[%get3A] : memref<96xi32, #tpu.memory_space<smem>>
    %c0_i32 = arith.constant 0 : i32
    %c0_i32_1 = arith.constant 0 : i32
    %c0_i32_2 = arith.constant 0 : i32
    return %get3A_0, %c0_i32, %c0_i32_1 : i32, i32, i32
  }
  func.func @transform_5(%arg0: i32, %arg1: memref<96xi32, #tpu.memory_space<smem>>, %arg2: memref<1xi32, #tpu.memory_space<smem>>) -> (i32, i32) {
    %get3A = arith.constant 0 : index
    %get3A_0 = memref.load %arg2[%get3A] : memref<1xi32, #tpu.memory_space<smem>>
    %sub3A = arith.constant 1 : i32
    %sub3A_1 = arith.subi %get3A_0, %sub3A : i32
    %min3A = arith.minsi %arg0, %sub3A_1 : i32
    %c0_i32 = arith.constant 0 : i32
    %c0_i32_2 = arith.constant 0 : i32
    return %min3A, %c0_i32 : i32, i32
  }
}

</mosaic_0001>

<sc_bundles>
// kernel: kernel.6.cloned.1.call-start
scs
__scs_entry_jumppad:
0x0: {  	(pc) =	sbr.rel $0x88, $3  }
0x1: {  	(tag) =	ssettag $0x0;
	lr =	simm.s32 $0x1  }
0x2: {  	[smem:$0x3F9B] =	sst lr;
	_ =	strace $0xD0000000  }
0x3: {  	_ = 	snop  }
0x4: {  	_ = 	snop  }
0x5: {  	_ = 	snop  }
0x6: {  	_ = 	snop  }
0x7: {  	_ = 	snop  }
__scs_overlays_trampoline_lowered:
0x8: {  	[smem:$0x3FAA] =	sst s0  }
0x9: {  	[smem:$0x3FAB] =	sst s1  }
0xa: {  	[smem:$0x3FAC] =	sst s2  }
0xb: {  	[smem:$0x3FAD] =	sst s3  }
0xc: {  	[smem:$0x3FAE] =	sst s4  }
0xd: {  	[smem:$0x3FAF] =	sst s5  }
0xe: {  	[smem:$0x3FB0] =	sst s6  }
0xf: {  	[smem:$0x3FB1] =	sst s7  }
0x10: {  	[smem:$0x3FB2] =	sst s8  }
0x11: {  	[smem:$0x3FB3] =	sst s9;
	s0 =	simm.s32 @!p0 $0x0  }
0x12: {  	s1 =	sld [smem:$0x3F99];
	s0 =	simm.s32 @p0 $0x1  }
0x13: {  	[smem:$0x3FB4] =	sst s0;
	s0 =	simm.s32 @!p1 $0x0  }
0x14: {  	s2 =	sld [smem:$0x3F98];
	s0 =	simm.s32 @p1 $0x1  }
0x15: {  	[smem:$0x3FB5] =	sst s0;
	s0 =	simm.s32 @!p2 $0x0  }
0x16: {  	s3 =	sld [smem:$0x3FDB];
	s0 =	simm.s32 @p2 $0x1  }
0x17: {  	s4 =	simm.s32 $0x1BF5;
	[smem:$0x3FB7] =	sst s0  }
0x18: {  	s0 =	sld [smem:$0x3F9A];
	_ =	swait.ge [sflag:s4], $0x0  }
0x19: {  	s7 =	sld [smem:$0x3F9B]  }
0x1a: {  	s8 =	sadd.s32 $0xFFFFE003, lr  }
0x1b: {  	s9 =	sadd.s32 $0xFFFFFEF7, lr;
	s5 =	simm.s32 $0xFFFFFFFF;
	p2 =	slt.u32 s8, $0xFFFFF086  }
0x1c: {  	p1 =	slt.u32 s9, $0xF7A;
	s5 =	simm.s32 @!p2 $0x0  }
0x1d: {  	s5 =	simm.s32 @p1 $0x1;
	p0 =	seq.s32 s7, s2  }
0x1e: {  	s7 =	smul.u32 @!p0 $0xF7A, s2;
	p2 =	seq.s32 @!p0 s5, $0x0  }
0x1f: {  	s9 =	smul.u32 $0xF7A, s1;
	s8 =	simm.s32 @!p0 $0x1BF5;
	p2 =	por !p2, p0  }
0x20: {  	[sflag:s8] =	ssyncset.s32 @!p0 $0xFFFFF086;
	s6 =	sadd.s32 @!p0 s3, s7;
	s7 =	simm.s32 @!p0 $0x108  }
0x21: {  	s3 =	sadd.s32 s3, s9;
	s6 =	sadd.s32 @!p0 $0x88, s6;
	s7 =	simm.s32 @p2 $0x1082  }
0x22: {  	[simem:s7], [sflag:s8] =	dma.local @!p0 [hbm:s6], $0xF7A  }
0x23: {  	s9 =	sor.u32 $0xD0000000, s2;
	s6 =	simm.s32 $0x108;
	_ =	swait.ge @!p0 [sflag:s8], $0x0  }
0x24: {  	s3 =	sadd.s32 $0x88, s3;
	s6 =	simm.s32 @!p1 $0x1082;
	[sflag:s4] =	ssyncset.s32 $0xFFFFF086  }
0x25: {  	[simem:s6], [sflag:s4] =	dma.local [hbm:s3], $0xF7A  }
0x26: {  	[smem:$0x3F9B] =	sst s1;
	(tag) =	ssettag s2;
	_ =	strace s9  }
0x27: {  	s1 =	sld [smem:$0x3FAB]  }
0x28: {  	s2 =	sld [smem:$0x3FAC]  }
0x29: {  	s4 =	sld [smem:$0x3FAE]  }
0x2a: {  	p0 =	seq.s32 s5, $0x0;
	s5 =	sld [smem:$0x3FAF]  }
0x2b: {  	s6 =	sld [smem:$0x3FB0]  }
0x2c: {  	s7 =	sld [smem:$0x3FB1]  }
0x2d: {  	s3 =	simm.s32 $0x108;
	s8 =	sld [smem:$0x3FB2]  }
0x2e: {  	s3 =	simm.s32 @!p0 $0x1082;
	s9 =	sld [smem:$0x3FB3]  }
0x2f: {  	lr =	sadd.s32 s0, s3;
	s0 =	sld [smem:$0x3FAA]  }
0x30: {  	s3 =	sld [smem:$0x3FAD]  }
0x31: {  	[smem:$0x3FB6] =	sst s10  }
0x32: {  	s10 =	sld [smem:$0x3FB4];
	_ =	sdelay $0x3  }
0x33: {  	p0 =	seq.s32 s10, $0x1;
	s10 =	sld [smem:$0x3FB6];
	_ =	sdelay $0x3  }
0x34: {  	[smem:$0x3FB6] =	sst s10  }
0x35: {  	s10 =	sld [smem:$0x3FB5];
	_ =	sdelay $0x3  }
0x36: {  	p1 =	seq.s32 s10, $0x1;
	s10 =	sld [smem:$0x3FB6];
	_ =	sdelay $0x3  }
0x37: {  	[smem:$0x3FB6] =	sst s10  }
0x38: {  	s10 =	sld [smem:$0x3FB7]  }
0x39: {  	_ = 	snop;
	(pc) =	sbr.ind lr, $3  }
0x3a: {  	_ = 	snop  }
0x3b: {  	_ = 	snop  }
0x3c: {  	p2 =	seq.s32 s10, $0x1;
	s10 =	sld [smem:$0x3FB6]  }
0x3d: {  	_ =	shalt  }
0x3e: {  	_ =	shalt  }
0x3f: {  	_ =	shalt  }
0x40: {  	_ =	shalt  }
0x41: {  	_ =	shalt  }
0x42: {  	_ =	shalt  }
0x43: {  	_ =	shalt  }
0x44: {  	_ =	shalt  }
0x45: {  	_ =	shalt  }
0x46: {  	_ =	shalt  }
0x47: {  	_ =	shalt  }
0x48: {  	_ =	shalt  }
0x49: {  	_ =	shalt  }
0x4a: {  	_ =	shalt  }
0x4b: {  	_ =	shalt  }
0x4c: {  	_ =	shalt  }
0x4d: {  	_ =	shalt  }
0x4e: {  	_ =	shalt  }
0x4f: {  	_ =	shalt  }
0x50: {  	_ =	shalt  }
0x51: {  	_ =	shalt  }
0x52: {  	_ =	shalt  }
0x53: {  	_ =	shalt  }
0x54: {  	_ =	shalt  }
0x55: {  	_ =	shalt  }
0x56: {  	_ =	shalt  }
0x57: {  	_ =	shalt  }
0x58: {  	_ =	shalt  }
0x59: {  	_ =	shalt  }
0x5a: {  	_ =	shalt  }
0x5b: {  	_ =	shalt  }
0x5c: {  	_ =	shalt  }
0x5d: {  	_ =	shalt  }
0x5e: {  	_ =	shalt  }
0x5f: {  	_ =	shalt  }
0x60: {  	_ =	shalt  }
0x61: {  	_ =	shalt  }
0x62: {  	_ =	shalt  }
0x63: {  	_ =	shalt  }
0x64: {  	_ =	shalt  }
0x65: {  	_ =	shalt  }
0x66: {  	_ =	shalt  }
0x67: {  	_ =	shalt  }
0x68: {  	_ =	shalt  }
0x69: {  	_ =	shalt  }
0x6a: {  	_ =	shalt  }
0x6b: {  	_ =	shalt  }
0x6c: {  	_ =	shalt  }
0x6d: {  	_ =	shalt  }
0x6e: {  	_ =	shalt  }
0x6f: {  	_ =	shalt  }
0x70: {  	_ =	shalt  }
0x71: {  	_ =	shalt  }
0x72: {  	_ =	shalt  }
0x73: {  	_ =	shalt  }
0x74: {  	_ =	shalt  }
0x75: {  	_ =	shalt  }
0x76: {  	_ =	shalt  }
0x77: {  	_ =	shalt  }
0x78: {  	_ =	shalt  }
0x79: {  	_ =	shalt  }
0x7a: {  	_ =	shalt  }
0x7b: {  	_ =	shalt  }
0x7c: {  	_ =	shalt  }
0x7d: {  	_ =	shalt  }
0x7e: {  	_ =	shalt  }
0x7f: {  	_ =	shalt  }
0x80: {  	_ =	shalt  }
0x81: {  	_ =	shalt  }
0x82: {  	_ =	shalt  }
0x83: {  	_ =	shalt  }
0x84: {  	_ =	shalt  }
0x85: {  	_ =	shalt  }
0x86: {  	_ =	shalt  }
0x87: {  	_ =	shalt  }
.Lfunc_end0:
.L_simem_size_0:
called_computation_lowered:
.L_overlay_start_0:
0x88: {  	s2 =	sld [smem:$0x3FD9]  }
0x89: {  	s3 =	sld [smem:$0x3FFE];
	_ =	sdelay $0x1  }
0x8a: {  	s1 =	srdreg.scid  }
0x8b: {  	s0 =	sand.u32 $0x1, s1  }
0x8c: {  	s14 =	sshll.u32 s0, $0xA;
	s2 =	sadd.s32 s3, s2  }
0x8d: {  	s2 =	sadd.s32 s2, s14  }
0x8e: {  	[smem:$0x3FC2] =	sst s2  }
0x8f: {  	_ = 	snop  }
0x90: {  	s2 =	sld [smem:$0x3FD0];
	_ =	sdelay $0x2  }
0x91: {  	s4 =	simm.s32 $0xA;
	s5 =	simm.s32 $0x10;
	s15 =	sld [smem:$0x3FC9]  }
0x92: {  	[smem:s5], [sflag:s4] =	dma.local [hbm:s2], $0x1  }
0x93: {  	_ =	swait.eq [sflag:s4], $0x1  }
0x94: {  	[sflag:s4] =	ssyncset.done $0x0  }
0x95: {  	[sflag:s4] =	ssyncadd.s32 $0xFFFFFFFF  }
0x96: {  	s16 =	sld [smem:$0x10];
	(tm) =	ssettm $0x1  }
0x97: {  	s17 =	sld [smem:$0x3FFB];
	_ =	sdelay $0x3  }
0x98: {  	_ =	strace s17  }
0x99: {  	s4 =	sld [smem:$0x3FFC];
	_ =	sdelay $0x3  }
0x9a: {  	_ =	strace s4  }
0x9b: {  	s4 =	sld [smem:$0x3FFD];
	_ =	sdelay $0x3  }
0x9c: {  	_ =	strace s4  }
0x9d: {  	_ =	strace $0x8FFFFFFF  }
0x9e: {  	s18 =	sld [smem:$0x3FDB];
	_ =	sdelay $0x1  }
0x9f: {  	s19 =	simm.s32 $_scs_section_size  }
0xa0: {  	s6 =	simm.s32 $_size__tile_overlayer_lowered;
	s7 =	simm.s32 $_tile_overlayer_lowered  }
0xa1: {  	s22 =	simm.s32 $0x1BFF;
	s21 =	sshll.u32 s7, $0x1;
	s4 =	sadd.s32 s19, s18  }
0xa2: {  	s8 =	simm.s32 $0x0;
	s20 =	sshll.u32 s6, $0x1;
	s6 =	sadd.s32 s21, s4  }
0xa3: {  	[timem:s8], [sflag:s22] =	dma.local [hbm:s6], s20  }
0xa4: {  	_ =	swait.ge [sflag:s22], s20  }
0xa5: {  	s5 =	ssub.s32 $0x0, s20;
	[sflag:s22] =	ssyncset.done $0x0  }
0xa6: {  	[sflag:s22] =	ssyncadd.s32 s5;
	_ =	sdelay $0x1  }
0xa7: {  	s23 =	simm.s32 $0x1B8B  }
0xa8: {  	_ =	swait.ge [sflag:s23], $0x1  }
0xa9: {  	[sflag:s23] =	ssyncset.done $0x0  }
0xaa: {  	s25 =	simm.s32 $0x1B8E;
	s24 =	sld [smem:$0x3FFE];
	[sflag:s23] =	ssyncadd.s32 $0xFFFFFFFF  }
0xab: {  	s26 =	simm.s32 $execute0_lowered;
	[smem:$0x3FD2] =	sst s25  }
0xac: {  	s6 =	sshll.u32 s26, $0x1;
	_ =	strace $0x80000046;
	[dreg:$0x1] =	wrdreg $0xFFFFFFFF  }
0xad: {  	s28 =	simm.s32 $_size_execute0_lowered;
	s4 =	sadd.s32 s4, s6;
	[dreg:$0x0] =	wrdreg $0x0  }
0xae: {  	s6 =	sshll.u32 s28, $0x1;
	[dreg:$0x2] =	wrdreg s4  }
0xaf: {  	[dreg:$0x3] =	wrdreg s6  }
0xb0: {  	[dreg:$0x4] =	wrdreg $0xC0  }
0xb1: {  	_ =	task [dreg:s8], $0x5FFFF  }
0xb2: {  	[dreg:$0x1] =	wrdreg $0xFFFFFFFF  }
0xb3: {  	[dreg:$0x0] =	wrdreg $0x60  }
0xb4: {  	[dreg:$0x2] =	wrdreg s24  }
0xb5: {  	[dreg:$0x3] =	wrdreg s15  }
0xb6: {  	[dreg:$0x4] =	wrdreg s16  }
0xb7: {  	[dreg:$0x5] =	wrdreg $0x9  }
0xb8: {  	_ =	task.clear_ibuf [dreg:s8], $0x6FFFF;
	_ =	strace $0x90000046  }
0xb9: {  	s29 =	simm.s32 $0x9;
	_ =	strace $0x80000048  }
0xba: {  	_ =	swait.ge [sflag:s29], $0x1  }
0xbb: {  	[sflag:s29] =	ssyncadd.s32 $0xFFFFFFFF  }
0xbc: {  	_ =	strace $0x90000048  }
0xbd: {  	_ =	sfence  }
0xbe: {  	s30 =	sld [smem:$0x0];
	_ =	sdelay $0x2  }
0xbf: {  	s31 =	sshll.u32 s1, $0xD;
	s1 =	sshrl.u32 s1, $0x2  }
0xc0: {  	s3 =	sand.u32 $0x4000, s31;
	s1 =	sadd.s32 s1, s30  }
0xc1: {  	s0 =	sor.u32 s3, s0;
	s1 =	sshll.u32 s1, $0x11  }
0xc2: {  	s0 =	sor.u32 s1, s0  }
0xc3: {  	s0 =	sadd.s32 $0x8F2B, s0  }
0xc4: {  	[sflag:s0] =	ssyncadd.remote.s32 $0x1  }
0xc5: {  	_ =	sfence.sel $0xFFFF  }
0xc6: {  	[dreg:$0x0] =	wrdreg $0xFFFFFFFF;
	(pc) =	sbr.abs _section_cstart, $3  }
0xc7: {  	[dreg:$0x1] =	wrdreg $0xFFFFFFFF  }
0xc8: {  	_ =	task.clear_ibuf [dreg:s8], $0x2FFFF;
	_ =	strace $0x9FFFFFFF  }
0xc9: {  	(tm) =	ssettm $0x7FFFFFFF  }
tec
execute0_lowered:
.L_overlay_start_1:
0x0: {  	(tag) =	ssettag $0x1  }
0x1: {  	s0 =	rddreg [dreg:$0x0]  }
0x2: {  	s2 =	rddreg [dreg:$0x1]  }
0x3: {  	s1 =	rddreg [dreg:$0x2]  }
0x4: {  	s4 =	srdreg.scid;
	s5 =	stileid.u32  }
0x5: {  	s3 =	simm.s32 $0x0;
	s28 =	simm.s32 $0x4;
	s30 =	simm.s32 $0x0  }
0x6: {  	s8 =	simm.s32 $0x4B00;
	s12 =	simm.s32 $0x5300;
	s13 =	simm.s32 $0x5B00  }
0x7: {  	s14 =	simm.s32 $0x6300;
	s29 =	simm.s32 $0x9300;
	s4 =	sand.u32 $0x1, s4  }
0x8: {  	s5 =	sshll.u32 s5, $0x1;
	[smem:$0x7FF] =	sst s3;
	s15 =	sadd.s32 $0x200, s0  }
0x9: {  	s16 =	sadd.s32 $0x400, s0;
	_ =	strace $0x80000047;
	[dreg:$0x4] =	wrdreg s15  }
0xa: {  	s17 =	sadd.s32 $0x600, s0;
	s18 =	sadd.s32 $0x800, s0;
	[dreg:$0x5] =	wrdreg s16  }
0xb: {  	s0 =	sadd.s32 $0xA00, s0;
	s9 =	sadd.s32 $0x100, s2;
	[dreg:$0x6] =	wrdreg s17  }
0xc: {  	s10 =	sadd.s32 $0x200, s2;
	s5 =	sor.u32 s4, s5;
	[dreg:$0x7] =	wrdreg s18  }
0xd: {  	s4 =	ssub.s32 $0x2, s4;
	s18 =	simm.s32 $0x6;
	s11 =	smul.u32 $0x180, s5  }
0xe: {  	s15 =	simm.s32 $0x6B00;
	s16 =	simm.s32 $0x7300;
	s6 =	sshrl.u32 s4, $0x1  }
0xf: {  	s5 =	simm.s32 $0x3300;
	s4 =	ssub.s32 s4, s6;
	s19 =	sshrl.u32 s11, $0x3  }
0x10: {  	v0 =	vlaneseq.u32;
	s6 =	simm.s32 $0x3B00;
	s17 =	sadd.s32 $0x180, s11;
	s7 =	smul.u32 $0x1800, s19  }
0x11: {  	s31 =	smax.u32 s4, $0x1;
	v1 =	vmov s11;
	v2 =	vor.u32 s11, v0;
	s11 =	simm.s32 $0x8300;
	s20 =	smul.u32 $0x300, s19  }
0x12: {  	s1 =	sadd.s32 s1, s19;
	[dreg:$0xf] =	wrdreg s31;
	s19 =	simm.s32 $0x1000  }
0x13: {  	v3 =	vmov s17;
	s17 =	simm.s32 $0x7B00;
	[dreg:$0x8] =	wrdreg s1;
	s21 =	sshrl.u32 s7, $0x3  }
0x14: {  	s22 =	sadd.s32 s0, s20;
	s20 =	simm.s32 $0x1180;
	s7 =	simm.s32 $0x4300  }
0x15: {  	s0 =	sadd.s32 s0, s21;
	s23 =	sadd.s32 $0x3000, s22;
	[dreg:$0x9] =	wrdreg s22  }
0x16: {  	s24 =	sadd.s32 $0x4800, s22;
	s25 =	sadd.s32 $0x6000, s22;
	[dreg:$0xb] =	wrdreg s23  }
0x17: {  	s26 =	sadd.s32 $0x7800, s22;
	s22 =	simm.s32 $0x1300;
	[dreg:$0xc] =	wrdreg s24  }
0x18: {  	s21 =	simm.s32 $0x9B00;
	s0 =	sadd.s32 $0x1800, s0;
	[dreg:$0xd] =	wrdreg s25  }
0x19: {  	v4 =	vimm.f32 $0.0e+00;
	vm0 =	vmmov $0xffff;
	v6 =	vshrl.u32 v0, $0x3;
	[dreg:$0xe] =	wrdreg s26;
	s24 =	simm.s32 $0x1;
	s25 =	simm.s32 $0x3  }
0x1a: {  	v5 =	vand.u32 $0x7, v0;
	v7 =	vor.u32 $0x8, v0;
	v6 =	vmul.u32 $0x8, v6;
	s26 =	simm.s32 $0x2;
	s23 =	simm.s32 $0x8B00;
	[dreg:$0xa] =	wrdreg s0  }
.LBB2_1:
0x1b: {  	v8 =	vadd.s32 s3, v2  }
0x1c: {  	v8 =	vand.u32 $0x7FF, v8  }
0x1d: {  	[tilespmem:s19+$0x0] =	vst v8  }
0x1e: {  	s0 =	simm.s32 $0x10;
	s1 =	simm.s32 $0x1000;
	s4 =	simm.s32 $0x1180;
	[tilespmem:s20+$0x0] =	vst v4  }
.LBB2_2:
0x1f: {  	p0 =	sne.s32 s0, $0x170  }
.Ltmp0:
0x20: {  	_ = 	snop;
	(pc) =	sbr.rel @p0 .LBB2_2-.Ltmp0, $4  }
0x21: {  	v8 =	vadd.s32 s0, v2  }
0x22: {  	s1 =	sadd.s32 $0x10, s1;
	v8 =	vand.u32 $0x7FF, v8  }
0x23: {  	s4 =	sadd.s32 $0x10, s4;
	[tilespmem:s1+$0x0] =	vst v8  }
0x24: {  	s0 =	sadd.s32 $0x10, s0;
	[tilespmem:s4+$0x0] =	vst v4  }
0x25: {  	s0 =	simm.s32 $0x0;
	s1 =	rddreg [dreg:$0x4]  }
0x26: {  	[tilespmem:s0], [sflag:$0x6] =	stream.linear.gather [hbm4b:s1+s0], $0x800, $0x38;
	[tilespmem:$0x19300] =	vst v63  }
0x27: {  	_ =	swait.ge [sflag:s18], $0x800  }
0x28: {  	[sflag:s18] =	ssyncset.done $0x0  }
0x29: {  	s31 =	simm.s32 $0x800;
	s4 =	rddreg [dreg:$0x6];
	[sflag:s18] =	ssyncadd.s32 $0xFFFFF800  }
0x2a: {  	[tilespmem:s31], [sflag:$0x6] =	stream.linear.gather [hbm4b:s4+s0], $0x800, $0x38;
	[tilespmem:$0x19300] =	vst v63  }
0x2b: {  	_ =	swait.ge [sflag:s18], $0x800  }
0x2c: {  	[sflag:s18] =	ssyncset.done $0x0  }
0x2d: {  	[sflag:s18] =	ssyncadd.s32 $0xFFFFF800  }
0x2e: {  	v8 =	vld [tilespmem:s0+$0x0];
	_ =	sdelay $0x4  }
0x2f: {  	v9 =	vsub.s32 v8, v1;
	vm1 =	vge.s32 v8, v1;
	vm2 =	vlt.s32 v8, v3  }
0x30: {  	v8 =	vand.u32 $0x7F, v8;
	vm1 =	vmand vm1, vm2;
	v9 =	vand.u32 $0xFFFFFF80, v9  }
0x31: {  	v8 =	vor.u32 v8, v9;
	_ =	sdelay $0x3  }
0x32: {  	v9 =	vor.u32 s0, v0  }
0x33: {  	[tilespmem:v8+s19+$0x0] =	vst.idx.msk vm1, v9  }
0x34: {  	v9 =	vld [tilespmem:s31+$0x0];
	_ =	sdelay $0x4  }
0x35: {  	s0 =	simm.s32 $0x10;
	[tilespmem:v8+s20+$0x0] =	vst.idx.msk vm1, v9  }
0x36: {  	s1 =	simm.s32 $0x20;
	s4 =	simm.s32 $0x10;
	v8 =	vld [tilespmem:s0+$0x0]  }
.LBB2_4:
0x37: {  	p0 =	sne.s32 s1, $0x7F0;
	_ =	sdelay $0x3  }
0x38: {  	v9 =	vsub.s32 v8, v1;
	vm1 =	vge.s32 v8, v1;
	vm2 =	vlt.s32 v8, v3  }
0x39: {  	v8 =	vand.u32 $0x7F, v8;
	vm1 =	vmand vm1, vm2;
	v9 =	vand.u32 $0xFFFFFF80, v9  }
0x3a: {  	v8 =	vor.u32 v8, v9;
	_ =	sdelay $0x3  }
0x3b: {  	v9 =	vor.u32 s0, v0;
	s0 =	smov.u32 s1  }
0x3c: {  	s31 =	sadd.s32 $0x10, s31;
	[tilespmem:v8+s19+$0x0] =	vst.idx.msk vm1, v9  }
0x3d: {  	v9 =	vld [tilespmem:s31+$0x0];
	_ =	sdelay $0x1  }
.Ltmp1:
0x3e: {  	(pc) =	sbr.rel @p0 .LBB2_4-.Ltmp1, $3  }
0x3f: {  	_ =	sdelay $0x1  }
0x40: {  	s4 =	sadd.s32 $0x10, s4;
	[tilespmem:v8+s20+$0x0] =	vst.idx.msk vm1, v9  }
0x41: {  	s1 =	sadd.s32 $0x10, s1;
	v8 =	vld [tilespmem:s4+$0x0]  }
0x42: {  	_ =	sdelay $0x3  }
0x43: {  	v9 =	vsub.s32 v8, v1;
	vm1 =	vge.s32 v8, v1;
	vm2 =	vlt.s32 v8, v3  }
0x44: {  	v8 =	vand.u32 $0x7F, v8;
	vm1 =	vmand vm1, vm2;
	v9 =	vand.u32 $0xFFFFFF80, v9  }
0x45: {  	v8 =	vor.u32 v8, v9;
	_ =	sdelay $0x3  }
0x46: {  	v9 =	vor.u32 s0, v0  }
0x47: {  	s1 =	sadd.s32 $0x10, s31;
	[tilespmem:v8+s19+$0x0] =	vst.idx.msk vm1, v9  }
0x48: {  	v9 =	vld [tilespmem:s1+$0x0];
	_ =	sdelay $0x4  }
0x49: {  	s0 =	simm.s32 $0x0;
	s1 =	rddreg [dreg:$0x5];
	[tilespmem:v8+s20+$0x0] =	vst.idx.msk vm1, v9  }
0x4a: {  	[tilespmem:s0], [sflag:$0x6] =	stream.linear.gather [hbm4b:s1+s0], $0x800, $0x38;
	[tilespmem:$0x19300] =	vst v63  }
0x4b: {  	_ =	swait.ge [sflag:s18], $0x800  }
0x4c: {  	[sflag:s18] =	ssyncset.done $0x0  }
0x4d: {  	s31 =	simm.s32 $0x800;
	s4 =	rddreg [dreg:$0x7];
	[sflag:s18] =	ssyncadd.s32 $0xFFFFF800  }
0x4e: {  	[tilespmem:s31], [sflag:$0x6] =	stream.linear.gather [hbm4b:s4+s0], $0x800, $0x38;
	[tilespmem:$0x19300] =	vst v63  }
0x4f: {  	_ =	swait.ge [sflag:s18], $0x800  }
0x50: {  	[sflag:s18] =	ssyncset.done $0x0  }
0x51: {  	[sflag:s18] =	ssyncadd.s32 $0xFFFFF800  }
0x52: {  	v8 =	vld [tilespmem:s0+$0x0];
	_ =	sdelay $0x4  }
0x53: {  	v9 =	vsub.s32 v8, v1;
	vm1 =	vge.s32 v8, v1;
	vm2 =	vlt.s32 v8, v3  }
0x54: {  	v8 =	vand.u32 $0x7F, v8;
	vm1 =	vmand vm1, vm2;
	v9 =	vand.u32 $0xFFFFFF80, v9  }
0x55: {  	v8 =	vor.u32 v8, v9;
	_ =	sdelay $0x3  }
0x56: {  	v9 =	vor.u32 s0, v0  }
0x57: {  	[tilespmem:v8+s19+$0x0] =	vst.idx.msk vm1, v9  }
0x58: {  	v9 =	vld [tilespmem:s31+$0x0];
	_ =	sdelay $0x4  }
0x59: {  	s0 =	simm.s32 $0x10;
	[tilespmem:v8+s20+$0x0] =	vst.idx.msk vm1, v9  }
0x5a: {  	s1 =	simm.s32 $0x20;
	s4 =	simm.s32 $0x10;
	v8 =	vld [tilespmem:s0+$0x0]  }
.LBB2_6:
0x5b: {  	p0 =	sne.s32 s1, $0x7F0;
	_ =	sdelay $0x3  }
0x5c: {  	v9 =	vsub.s32 v8, v1;
	vm1 =	vge.s32 v8, v1;
	vm2 =	vlt.s32 v8, v3  }
0x5d: {  	v8 =	vand.u32 $0x7F, v8;
	vm1 =	vmand vm1, vm2;
	v9 =	vand.u32 $0xFFFFFF80, v9  }
0x5e: {  	v8 =	vor.u32 v8, v9;
	_ =	sdelay $0x3  }
0x5f: {  	v9 =	vor.u32 s0, v0;
	s0 =	smov.u32 s1  }
0x60: {  	s31 =	sadd.s32 $0x10, s31;
	[tilespmem:v8+s19+$0x0] =	vst.idx.msk vm1, v9  }
0x61: {  	v9 =	vld [tilespmem:s31+$0x0];
	_ =	sdelay $0x1  }
.Ltmp2:
0x62: {  	(pc) =	sbr.rel @p0 .LBB2_6-.Ltmp2, $3  }
0x63: {  	_ =	sdelay $0x1  }
0x64: {  	s4 =	sadd.s32 $0x10, s4;
	[tilespmem:v8+s20+$0x0] =	vst.idx.msk vm1, v9  }
0x65: {  	s1 =	sadd.s32 $0x10, s1;
	v8 =	vld [tilespmem:s4+$0x0]  }
0x66: {  	_ =	sdelay $0x3  }
0x67: {  	v9 =	vsub.s32 v8, v1;
	vm1 =	vge.s32 v8, v1;
	vm2 =	vlt.s32 v8, v3  }
0x68: {  	v8 =	vand.u32 $0x7F, v8;
	vm1 =	vmand vm1, vm2;
	v9 =	vand.u32 $0xFFFFFF80, v9  }
0x69: {  	v8 =	vor.u32 v8, v9;
	_ =	sdelay $0x3  }
0x6a: {  	v39 =	vor.u32 s0, v0  }
0x6b: {  	s1 =	sadd.s32 $0x10, s31;
	[tilespmem:v8+s19+$0x0] =	vst.idx.msk vm1, v39  }
0x6c: {  	v9 =	vld [tilespmem:s1+$0x0];
	_ =	sdelay $0x4  }
0x6d: {  	s4 =	rddreg [dreg:$0x8];
	[tilespmem:v8+s20+$0x0] =	vst.idx.msk vm1, v9  }
0x6e: {  	[hbm4b:s4+s3] =	stream.linear.scatter [tilespmem:s20], [sflag:$0x5], $0x180, $0x38;
	[tilespmem:$0x19300] =	vst v63  }
0x6f: {  	v8 =	vld [tilespmem:$0x1000];
	_ =	sdelay $0x4  }
0x70: {  	v40 =	vshrl.u32 v8, $0x3  }
0x71: {  	v9 =	vmul.u32 $0x30, v40  }
0x72: {  	v8 =	vand.u32 $0x7, v8  }
0x73: {  	v8 =	vor.u32 v8, v9  }
0x74: {  	v9 =	vperm.xlane v8, v5;
	_ =	sdelay $0x1  }
0x75: {  	v9 =	vadd.s32 v6, v9;
	_ =	sdelay $0x3  }
0x76: {  	v8 =	vperm.xlane v8, v7  }
0x77: {  	[tilespmem:s22], [sflag:$0x1] =	stream.indirect_vreg.gather [hbm4b:s2+s3], $0x80, v9, vm0, $0xb8;
	[tilespmem:$0x19300] =	vst v63  }
0x78: {  	s31 =	simm.s32 $0x1B00;
	v8 =	vadd.s32 v6, v8  }
0x79: {  	[tilespmem:s31], [sflag:$0x1] =	stream.indirect_vreg.gather [hbm4b:s9+s3], $0x80, v9, vm0, $0xb8;
	[tilespmem:$0x19300] =	vst v63  }
0x7a: {  	s4 =	simm.s32 $0x2300  }
0x7b: {  	[tilespmem:s4], [sflag:$0x1] =	stream.indirect_vreg.gather [hbm4b:s10+s3], $0x80, v9, vm0, $0xb8;
	[tilespmem:$0x19300] =	vst v63  }
0x7c: {  	s31 =	simm.s32 $0x2B00  }
0x7d: {  	[tilespmem:s31], [sflag:$0x1] =	stream.indirect_vreg.gather [hbm4b:s2+s3], $0x80, v8, vm0, $0xb8;
	[tilespmem:$0x19300] =	vst v63  }
0x7e: {  	_ = 	snop  }
0x7f: {  	[tilespmem:s5], [sflag:$0x1] =	stream.indirect_vreg.gather [hbm4b:s9+s3], $0x80, v8, vm0, $0xb8;
	[tilespmem:$0x19300] =	vst v63  }
0x80: {  	_ = 	snop  }
0x81: {  	[tilespmem:s6], [sflag:$0x1] =	stream.indirect_vreg.gather [hbm4b:s10+s3], $0x80, v8, vm0, $0xb8;
	[tilespmem:$0x19300] =	vst v63  }
0x82: {  	v8 =	vld [tilespmem:$0x1010];
	_ =	sdelay $0x4  }
0x83: {  	v41 =	vshrl.u32 v8, $0x3  }
0x84: {  	v9 =	vmul.u32 $0x30, v41  }
0x85: {  	v8 =	vand.u32 $0x7, v8  }
0x86: {  	v8 =	vor.u32 v8, v9  }
0x87: {  	v9 =	vperm.xlane v8, v5;
	_ =	sdelay $0x1  }
0x88: {  	v9 =	vadd.s32 v6, v9;
	_ =	sdelay $0x3  }
0x89: {  	v8 =	vperm.xlane v8, v7  }
0x8a: {  	[tilespmem:s7], [sflag:$0x1] =	stream.indirect_vreg.gather [hbm4b:s2+s3], $0x80, v9, vm0, $0xb8;
	[tilespmem:$0x19300] =	vst v63  }
0x8b: {  	v8 =	vadd.s32 v6, v8  }
0x8c: {  	[tilespmem:s8], [sflag:$0x1] =	stream.indirect_vreg.gather [hbm4b:s9+s3], $0x80, v9, vm0, $0xb8;
	[tilespmem:$0x19300] =	vst v63  }
0x8d: {  	_ = 	snop  }
0x8e: {  	[tilespmem:s12], [sflag:$0x1] =	stream.indirect_vreg.gather [hbm4b:s10+s3], $0x80, v9, vm0, $0xb8;
	[tilespmem:$0x19300] =	vst v63  }
0x8f: {  	_ = 	snop  }
0x90: {  	[tilespmem:s13], [sflag:$0x1] =	stream.indirect_vreg.gather [hbm4b:s2+s3], $0x80, v8, vm0, $0xb8;
	[tilespmem:$0x19300] =	vst v63  }
0x91: {  	_ = 	snop  }
0x92: {  	[tilespmem:s14], [sflag:$0x1] =	stream.indirect_vreg.gather [hbm4b:s9+s3], $0x80, v8, vm0, $0xb8;
	[tilespmem:$0x19300] =	vst v63  }
0x93: {  	_ = 	snop  }
0x94: {  	[tilespmem:s15], [sflag:$0x1] =	stream.indirect_vreg.gather [hbm4b:s10+s3], $0x80, v8, vm0, $0xb8;
	[tilespmem:$0x19300] =	vst v63  }
0x95: {  	v8 =	vld [tilespmem:$0x1020];
	_ =	sdelay $0x4  }
0x96: {  	v42 =	vshrl.u32 v8, $0x3  }
0x97: {  	v9 =	vmul.u32 $0x30, v42  }
0x98: {  	v8 =	vand.u32 $0x7, v8  }
0x99: {  	v8 =	vor.u32 v8, v9  }
0x9a: {  	v9 =	vperm.xlane v8, v5;
	_ =	sdelay $0x1  }
0x9b: {  	v9 =	vadd.s32 v6, v9;
	_ =	sdelay $0x3  }
0x9c: {  	v8 =	vperm.xlane v8, v7  }
0x9d: {  	[tilespmem:s16], [sflag:$0x1] =	stream.indirect_vreg.gather [hbm4b:s2+s3], $0x80, v9, vm0, $0xb8;
	[tilespmem:$0x19300] =	vst v63  }
0x9e: {  	v8 =	vadd.s32 v6, v8  }
0x9f: {  	[tilespmem:s17], [sflag:$0x1] =	stream.indirect_vreg.gather [hbm4b:s9+s3], $0x80, v9, vm0, $0xb8;
	[tilespmem:$0x19300] =	vst v63  }
0xa0: {  	_ = 	snop  }
0xa1: {  	[tilespmem:s11], [sflag:$0x1] =	stream.indirect_vreg.gather [hbm4b:s10+s3], $0x80, v9, vm0, $0xb8;
	[tilespmem:$0x19300] =	vst v63  }
0xa2: {  	_ = 	snop  }
0xa3: {  	[tilespmem:s23], [sflag:$0x1] =	stream.indirect_vreg.gather [hbm4b:s2+s3], $0x80, v8, vm0, $0xb8;
	[tilespmem:$0x19300] =	vst v63  }
0xa4: {  	_ = 	snop  }
0xa5: {  	[tilespmem:s29], [sflag:$0x1] =	stream.indirect_vreg.gather [hbm4b:s9+s3], $0x80, v8, vm0, $0xb8;
	[tilespmem:$0x19300] =	vst v63  }
0xa6: {  	_ = 	snop  }
0xa7: {  	[tilespmem:s21], [sflag:$0x1] =	stream.indirect_vreg.gather [hbm4b:s10+s3], $0x80, v8, vm0, $0xb8;
	[tilespmem:$0x19300] =	vst v63  }
0xa8: {  	v8 =	vld [tilespmem:$0x1030];
	_ =	sdelay $0x4  }
0xa9: {  	v43 =	vshrl.u32 v8, $0x3  }
0xaa: {  	v9 =	vmul.u32 $0x30, v43  }
0xab: {  	v8 =	vand.u32 $0x7, v8  }
0xac: {  	v8 =	vor.u32 v8, v9  }
0xad: {  	v9 =	vperm.xlane v8, v5;
	_ =	sdelay $0x1  }
0xae: {  	v9 =	vadd.s32 v6, v9;
	_ =	sdelay $0x3  }
0xaf: {  	s1 =	simm.s32 $0xA300;
	v8 =	vperm.xlane v8, v7  }
0xb0: {  	[tilespmem:s1], [sflag:$0x1] =	stream.indirect_vreg.gather [hbm4b:s2+s3], $0x80, v9, vm0, $0xb8;
	[tilespmem:$0x19300] =	vst v63  }
0xb1: {  	v8 =	vadd.s32 v6, v8;
	s1 =	simm.s32 $0xAB00  }
0xb2: {  	[tilespmem:s1], [sflag:$0x1] =	stream.indirect_vreg.gather [hbm4b:s9+s3], $0x80, v9, vm0, $0xb8;
	[tilespmem:$0x19300] =	vst v63  }
0xb3: {  	s1 =	simm.s32 $0xB300  }
0xb4: {  	[tilespmem:s1], [sflag:$0x1] =	stream.indirect_vreg.gather [hbm4b:s10+s3], $0x80, v9, vm0, $0xb8;
	[tilespmem:$0x19300] =	vst v63  }
0xb5: {  	s1 =	simm.s32 $0xBB00  }
0xb6: {  	[tilespmem:s1], [sflag:$0x1] =	stream.indirect_vreg.gather [hbm4b:s2+s3], $0x80, v8, vm0, $0xb8;
	[tilespmem:$0x19300] =	vst v63  }
0xb7: {  	s1 =	simm.s32 $0xC300  }
0xb8: {  	[tilespmem:s1], [sflag:$0x1] =	stream.indirect_vreg.gather [hbm4b:s9+s3], $0x80, v8, vm0, $0xb8;
	[tilespmem:$0x19300] =	vst v63  }
0xb9: {  	s1 =	simm.s32 $0xCB00  }
0xba: {  	[tilespmem:s1], [sflag:$0x1] =	stream.indirect_vreg.gather [hbm4b:s10+s3], $0x80, v8, vm0, $0xb8;
	[tilespmem:$0x19300] =	vst v63  }
0xbb: {  	v8 =	vld [tilespmem:$0x1040];
	_ =	sdelay $0x4  }
0xbc: {  	v44 =	vshrl.u32 v8, $0x3  }
0xbd: {  	v9 =	vmul.u32 $0x30, v44  }
0xbe: {  	v8 =	vand.u32 $0x7, v8  }
0xbf: {  	v8 =	vor.u32 v8, v9  }
0xc0: {  	v9 =	vperm.xlane v8, v5;
	_ =	sdelay $0x1  }
0xc1: {  	v9 =	vadd.s32 v6, v9;
	_ =	sdelay $0x3  }
0xc2: {  	s1 =	simm.s32 $0xD300;
	v8 =	vperm.xlane v8, v7  }
0xc3: {  	[tilespmem:s1], [sflag:$0x2] =	stream.indirect_vreg.gather [hbm4b:s2+s3], $0x80, v9, vm0, $0xb8;
	[tilespmem:$0x19300] =	vst v63  }
0xc4: {  	s0 =	simm.s32 $0xDB00;
	v8 =	vadd.s32 v6, v8  }
0xc5: {  	[tilespmem:s0], [sflag:$0x2] =	stream.indirect_vreg.gather [hbm4b:s9+s3], $0x80, v9, vm0, $0xb8;
	[tilespmem:$0x19300] =	vst v63  }
0xc6: {  	s0 =	simm.s32 $0xE300  }
0xc7: {  	[tilespmem:s0], [sflag:$0x2] =	stream.indirect_vreg.gather [hbm4b:s10+s3], $0x80, v9, vm0, $0xb8;
	[tilespmem:$0x19300] =	vst v63  }
0xc8: {  	s0 =	simm.s32 $0xEB00  }
0xc9: {  	[tilespmem:s0], [sflag:$0x2] =	stream.indirect_vreg.gather [hbm4b:s2+s3], $0x80, v8, vm0, $0xb8;
	[tilespmem:$0x19300] =	vst v63  }
0xca: {  	s0 =	simm.s32 $0xF300  }
0xcb: {  	[tilespmem:s0], [sflag:$0x2] =	stream.indirect_vreg.gather [hbm4b:s9+s3], $0x80, v8, vm0, $0xb8;
	[tilespmem:$0x19300] =	vst v63  }
0xcc: {  	s0 =	simm.s32 $0xFB00  }
0xcd: {  	[tilespmem:s0], [sflag:$0x2] =	stream.indirect_vreg.gather [hbm4b:s10+s3], $0x80, v8, vm0, $0xb8;
	[tilespmem:$0x19300] =	vst v63  }
0xce: {  	v8 =	vld [tilespmem:$0x1050];
	_ =	sdelay $0x4  }
0xcf: {  	v45 =	vshrl.u32 v8, $0x3  }
0xd0: {  	v9 =	vmul.u32 $0x30, v45  }
0xd1: {  	v8 =	vand.u32 $0x7, v8  }
0xd2: {  	v8 =	vor.u32 v8, v9  }
0xd3: {  	v9 =	vperm.xlane v8, v5;
	_ =	sdelay $0x1  }
0xd4: {  	v9 =	vadd.s32 v6, v9;
	_ =	sdelay $0x3  }
0xd5: {  	s0 =	simm.s32 $0x10300;
	v8 =	vperm.xlane v8, v7  }
0xd6: {  	[tilespmem:s0], [sflag:$0x2] =	stream.indirect_vreg.gather [hbm4b:s2+s3], $0x80, v9, vm0, $0xb8;
	[tilespmem:$0x19300] =	vst v63  }
0xd7: {  	v8 =	vadd.s32 v6, v8;
	s0 =	simm.s32 $0x10B00  }
0xd8: {  	[tilespmem:s0], [sflag:$0x2] =	stream.indirect_vreg.gather [hbm4b:s9+s3], $0x80, v9, vm0, $0xb8;
	[tilespmem:$0x19300] =	vst v63  }
0xd9: {  	s0 =	simm.s32 $0x11300  }
0xda: {  	[tilespmem:s0], [sflag:$0x2] =	stream.indirect_vreg.gather [hbm4b:s10+s3], $0x80, v9, vm0, $0xb8;
	[tilespmem:$0x19300] =	vst v63  }
0xdb: {  	s0 =	simm.s32 $0x11B00  }
0xdc: {  	[tilespmem:s0], [sflag:$0x2] =	stream.indirect_vreg.gather [hbm4b:s2+s3], $0x80, v8, vm0, $0xb8;
	[tilespmem:$0x19300] =	vst v63  }
0xdd: {  	s0 =	simm.s32 $0x12300  }
0xde: {  	[tilespmem:s0], [sflag:$0x2] =	stream.indirect_vreg.gather [hbm4b:s9+s3], $0x80, v8, vm0, $0xb8;
	[tilespmem:$0x19300] =	vst v63  }
0xdf: {  	s0 =	simm.s32 $0x12B00  }
0xe0: {  	[tilespmem:s0], [sflag:$0x2] =	stream.indirect_vreg.gather [hbm4b:s10+s3], $0x80, v8, vm0, $0xb8;
	[tilespmem:$0x19300] =	vst v63  }
0xe1: {  	v8 =	vld [tilespmem:$0x1060];
	_ =	sdelay $0x4  }
0xe2: {  	v46 =	vshrl.u32 v8, $0x3  }
0xe3: {  	v9 =	vmul.u32 $0x30, v46  }
0xe4: {  	v8 =	vand.u32 $0x7, v8  }
0xe5: {  	v8 =	vor.u32 v8, v9  }
0xe6: {  	v9 =	vperm.xlane v8, v5;
	_ =	sdelay $0x1  }
0xe7: {  	v9 =	vadd.s32 v6, v9;
	_ =	sdelay $0x3  }
0xe8: {  	s0 =	simm.s32 $0x13300;
	v8 =	vperm.xlane v8, v7  }
0xe9: {  	[tilespmem:s0], [sflag:$0x2] =	stream.indirect_vreg.gather [hbm4b:s2+s3], $0x80, v9, vm0, $0xb8;
	[tilespmem:$0x19300] =	vst v63  }
0xea: {  	v8 =	vadd.s32 v6, v8;
	s0 =	simm.s32 $0x13B00  }
0xeb: {  	[tilespmem:s0], [sflag:$0x2] =	stream.indirect_vreg.gather [hbm4b:s9+s3], $0x80, v9, vm0, $0xb8;
	[tilespmem:$0x19300] =	vst v63  }
0xec: {  	s0 =	simm.s32 $0x14300  }
0xed: {  	[tilespmem:s0], [sflag:$0x2] =	stream.indirect_vreg.gather [hbm4b:s10+s3], $0x80, v9, vm0, $0xb8;
	[tilespmem:$0x19300] =	vst v63  }
0xee: {  	s0 =	simm.s32 $0x14B00  }
0xef: {  	[tilespmem:s0], [sflag:$0x2] =	stream.indirect_vreg.gather [hbm4b:s2+s3], $0x80, v8, vm0, $0xb8;
	[tilespmem:$0x19300] =	vst v63  }
0xf0: {  	s0 =	simm.s32 $0x15300  }
0xf1: {  	[tilespmem:s0], [sflag:$0x2] =	stream.indirect_vreg.gather [hbm4b:s9+s3], $0x80, v8, vm0, $0xb8;
	[tilespmem:$0x19300] =	vst v63  }
0xf2: {  	s0 =	simm.s32 $0x15B00  }
0xf3: {  	[tilespmem:s0], [sflag:$0x2] =	stream.indirect_vreg.gather [hbm4b:s10+s3], $0x80, v8, vm0, $0xb8;
	[tilespmem:$0x19300] =	vst v63  }
0xf4: {  	v8 =	vld [tilespmem:$0x1070];
	_ =	sdelay $0x4  }
0xf5: {  	v47 =	vshrl.u32 v8, $0x3  }
0xf6: {  	v9 =	vmul.u32 $0x30, v47  }
0xf7: {  	v8 =	vand.u32 $0x7, v8  }
0xf8: {  	v8 =	vor.u32 v8, v9  }
0xf9: {  	v9 =	vperm.xlane v8, v5;
	_ =	sdelay $0x1  }
0xfa: {  	v9 =	vadd.s32 v6, v9;
	_ =	sdelay $0x3  }
0xfb: {  	s0 =	simm.s32 $0x16300;
	v8 =	vperm.xlane v8, v7  }
0xfc: {  	[tilespmem:s0], [sflag:$0x2] =	stream.indirect_vreg.gather [hbm4b:s2+s3], $0x80, v9, vm0, $0xb8;
	[tilespmem:$0x19300] =	vst v63  }
0xfd: {  	v8 =	vadd.s32 v6, v8;
	s0 =	simm.s32 $0x16B00  }
0xfe: {  	[tilespmem:s0], [sflag:$0x2] =	stream.indirect_vreg.gather [hbm4b:s9+s3], $0x80, v9, vm0, $0xb8;
	[tilespmem:$0x19300] =	vst v63  }
0xff: {  	s0 =	simm.s32 $0x17300  }
0x100: {  	[tilespmem:s0], [sflag:$0x2] =	stream.indirect_vreg.gather [hbm4b:s10+s3], $0x80, v9, vm0, $0xb8;
	[tilespmem:$0x19300] =	vst v63  }
0x101: {  	s0 =	simm.s32 $0x17B00  }
0x102: {  	[tilespmem:s0], [sflag:$0x2] =	stream.indirect_vreg.gather [hbm4b:s2+s3], $0x80, v8, vm0, $0xb8;
	[tilespmem:$0x19300] =	vst v63  }
0x103: {  	s0 =	simm.s32 $0x18300  }
0x104: {  	[tilespmem:s0], [sflag:$0x2] =	stream.indirect_vreg.gather [hbm4b:s9+s3], $0x80, v8, vm0, $0xb8;
	[tilespmem:$0x19300] =	vst v63  }
0x105: {  	s0 =	simm.s32 $0x18B00  }
0x106: {  	[tilespmem:s0], [sflag:$0x2] =	stream.indirect_vreg.gather [hbm4b:s10+s3], $0x80, v8, vm0, $0xb8;
	[tilespmem:$0x19300] =	vst v63  }
0x107: {  	_ =	swait.ge [sflag:s24], $0xC000  }
0x108: {  	[sflag:s24] =	ssyncset.done $0x0  }
0x109: {  	s0 =	rddreg [dreg:$0x9];
	[sflag:s24] =	ssyncadd.s32 $0xFFFF4000  }
0x10a: {  	[hbm4b:s0+s3] =	stream.linear.scatter [tilespmem:s22], [sflag:$0x3], $0xC000, $0x38;
	[tilespmem:$0x19300] =	vst v63  }
0x10b: {  	_ =	swait.ge [sflag:s25], $0xC000  }
0x10c: {  	[sflag:s25] =	ssyncset.done $0x0  }
0x10d: {  	[sflag:s25] =	ssyncadd.s32 $0xFFFF4000  }
0x10e: {  	v8 =	vld [tilespmem:$0x1080];
	_ =	sdelay $0x4  }
0x10f: {  	v48 =	vshrl.u32 v8, $0x3  }
0x110: {  	v9 =	vmul.u32 $0x30, v48  }
0x111: {  	v8 =	vand.u32 $0x7, v8  }
0x112: {  	v8 =	vor.u32 v8, v9  }
0x113: {  	v9 =	vperm.xlane v8, v5;
	_ =	sdelay $0x1  }
0x114: {  	v9 =	vadd.s32 v6, v9;
	_ =	sdelay $0x3  }
0x115: {  	v8 =	vperm.xlane v8, v7  }
0x116: {  	[tilespmem:s22], [sflag:$0x1] =	stream.indirect_vreg.gather [hbm4b:s2+s3], $0x80, v9, vm0, $0xb8;
	[tilespmem:$0x19300] =	vst v63  }
0x117: {  	s0 =	simm.s32 $0x1B00;
	v8 =	vadd.s32 v6, v8  }
0x118: {  	[tilespmem:s0], [sflag:$0x1] =	stream.indirect_vreg.gather [hbm4b:s9+s3], $0x80, v9, vm0, $0xb8;
	[tilespmem:$0x19300] =	vst v63  }
0x119: {  	_ = 	snop  }
0x11a: {  	[tilespmem:s4], [sflag:$0x1] =	stream.indirect_vreg.gather [hbm4b:s10+s3], $0x80, v9, vm0, $0xb8;
	[tilespmem:$0x19300] =	vst v63  }
0x11b: {  	_ = 	snop  }
0x11c: {  	[tilespmem:s31], [sflag:$0x1] =	stream.indirect_vreg.gather [hbm4b:s2+s3], $0x80, v8, vm0, $0xb8;
	[tilespmem:$0x19300] =	vst v63  }
0x11d: {  	_ = 	snop  }
0x11e: {  	[tilespmem:s5], [sflag:$0x1] =	stream.indirect_vreg.gather [hbm4b:s9+s3], $0x80, v8, vm0, $0xb8;
	[tilespmem:$0x19300] =	vst v63  }
0x11f: {  	_ = 	snop  }
0x120: {  	[tilespmem:s6], [sflag:$0x1] =	stream.indirect_vreg.gather [hbm4b:s10+s3], $0x80, v8, vm0, $0xb8;
	[tilespmem:$0x19300] =	vst v63  }
0x121: {  	v8 =	vld [tilespmem:$0x1090];
	_ =	sdelay $0x4  }
0x122: {  	v49 =	vshrl.u32 v8, $0x3  }
0x123: {  	v9 =	vmul.u32 $0x30, v49  }
0x124: {  	v8 =	vand.u32 $0x7, v8  }
0x125: {  	v8 =	vor.u32 v8, v9  }
0x126: {  	v9 =	vperm.xlane v8, v5;
	_ =	sdelay $0x1  }
0x127: {  	v9 =	vadd.s32 v6, v9;
	_ =	sdelay $0x3  }
0x128: {  	v8 =	vperm.xlane v8, v7  }
0x129: {  	[tilespmem:s7], [sflag:$0x1] =	stream.indirect_vreg.gather [hbm4b:s2+s3], $0x80, v9, vm0, $0xb8;
	[tilespmem:$0x19300] =	vst v63  }
0x12a: {  	v8 =	vadd.s32 v6, v8  }
0x12b: {  	[tilespmem:s8], [sflag:$0x1] =	stream.indirect_vreg.gather [hbm4b:s9+s3], $0x80, v9, vm0, $0xb8;
	[tilespmem:$0x19300] =	vst v63  }
0x12c: {  	_ = 	snop  }
0x12d: {  	[tilespmem:s12], [sflag:$0x1] =	stream.indirect_vreg.gather [hbm4b:s10+s3], $0x80, v9, vm0, $0xb8;
	[tilespmem:$0x19300] =	vst v63  }
0x12e: {  	_ = 	snop  }
0x12f: {  	[tilespmem:s13], [sflag:$0x1] =	stream.indirect_vreg.gather [hbm4b:s2+s3], $0x80, v8, vm0, $0xb8;
	[tilespmem:$0x19300] =	vst v63  }
0x130: {  	_ = 	snop  }
0x131: {  	[tilespmem:s14], [sflag:$0x1] =	stream.indirect_vreg.gather [hbm4b:s9+s3], $0x80, v8, vm0, $0xb8;
	[tilespmem:$0x19300] =	vst v63  }
0x132: {  	_ = 	snop  }
0x133: {  	[tilespmem:s15], [sflag:$0x1] =	stream.indirect_vreg.gather [hbm4b:s10+s3], $0x80, v8, vm0, $0xb8;
	[tilespmem:$0x19300] =	vst v63  }
0x134: {  	v8 =	vld [tilespmem:$0x10A0];
	_ =	sdelay $0x4  }
0x135: {  	v50 =	vshrl.u32 v8, $0x3  }
0x136: {  	v9 =	vmul.u32 $0x30, v50  }
0x137: {  	v8 =	vand.u32 $0x7, v8  }
0x138: {  	v8 =	vor.u32 v8, v9  }
0x139: {  	v9 =	vperm.xlane v8, v5;
	_ =	sdelay $0x1  }
0x13a: {  	v9 =	vadd.s32 v6, v9;
	_ =	sdelay $0x3  }
0x13b: {  	v8 =	vperm.xlane v8, v7  }
0x13c: {  	[tilespmem:s16], [sflag:$0x1] =	stream.indirect_vreg.gather [hbm4b:s2+s3], $0x80, v9, vm0, $0xb8;
	[tilespmem:$0x19300] =	vst v63  }
0x13d: {  	v8 =	vadd.s32 v6, v8  }
0x13e: {  	[tilespmem:s17], [sflag:$0x1] =	stream.indirect_vreg.gather [hbm4b:s9+s3], $0x80, v9, vm0, $0xb8;
	[tilespmem:$0x19300] =	vst v63  }
0x13f: {  	_ = 	snop  }
0x140: {  	[tilespmem:s11], [sflag:$0x1] =	stream.indirect_vreg.gather [hbm4b:s10+s3], $0x80, v9, vm0, $0xb8;
	[tilespmem:$0x19300] =	vst v63  }
0x141: {  	_ = 	snop  }
0x142: {  	[tilespmem:s23], [sflag:$0x1] =	stream.indirect_vreg.gather [hbm4b:s2+s3], $0x80, v8, vm0, $0xb8;
	[tilespmem:$0x19300] =	vst v63  }
0x143: {  	_ = 	snop  }
0x144: {  	[tilespmem:s29], [sflag:$0x1] =	stream.indirect_vreg.gather [hbm4b:s9+s3], $0x80, v8, vm0, $0xb8;
	[tilespmem:$0x19300] =	vst v63  }
0x145: {  	_ = 	snop  }
0x146: {  	[tilespmem:s21], [sflag:$0x1] =	stream.indirect_vreg.gather [hbm4b:s10+s3], $0x80, v8, vm0, $0xb8;
	[tilespmem:$0x19300] =	vst v63  }
0x147: {  	v8 =	vld [tilespmem:$0x10B0];
	_ =	sdelay $0x4  }
0x148: {  	v51 =	vshrl.u32 v8, $0x3  }
0x149: {  	v9 =	vmul.u32 $0x30, v51  }
0x14a: {  	v8 =	vand.u32 $0x7, v8  }
0x14b: {  	v8 =	vor.u32 v8, v9  }
0x14c: {  	v9 =	vperm.xlane v8, v5;
	_ =	sdelay $0x1  }
0x14d: {  	v9 =	vadd.s32 v6, v9;
	_ =	sdelay $0x3  }
0x14e: {  	s0 =	simm.s32 $0xA300;
	v8 =	vperm.xlane v8, v7  }
0x14f: {  	[tilespmem:s0], [sflag:$0x1] =	stream.indirect_vreg.gather [hbm4b:s2+s3], $0x80, v9, vm0, $0xb8;
	[tilespmem:$0x19300] =	vst v63  }
0x150: {  	v8 =	vadd.s32 v6, v8;
	s0 =	simm.s32 $0xAB00  }
0x151: {  	[tilespmem:s0], [sflag:$0x1] =	stream.indirect_vreg.gather [hbm4b:s9+s3], $0x80, v9, vm0, $0xb8;
	[tilespmem:$0x19300] =	vst v63  }
0x152: {  	s0 =	simm.s32 $0xB300  }
0x153: {  	[tilespmem:s0], [sflag:$0x1] =	stream.indirect_vreg.gather [hbm4b:s10+s3], $0x80, v9, vm0, $0xb8;
	[tilespmem:$0x19300] =	vst v63  }
0x154: {  	s0 =	simm.s32 $0xBB00  }
0x155: {  	[tilespmem:s0], [sflag:$0x1] =	stream.indirect_vreg.gather [hbm4b:s2+s3], $0x80, v8, vm0, $0xb8;
	[tilespmem:$0x19300] =	vst v63  }
0x156: {  	s0 =	simm.s32 $0xC300  }
0x157: {  	[tilespmem:s0], [sflag:$0x1] =	stream.indirect_vreg.gather [hbm4b:s9+s3], $0x80, v8, vm0, $0xb8;
	[tilespmem:$0x19300] =	vst v63  }
0x158: {  	s0 =	simm.s32 $0xCB00  }
0x159: {  	[tilespmem:s0], [sflag:$0x1] =	stream.indirect_vreg.gather [hbm4b:s10+s3], $0x80, v8, vm0, $0xb8;
	[tilespmem:$0x19300] =	vst v63  }
0x15a: {  	_ =	swait.ge [sflag:s26], $0xC000  }
0x15b: {  	[sflag:s26] =	ssyncset.done $0x0  }
0x15c: {  	s0 =	rddreg [dreg:$0xa];
	[sflag:s26] =	ssyncadd.s32 $0xFFFF4000  }
0x15d: {  	[hbm4b:s0+s3] =	stream.linear.scatter [tilespmem:s1], [sflag:$0x4], $0xC000, $0x38;
	[tilespmem:$0x19300] =	vst v63  }
0x15e: {  	_ =	swait.ge [sflag:s28], $0xC000  }
0x15f: {  	[sflag:s28] =	ssyncset.done $0x0  }
0x160: {  	[sflag:s28] =	ssyncadd.s32 $0xFFFF4000  }
0x161: {  	v8 =	vld [tilespmem:$0x10C0];
	_ =	sdelay $0x4  }
0x162: {  	v52 =	vshrl.u32 v8, $0x3  }
0x163: {  	v9 =	vmul.u32 $0x30, v52  }
0x164: {  	v8 =	vand.u32 $0x7, v8  }
0x165: {  	v8 =	vor.u32 v8, v9  }
0x166: {  	v9 =	vperm.xlane v8, v5;
	_ =	sdelay $0x1  }
0x167: {  	v9 =	vadd.s32 v6, v9;
	_ =	sdelay $0x3  }
0x168: {  	v8 =	vperm.xlane v8, v7  }
0x169: {  	[tilespmem:s1], [sflag:$0x2] =	stream.indirect_vreg.gather [hbm4b:s2+s3], $0x80, v9, vm0, $0xb8;
	[tilespmem:$0x19300] =	vst v63  }
0x16a: {  	s0 =	simm.s32 $0xDB00;
	v8 =	vadd.s32 v6, v8  }
0x16b: {  	[tilespmem:s0], [sflag:$0x2] =	stream.indirect_vreg.gather [hbm4b:s9+s3], $0x80, v9, vm0, $0xb8;
	[tilespmem:$0x19300] =	vst v63  }
0x16c: {  	s0 =	simm.s32 $0xE300  }
0x16d: {  	[tilespmem:s0], [sflag:$0x2] =	stream.indirect_vreg.gather [hbm4b:s10+s3], $0x80, v9, vm0, $0xb8;
	[tilespmem:$0x19300] =	vst v63  }
0x16e: {  	s0 =	simm.s32 $0xEB00  }
0x16f: {  	[tilespmem:s0], [sflag:$0x2] =	stream.indirect_vreg.gather [hbm4b:s2+s3], $0x80, v8, vm0, $0xb8;
	[tilespmem:$0x19300] =	vst v63  }
0x170: {  	s0 =	simm.s32 $0xF300  }
0x171: {  	[tilespmem:s0], [sflag:$0x2] =	stream.indirect_vreg.gather [hbm4b:s9+s3], $0x80, v8, vm0, $0xb8;
	[tilespmem:$0x19300] =	vst v63  }
0x172: {  	s0 =	simm.s32 $0xFB00  }
0x173: {  	[tilespmem:s0], [sflag:$0x2] =	stream.indirect_vreg.gather [hbm4b:s10+s3], $0x80, v8, vm0, $0xb8;
	[tilespmem:$0x19300] =	vst v63  }
0x174: {  	v8 =	vld [tilespmem:$0x10D0];
	_ =	sdelay $0x4  }
0x175: {  	v53 =	vshrl.u32 v8, $0x3  }
0x176: {  	v9 =	vmul.u32 $0x30, v53  }
0x177: {  	v8 =	vand.u32 $0x7, v8  }
0x178: {  	v8 =	vor.u32 v8, v9  }
0x179: {  	v9 =	vperm.xlane v8, v5;
	_ =	sdelay $0x1  }
0x17a: {  	v9 =	vadd.s32 v6, v9;
	_ =	sdelay $0x3  }
0x17b: {  	s0 =	simm.s32 $0x10300;
	v8 =	vperm.xlane v8, v7  }
0x17c: {  	[tilespmem:s0], [sflag:$0x2] =	stream.indirect_vreg.gather [hbm4b:s2+s3], $0x80, v9, vm0, $0xb8;
	[tilespmem:$0x19300] =	vst v63  }
0x17d: {  	v8 =	vadd.s32 v6, v8;
	s0 =	simm.s32 $0x10B00  }
0x17e: {  	[tilespmem:s0], [sflag:$0x2] =	stream.indirect_vreg.gather [hbm4b:s9+s3], $0x80, v9, vm0, $0xb8;
	[tilespmem:$0x19300] =	vst v63  }
0x17f: {  	s0 =	simm.s32 $0x11300  }
0x180: {  	[tilespmem:s0], [sflag:$0x2] =	stream.indirect_vreg.gather [hbm4b:s10+s3], $0x80, v9, vm0, $0xb8;
	[tilespmem:$0x19300] =	vst v63  }
0x181: {  	s0 =	simm.s32 $0x11B00  }
0x182: {  	[tilespmem:s0], [sflag:$0x2] =	stream.indirect_vreg.gather [hbm4b:s2+s3], $0x80, v8, vm0, $0xb8;
	[tilespmem:$0x19300] =	vst v63  }
0x183: {  	s0 =	simm.s32 $0x12300  }
0x184: {  	[tilespmem:s0], [sflag:$0x2] =	stream.indirect_vreg.gather [hbm4b:s9+s3], $0x80, v8, vm0, $0xb8;
	[tilespmem:$0x19300] =	vst v63  }
0x185: {  	s0 =	simm.s32 $0x12B00  }
0x186: {  	[tilespmem:s0], [sflag:$0x2] =	stream.indirect_vreg.gather [hbm4b:s10+s3], $0x80, v8, vm0, $0xb8;
	[tilespmem:$0x19300] =	vst v63  }
0x187: {  	v8 =	vld [tilespmem:$0x10E0];
	_ =	sdelay $0x4  }
0x188: {  	v54 =	vshrl.u32 v8, $0x3  }
0x189: {  	v9 =	vmul.u32 $0x30, v54  }
0x18a: {  	v8 =	vand.u32 $0x7, v8  }
0x18b: {  	v8 =	vor.u32 v8, v9  }
0x18c: {  	v9 =	vperm.xlane v8, v5;
	_ =	sdelay $0x1  }
0x18d: {  	v9 =	vadd.s32 v6, v9;
	_ =	sdelay $0x3  }
0x18e: {  	s0 =	simm.s32 $0x13300;
	v8 =	vperm.xlane v8, v7  }
0x18f: {  	[tilespmem:s0], [sflag:$0x2] =	stream.indirect_vreg.gather [hbm4b:s2+s3], $0x80, v9, vm0, $0xb8;
	[tilespmem:$0x19300] =	vst v63  }
0x190: {  	v8 =	vadd.s32 v6, v8;
	s0 =	simm.s32 $0x13B00  }
0x191: {  	[tilespmem:s0], [sflag:$0x2] =	stream.indirect_vreg.gather [hbm4b:s9+s3], $0x80, v9, vm0, $0xb8;
	[tilespmem:$0x19300] =	vst v63  }
0x192: {  	s0 =	simm.s32 $0x14300  }
0x193: {  	[tilespmem:s0], [sflag:$0x2] =	stream.indirect_vreg.gather [hbm4b:s10+s3], $0x80, v9, vm0, $0xb8;
	[tilespmem:$0x19300] =	vst v63  }
0x194: {  	s0 =	simm.s32 $0x14B00  }
0x195: {  	[tilespmem:s0], [sflag:$0x2] =	stream.indirect_vreg.gather [hbm4b:s2+s3], $0x80, v8, vm0, $0xb8;
	[tilespmem:$0x19300] =	vst v63  }
0x196: {  	s0 =	simm.s32 $0x15300  }
0x197: {  	[tilespmem:s0], [sflag:$0x2] =	stream.indirect_vreg.gather [hbm4b:s9+s3], $0x80, v8, vm0, $0xb8;
	[tilespmem:$0x19300] =	vst v63  }
0x198: {  	s0 =	simm.s32 $0x15B00  }
0x199: {  	[tilespmem:s0], [sflag:$0x2] =	stream.indirect_vreg.gather [hbm4b:s10+s3], $0x80, v8, vm0, $0xb8;
	[tilespmem:$0x19300] =	vst v63  }
0x19a: {  	v8 =	vld [tilespmem:$0x10F0];
	_ =	sdelay $0x4  }
0x19b: {  	v55 =	vshrl.u32 v8, $0x3  }
0x19c: {  	v9 =	vmul.u32 $0x30, v55  }
0x19d: {  	v8 =	vand.u32 $0x7, v8  }
0x19e: {  	v8 =	vor.u32 v8, v9  }
0x19f: {  	v9 =	vperm.xlane v8, v5;
	_ =	sdelay $0x1  }
0x1a0: {  	v9 =	vadd.s32 v6, v9;
	_ =	sdelay $0x3  }
0x1a1: {  	s0 =	simm.s32 $0x16300;
	v8 =	vperm.xlane v8, v7  }
0x1a2: {  	[tilespmem:s0], [sflag:$0x2] =	stream.indirect_vreg.gather [hbm4b:s2+s3], $0x80, v9, vm0, $0xb8;
	[tilespmem:$0x19300] =	vst v63  }
0x1a3: {  	v8 =	vadd.s32 v6, v8;
	s0 =	simm.s32 $0x16B00  }
0x1a4: {  	[tilespmem:s0], [sflag:$0x2] =	stream.indirect_vreg.gather [hbm4b:s9+s3], $0x80, v9, vm0, $0xb8;
	[tilespmem:$0x19300] =	vst v63  }
0x1a5: {  	s0 =	simm.s32 $0x17300  }
0x1a6: {  	[tilespmem:s0], [sflag:$0x2] =	stream.indirect_vreg.gather [hbm4b:s10+s3], $0x80, v9, vm0, $0xb8;
	[tilespmem:$0x19300] =	vst v63  }
0x1a7: {  	s0 =	simm.s32 $0x17B00  }
0x1a8: {  	[tilespmem:s0], [sflag:$0x2] =	stream.indirect_vreg.gather [hbm4b:s2+s3], $0x80, v8, vm0, $0xb8;
	[tilespmem:$0x19300] =	vst v63  }
0x1a9: {  	s0 =	simm.s32 $0x18300  }
0x1aa: {  	[tilespmem:s0], [sflag:$0x2] =	stream.indirect_vreg.gather [hbm4b:s9+s3], $0x80, v8, vm0, $0xb8;
	[tilespmem:$0x19300] =	vst v63  }
0x1ab: {  	s0 =	simm.s32 $0x18B00  }
0x1ac: {  	[tilespmem:s0], [sflag:$0x2] =	stream.indirect_vreg.gather [hbm4b:s10+s3], $0x80, v8, vm0, $0xb8;
	[tilespmem:$0x19300] =	vst v63  }
0x1ad: {  	_ =	swait.ge [sflag:s24], $0xC000  }
0x1ae: {  	[sflag:s24] =	ssyncset.done $0x0  }
0x1af: {  	s0 =	rddreg [dreg:$0xb];
	[sflag:s24] =	ssyncadd.s32 $0xFFFF4000  }
0x1b0: {  	[hbm4b:s0+s3] =	stream.linear.scatter [tilespmem:s22], [sflag:$0x3], $0xC000, $0x38;
	[tilespmem:$0x19300] =	vst v63  }
0x1b1: {  	_ =	swait.ge [sflag:s25], $0xC000  }
0x1b2: {  	[sflag:s25] =	ssyncset.done $0x0  }
0x1b3: {  	[sflag:s25] =	ssyncadd.s32 $0xFFFF4000  }
0x1b4: {  	v8 =	vld [tilespmem:$0x1100];
	_ =	sdelay $0x4  }
0x1b5: {  	v56 =	vshrl.u32 v8, $0x3  }
0x1b6: {  	v9 =	vmul.u32 $0x30, v56  }
0x1b7: {  	v8 =	vand.u32 $0x7, v8  }
0x1b8: {  	v8 =	vor.u32 v8, v9  }
0x1b9: {  	v9 =	vperm.xlane v8, v5;
	_ =	sdelay $0x1  }
0x1ba: {  	v9 =	vadd.s32 v6, v9;
	_ =	sdelay $0x3  }
0x1bb: {  	v8 =	vperm.xlane v8, v7  }
0x1bc: {  	[tilespmem:s22], [sflag:$0x1] =	stream.indirect_vreg.gather [hbm4b:s2+s3], $0x80, v9, vm0, $0xb8;
	[tilespmem:$0x19300] =	vst v63  }
0x1bd: {  	s0 =	simm.s32 $0x1B00;
	v8 =	vadd.s32 v6, v8  }
0x1be: {  	[tilespmem:s0], [sflag:$0x1] =	stream.indirect_vreg.gather [hbm4b:s9+s3], $0x80, v9, vm0, $0xb8;
	[tilespmem:$0x19300] =	vst v63  }
0x1bf: {  	_ = 	snop  }
0x1c0: {  	[tilespmem:s4], [sflag:$0x1] =	stream.indirect_vreg.gather [hbm4b:s10+s3], $0x80, v9, vm0, $0xb8;
	[tilespmem:$0x19300] =	vst v63  }
0x1c1: {  	_ = 	snop  }
0x1c2: {  	[tilespmem:s31], [sflag:$0x1] =	stream.indirect_vreg.gather [hbm4b:s2+s3], $0x80, v8, vm0, $0xb8;
	[tilespmem:$0x19300] =	vst v63  }
0x1c3: {  	_ = 	snop  }
0x1c4: {  	[tilespmem:s5], [sflag:$0x1] =	stream.indirect_vreg.gather [hbm4b:s9+s3], $0x80, v8, vm0, $0xb8;
	[tilespmem:$0x19300] =	vst v63  }
0x1c5: {  	_ = 	snop  }
0x1c6: {  	[tilespmem:s6], [sflag:$0x1] =	stream.indirect_vreg.gather [hbm4b:s10+s3], $0x80, v8, vm0, $0xb8;
	[tilespmem:$0x19300] =	vst v63  }
0x1c7: {  	v8 =	vld [tilespmem:$0x1110];
	_ =	sdelay $0x4  }
0x1c8: {  	v57 =	vshrl.u32 v8, $0x3  }
0x1c9: {  	v9 =	vmul.u32 $0x30, v57  }
0x1ca: {  	v8 =	vand.u32 $0x7, v8  }
0x1cb: {  	v8 =	vor.u32 v8, v9  }
0x1cc: {  	v9 =	vperm.xlane v8, v5;
	_ =	sdelay $0x1  }
0x1cd: {  	v9 =	vadd.s32 v6, v9;
	_ =	sdelay $0x3  }
0x1ce: {  	v8 =	vperm.xlane v8, v7  }
0x1cf: {  	[tilespmem:s7], [sflag:$0x1] =	stream.indirect_vreg.gather [hbm4b:s2+s3], $0x80, v9, vm0, $0xb8;
	[tilespmem:$0x19300] =	vst v63  }
0x1d0: {  	v8 =	vadd.s32 v6, v8  }
0x1d1: {  	[tilespmem:s8], [sflag:$0x1] =	stream.indirect_vreg.gather [hbm4b:s9+s3], $0x80, v9, vm0, $0xb8;
	[tilespmem:$0x19300] =	vst v63  }
0x1d2: {  	_ = 	snop  }
0x1d3: {  	[tilespmem:s12], [sflag:$0x1] =	stream.indirect_vreg.gather [hbm4b:s10+s3], $0x80, v9, vm0, $0xb8;
	[tilespmem:$0x19300] =	vst v63  }
0x1d4: {  	_ = 	snop  }
0x1d5: {  	[tilespmem:s13], [sflag:$0x1] =	stream.indirect_vreg.gather [hbm4b:s2+s3], $0x80, v8, vm0, $0xb8;
	[tilespmem:$0x19300] =	vst v63  }
0x1d6: {  	_ = 	snop  }
0x1d7: {  	[tilespmem:s14], [sflag:$0x1] =	stream.indirect_vreg.gather [hbm4b:s9+s3], $0x80, v8, vm0, $0xb8;
	[tilespmem:$0x19300] =	vst v63  }
0x1d8: {  	_ = 	snop  }
0x1d9: {  	[tilespmem:s15], [sflag:$0x1] =	stream.indirect_vreg.gather [hbm4b:s10+s3], $0x80, v8, vm0, $0xb8;
	[tilespmem:$0x19300] =	vst v63  }
0x1da: {  	v8 =	vld [tilespmem:$0x1120];
	_ =	sdelay $0x4  }
0x1db: {  	v58 =	vshrl.u32 v8, $0x3  }
0x1dc: {  	v9 =	vmul.u32 $0x30, v58  }
0x1dd: {  	v8 =	vand.u32 $0x7, v8  }
0x1de: {  	v8 =	vor.u32 v8, v9  }
0x1df: {  	v9 =	vperm.xlane v8, v5;
	_ =	sdelay $0x1  }
0x1e0: {  	v9 =	vadd.s32 v6, v9;
	_ =	sdelay $0x3  }
0x1e1: {  	v8 =	vperm.xlane v8, v7  }
0x1e2: {  	[tilespmem:s16], [sflag:$0x1] =	stream.indirect_vreg.gather [hbm4b:s2+s3], $0x80, v9, vm0, $0xb8;
	[tilespmem:$0x19300] =	vst v63  }
0x1e3: {  	v8 =	vadd.s32 v6, v8  }
0x1e4: {  	[tilespmem:s17], [sflag:$0x1] =	stream.indirect_vreg.gather [hbm4b:s9+s3], $0x80, v9, vm0, $0xb8;
	[tilespmem:$0x19300] =	vst v63  }
0x1e5: {  	_ = 	snop  }
0x1e6: {  	[tilespmem:s11], [sflag:$0x1] =	stream.indirect_vreg.gather [hbm4b:s10+s3], $0x80, v9, vm0, $0xb8;
	[tilespmem:$0x19300] =	vst v63  }
0x1e7: {  	_ = 	snop  }
0x1e8: {  	[tilespmem:s23], [sflag:$0x1] =	stream.indirect_vreg.gather [hbm4b:s2+s3], $0x80, v8, vm0, $0xb8;
	[tilespmem:$0x19300] =	vst v63  }
0x1e9: {  	_ = 	snop  }
0x1ea: {  	[tilespmem:s29], [sflag:$0x1] =	stream.indirect_vreg.gather [hbm4b:s9+s3], $0x80, v8, vm0, $0xb8;
	[tilespmem:$0x19300] =	vst v63  }
0x1eb: {  	_ = 	snop  }
0x1ec: {  	[tilespmem:s21], [sflag:$0x1] =	stream.indirect_vreg.gather [hbm4b:s10+s3], $0x80, v8, vm0, $0xb8;
	[tilespmem:$0x19300] =	vst v63  }
0x1ed: {  	v8 =	vld [tilespmem:$0x1130];
	_ =	sdelay $0x4  }
0x1ee: {  	v59 =	vshrl.u32 v8, $0x3  }
0x1ef: {  	v9 =	vmul.u32 $0x30, v59  }
0x1f0: {  	v8 =	vand.u32 $0x7, v8  }
0x1f1: {  	v8 =	vor.u32 v8, v9  }
0x1f2: {  	v9 =	vperm.xlane v8, v5;
	_ =	sdelay $0x1  }
0x1f3: {  	v9 =	vadd.s32 v6, v9;
	_ =	sdelay $0x3  }
0x1f4: {  	s4 =	simm.s32 $0xA300;
	v8 =	vperm.xlane v8, v7  }
0x1f5: {  	[tilespmem:s4], [sflag:$0x1] =	stream.indirect_vreg.gather [hbm4b:s2+s3], $0x80, v9, vm0, $0xb8;
	[tilespmem:$0x19300] =	vst v63  }
0x1f6: {  	s31 =	simm.s32 $0xAB00;
	v8 =	vadd.s32 v6, v8  }
0x1f7: {  	[tilespmem:s31], [sflag:$0x1] =	stream.indirect_vreg.gather [hbm4b:s9+s3], $0x80, v9, vm0, $0xb8;
	[tilespmem:$0x19300] =	vst v63  }
0x1f8: {  	s4 =	simm.s32 $0xB300  }
0x1f9: {  	[tilespmem:s4], [sflag:$0x1] =	stream.indirect_vreg.gather [hbm4b:s10+s3], $0x80, v9, vm0, $0xb8;
	[tilespmem:$0x19300] =	vst v63  }
0x1fa: {  	s31 =	simm.s32 $0xBB00  }
0x1fb: {  	[tilespmem:s31], [sflag:$0x1] =	stream.indirect_vreg.gather [hbm4b:s2+s3], $0x80, v8, vm0, $0xb8;
	[tilespmem:$0x19300] =	vst v63  }
0x1fc: {  	s4 =	simm.s32 $0xC300  }
0x1fd: {  	[tilespmem:s4], [sflag:$0x1] =	stream.indirect_vreg.gather [hbm4b:s9+s3], $0x80, v8, vm0, $0xb8;
	[tilespmem:$0x19300] =	vst v63  }
0x1fe: {  	s31 =	simm.s32 $0xCB00  }
0x1ff: {  	[tilespmem:s31], [sflag:$0x1] =	stream.indirect_vreg.gather [hbm4b:s10+s3], $0x80, v8, vm0, $0xb8;
	[tilespmem:$0x19300] =	vst v63  }
0x200: {  	_ =	swait.ge [sflag:s26], $0xC000  }
0x201: {  	[sflag:s26] =	ssyncset.done $0x0  }
0x202: {  	s4 =	rddreg [dreg:$0xc];
	[sflag:s26] =	ssyncadd.s32 $0xFFFF4000  }
0x203: {  	[hbm4b:s4+s3] =	stream.linear.scatter [tilespmem:s1], [sflag:$0x4], $0xC000, $0x38;
	[tilespmem:$0x19300] =	vst v63  }
0x204: {  	_ =	swait.ge [sflag:s28], $0xC000  }
0x205: {  	[sflag:s28] =	ssyncset.done $0x0  }
0x206: {  	[sflag:s28] =	ssyncadd.s32 $0xFFFF4000  }
0x207: {  	v8 =	vld [tilespmem:$0x1140];
	_ =	sdelay $0x4  }
0x208: {  	v60 =	vshrl.u32 v8, $0x3  }
0x209: {  	v9 =	vmul.u32 $0x30, v60  }
0x20a: {  	v8 =	vand.u32 $0x7, v8  }
0x20b: {  	v8 =	vor.u32 v8, v9  }
0x20c: {  	v9 =	vperm.xlane v8, v5;
	_ =	sdelay $0x1  }
0x20d: {  	v9 =	vadd.s32 v6, v9;
	_ =	sdelay $0x3  }
0x20e: {  	v8 =	vperm.xlane v8, v7  }
0x20f: {  	[tilespmem:s1], [sflag:$0x2] =	stream.indirect_vreg.gather [hbm4b:s2+s3], $0x80, v9, vm0, $0xb8;
	[tilespmem:$0x19300] =	vst v63  }
0x210: {  	s31 =	simm.s32 $0xDB00;
	v8 =	vadd.s32 v6, v8  }
0x211: {  	[tilespmem:s31], [sflag:$0x2] =	stream.indirect_vreg.gather [hbm4b:s9+s3], $0x80, v9, vm0, $0xb8;
	[tilespmem:$0x19300] =	vst v63  }
0x212: {  	s4 =	simm.s32 $0xE300  }
0x213: {  	[tilespmem:s4], [sflag:$0x2] =	stream.indirect_vreg.gather [hbm4b:s10+s3], $0x80, v9, vm0, $0xb8;
	[tilespmem:$0x19300] =	vst v63  }
0x214: {  	s31 =	simm.s32 $0xEB00  }
0x215: {  	[tilespmem:s31], [sflag:$0x2] =	stream.indirect_vreg.gather [hbm4b:s2+s3], $0x80, v8, vm0, $0xb8;
	[tilespmem:$0x19300] =	vst v63  }
0x216: {  	s4 =	simm.s32 $0xF300  }
0x217: {  	[tilespmem:s4], [sflag:$0x2] =	stream.indirect_vreg.gather [hbm4b:s9+s3], $0x80, v8, vm0, $0xb8;
	[tilespmem:$0x19300] =	vst v63  }
0x218: {  	s31 =	simm.s32 $0xFB00  }
0x219: {  	[tilespmem:s31], [sflag:$0x2] =	stream.indirect_vreg.gather [hbm4b:s10+s3], $0x80, v8, vm0, $0xb8;
	[tilespmem:$0x19300] =	vst v63  }
0x21a: {  	v8 =	vld [tilespmem:$0x1150];
	_ =	sdelay $0x4  }
0x21b: {  	v61 =	vshrl.u32 v8, $0x3  }
0x21c: {  	v9 =	vmul.u32 $0x30, v61  }
0x21d: {  	v8 =	vand.u32 $0x7, v8  }
0x21e: {  	v8 =	vor.u32 v8, v9  }
0x21f: {  	v9 =	vperm.xlane v8, v5;
	_ =	sdelay $0x1  }
0x220: {  	v9 =	vadd.s32 v6, v9;
	_ =	sdelay $0x3  }
0x221: {  	s4 =	simm.s32 $0x10300;
	v8 =	vperm.xlane v8, v7  }
0x222: {  	[tilespmem:s4], [sflag:$0x2] =	stream.indirect_vreg.gather [hbm4b:s2+s3], $0x80, v9, vm0, $0xb8;
	[tilespmem:$0x19300] =	vst v63  }
0x223: {  	s31 =	simm.s32 $0x10B00;
	v8 =	vadd.s32 v6, v8  }
0x224: {  	[tilespmem:s31], [sflag:$0x2] =	stream.indirect_vreg.gather [hbm4b:s9+s3], $0x80, v9, vm0, $0xb8;
	[tilespmem:$0x19300] =	vst v63  }
0x225: {  	s4 =	simm.s32 $0x11300  }
0x226: {  	[tilespmem:s4], [sflag:$0x2] =	stream.indirect_vreg.gather [hbm4b:s10+s3], $0x80, v9, vm0, $0xb8;
	[tilespmem:$0x19300] =	vst v63  }
0x227: {  	s31 =	simm.s32 $0x11B00  }
0x228: {  	[tilespmem:s31], [sflag:$0x2] =	stream.indirect_vreg.gather [hbm4b:s2+s3], $0x80, v8, vm0, $0xb8;
	[tilespmem:$0x19300] =	vst v63  }
0x229: {  	s4 =	simm.s32 $0x12300  }
0x22a: {  	[tilespmem:s4], [sflag:$0x2] =	stream.indirect_vreg.gather [hbm4b:s9+s3], $0x80, v8, vm0, $0xb8;
	[tilespmem:$0x19300] =	vst v63  }
0x22b: {  	s31 =	simm.s32 $0x12B00  }
0x22c: {  	[tilespmem:s31], [sflag:$0x2] =	stream.indirect_vreg.gather [hbm4b:s10+s3], $0x80, v8, vm0, $0xb8;
	[tilespmem:$0x19300] =	vst v63  }
0x22d: {  	v8 =	vld [tilespmem:$0x1160];
	_ =	sdelay $0x4  }
0x22e: {  	v62 =	vshrl.u32 v8, $0x3  }
0x22f: {  	v9 =	vmul.u32 $0x30, v62  }
0x230: {  	v8 =	vand.u32 $0x7, v8  }
0x231: {  	v8 =	vor.u32 v8, v9  }
0x232: {  	v9 =	vperm.xlane v8, v5;
	_ =	sdelay $0x1  }
0x233: {  	v9 =	vadd.s32 v6, v9;
	_ =	sdelay $0x3  }
0x234: {  	s4 =	simm.s32 $0x13300;
	v8 =	vperm.xlane v8, v7  }
0x235: {  	[tilespmem:s4], [sflag:$0x2] =	stream.indirect_vreg.gather [hbm4b:s2+s3], $0x80, v9, vm0, $0xb8;
	[tilespmem:$0x19300] =	vst v63  }
0x236: {  	s31 =	simm.s32 $0x13B00;
	v8 =	vadd.s32 v6, v8  }
0x237: {  	[tilespmem:s31], [sflag:$0x2] =	stream.indirect_vreg.gather [hbm4b:s9+s3], $0x80, v9, vm0, $0xb8;
	[tilespmem:$0x19300] =	vst v63  }
0x238: {  	s4 =	simm.s32 $0x14300  }
0x239: {  	[tilespmem:s4], [sflag:$0x2] =	stream.indirect_vreg.gather [hbm4b:s10+s3], $0x80, v9, vm0, $0xb8;
	[tilespmem:$0x19300] =	vst v63  }
0x23a: {  	s31 =	simm.s32 $0x14B00  }
0x23b: {  	[tilespmem:s31], [sflag:$0x2] =	stream.indirect_vreg.gather [hbm4b:s2+s3], $0x80, v8, vm0, $0xb8;
	[tilespmem:$0x19300] =	vst v63  }
0x23c: {  	s4 =	simm.s32 $0x15300  }
0x23d: {  	[tilespmem:s4], [sflag:$0x2] =	stream.indirect_vreg.gather [hbm4b:s9+s3], $0x80, v8, vm0, $0xb8;
	[tilespmem:$0x19300] =	vst v63  }
0x23e: {  	s31 =	simm.s32 $0x15B00  }
0x23f: {  	[tilespmem:s31], [sflag:$0x2] =	stream.indirect_vreg.gather [hbm4b:s10+s3], $0x80, v8, vm0, $0xb8;
	[tilespmem:$0x19300] =	vst v63  }
0x240: {  	v8 =	vld [tilespmem:$0x1170];
	_ =	sdelay $0x4  }
0x241: {  	v63 =	vshrl.u32 v8, $0x3  }
0x242: {  	v9 =	vmul.u32 $0x30, v63  }
0x243: {  	v8 =	vand.u32 $0x7, v8  }
0x244: {  	v8 =	vor.u32 v8, v9  }
0x245: {  	v9 =	vperm.xlane v8, v5;
	_ =	sdelay $0x1  }
0x246: {  	v9 =	vadd.s32 v6, v9;
	_ =	sdelay $0x3  }
0x247: {  	s4 =	simm.s32 $0x16300;
	v8 =	vperm.xlane v8, v7  }
0x248: {  	[tilespmem:s4], [sflag:$0x2] =	stream.indirect_vreg.gather [hbm4b:s2+s3], $0x80, v9, vm0, $0xb8;
	[tilespmem:$0x19300] =	vst v63  }
0x249: {  	s31 =	simm.s32 $0x16B00;
	v8 =	vadd.s32 v6, v8  }
0x24a: {  	[tilespmem:s31], [sflag:$0x2] =	stream.indirect_vreg.gather [hbm4b:s9+s3], $0x80, v9, vm0, $0xb8;
	[tilespmem:$0x19300] =	vst v63  }
0x24b: {  	s4 =	simm.s32 $0x17300  }
0x24c: {  	[tilespmem:s4], [sflag:$0x2] =	stream.indirect_vreg.gather [hbm4b:s10+s3], $0x80, v9, vm0, $0xb8;
	[tilespmem:$0x19300] =	vst v63  }
0x24d: {  	s31 =	simm.s32 $0x17B00  }
0x24e: {  	[tilespmem:s31], [sflag:$0x2] =	stream.indirect_vreg.gather [hbm4b:s2+s3], $0x80, v8, vm0, $0xb8;
	[tilespmem:$0x19300] =	vst v63  }
0x24f: {  	s4 =	simm.s32 $0x18300  }
0x250: {  	[tilespmem:s4], [sflag:$0x2] =	stream.indirect_vreg.gather [hbm4b:s9+s3], $0x80, v8, vm0, $0xb8;
	[tilespmem:$0x19300] =	vst v63  }
0x251: {  	s31 =	simm.s32 $0x18B00  }
0x252: {  	[tilespmem:s31], [sflag:$0x2] =	stream.indirect_vreg.gather [hbm4b:s10+s3], $0x80, v8, vm0, $0xb8;
	[tilespmem:$0x19300] =	vst v63  }
0x253: {  	_ =	swait.ge [sflag:s24], $0xC000  }
0x254: {  	[sflag:s24] =	ssyncset.done $0x0  }
0x255: {  	s4 =	rddreg [dreg:$0xd];
	[sflag:s24] =	ssyncadd.s32 $0xFFFF4000  }
0x256: {  	[hbm4b:s4+s3] =	stream.linear.scatter [tilespmem:s22], [sflag:$0x3], $0xC000, $0x38;
	[tilespmem:$0x19300] =	vst v63  }
0x257: {  	_ =	swait.ge [sflag:s26], $0xC000  }
0x258: {  	[sflag:s26] =	ssyncset.done $0x0  }
0x259: {  	s31 =	rddreg [dreg:$0xe];
	[sflag:s26] =	ssyncadd.s32 $0xFFFF4000  }
0x25a: {  	[hbm4b:s31+s3] =	stream.linear.scatter [tilespmem:s1], [sflag:$0x4], $0xC000, $0x38;
	[tilespmem:$0x19300] =	vst v63  }
0x25b: {  	_ =	swait.ge [sflag:s25], $0xC000  }
0x25c: {  	[sflag:s25] =	ssyncset.done $0x0  }
0x25d: {  	[sflag:s25] =	ssyncadd.s32 $0xFFFF4000  }
0x25e: {  	_ =	swait.ge [sflag:s28], $0xC000  }
0x25f: {  	[sflag:s28] =	ssyncset.done $0x0  }
0x260: {  	s4 =	simm.s32 $0x5;
	[sflag:s28] =	ssyncadd.s32 $0xFFFF4000  }
0x261: {  	_ =	swait.ge [sflag:s4], $0x180  }
0x262: {  	s30 =	sadd.s32 $0x1, s30;
	s31 =	rddreg [dreg:$0xf]  }
0x263: {  	p0 =	sne.s32 s30, s31  }
.Ltmp3:
0x264: {  	_ = 	snop;
	(pc) =	sbr.rel @p0 .LBB2_1-.Ltmp3, $3  }
0x265: {  	_ =	sdelay $0x1  }
0x266: {  	[sflag:s4] =	ssyncset.done $0x0  }
0x267: {  	[sflag:s4] =	ssyncadd.s32 $0xFFFFFE80  }
0x268: {  	_ =	sfence.sel $0x180000  }
0x269: {  	[bflag:$0x0] =	sbarrier.arrive $0xFFFF  }
0x26a: {  	_ =	strace $0x90000047  }
0x26b: {  	s0 =	stileid.u32;
	[bflag:$0x2] =	sbarrier.arrive $0xFFFF  }
0x26c: {  	p0 =	sne.s32 s0, $0x0;
	s0 =	rddreg [dreg:$0x3]  }
0x26d: {  	s0 =	sadd.s32 @!p0 $0x100000, s0  }
0x26e: {  	[sflag:s0] =	ssyncadd.tile.s32 @!p0 $0x1;
	_ =	shalt  }
.Lfunc_end2:
_tile_overlayer_lowered:
.L_overlay_start_2:
0x26f: {  	(tag) =	ssettag $0x2  }
0x270: {  	s0 =	rddreg [dreg:$0x0];
	s2 =	stileid.u32  }
0x271: {  	s1 =	rddreg [dreg:$0x1];
	p0 =	sne.s32 s2, $0x0  }
0x272: {  	s3 =	rddreg [dreg:$0x2];
	[bflag:$0x3] =	sbarrier.arrive $0xFFFF;
	s2 =	simm.s32 @!p0 $0x1C06  }
0x273: {  	[timem:s3], [sflag:s2] =	dma.local @!p0 [hbm:s0], s1  }
0x274: {  	s0 =	simm.s32 @!p0 $0x6  }
0x275: {  	_ =	swait.ge @!p0 [sflag:s0], s1  }
0x276: {  	s1 =	ssub.s32 @!p0 $0x0, s1;
	[sflag:s0] =	ssyncset.done @!p0 $0x0  }
0x277: {  	[sflag:s0] =	ssyncadd.s32 @!p0 s1  }
0x278: {  	[bflag:$0x3] =	sbarrier.arrive $0xFFFF  }
0x279: {  	_ =	shalt  }

// kernel: kernel.9.cloned.1.call-start
scs
__scs_entry_jumppad:
0x0: {  	(pc) =	sbr.rel $0x88, $3  }
0x1: {  	(tag) =	ssettag $0x0;
	lr =	simm.s32 $0x1  }
0x2: {  	[smem:$0x3F9B] =	sst lr;
	_ =	strace $0xD0000000  }
0x3: {  	_ = 	snop  }
0x4: {  	_ = 	snop  }
0x5: {  	_ = 	snop  }
0x6: {  	_ = 	snop  }
0x7: {  	_ = 	snop  }
__scs_overlays_trampoline_lowered:
0x8: {  	[smem:$0x3FAA] =	sst s0  }
0x9: {  	[smem:$0x3FAB] =	sst s1  }
0xa: {  	[smem:$0x3FAC] =	sst s2  }
0xb: {  	[smem:$0x3FAD] =	sst s3  }
0xc: {  	[smem:$0x3FAE] =	sst s4  }
0xd: {  	[smem:$0x3FAF] =	sst s5  }
0xe: {  	[smem:$0x3FB0] =	sst s6  }
0xf: {  	[smem:$0x3FB1] =	sst s7  }
0x10: {  	[smem:$0x3FB2] =	sst s8  }
0x11: {  	[smem:$0x3FB3] =	sst s9;
	s0 =	simm.s32 @!p0 $0x0  }
0x12: {  	s1 =	sld [smem:$0x3F99];
	s0 =	simm.s32 @p0 $0x1  }
0x13: {  	[smem:$0x3FB4] =	sst s0;
	s0 =	simm.s32 @!p1 $0x0  }
0x14: {  	s2 =	sld [smem:$0x3F98];
	s0 =	simm.s32 @p1 $0x1  }
0x15: {  	[smem:$0x3FB5] =	sst s0;
	s0 =	simm.s32 @!p2 $0x0  }
0x16: {  	s3 =	sld [smem:$0x3FDB];
	s0 =	simm.s32 @p2 $0x1  }
0x17: {  	s4 =	simm.s32 $0x1BF5;
	[smem:$0x3FB7] =	sst s0  }
0x18: {  	s0 =	sld [smem:$0x3F9A];
	_ =	swait.ge [sflag:s4], $0x0  }
0x19: {  	s7 =	sld [smem:$0x3F9B]  }
0x1a: {  	s8 =	sadd.s32 $0xFFFFE003, lr  }
0x1b: {  	s9 =	sadd.s32 $0xFFFFFEF7, lr;
	s5 =	simm.s32 $0xFFFFFFFF;
	p2 =	slt.u32 s8, $0xFFFFF086  }
0x1c: {  	p1 =	slt.u32 s9, $0xF7A;
	s5 =	simm.s32 @!p2 $0x0  }
0x1d: {  	s5 =	simm.s32 @p1 $0x1;
	p0 =	seq.s32 s7, s2  }
0x1e: {  	s7 =	smul.u32 @!p0 $0xF7A, s2;
	p2 =	seq.s32 @!p0 s5, $0x0  }
0x1f: {  	s9 =	smul.u32 $0xF7A, s1;
	s8 =	simm.s32 @!p0 $0x1BF5;
	p2 =	por !p2, p0  }
0x20: {  	[sflag:s8] =	ssyncset.s32 @!p0 $0xFFFFF086;
	s6 =	sadd.s32 @!p0 s3, s7;
	s7 =	simm.s32 @!p0 $0x108  }
0x21: {  	s3 =	sadd.s32 s3, s9;
	s6 =	sadd.s32 @!p0 $0x88, s6;
	s7 =	simm.s32 @p2 $0x1082  }
0x22: {  	[simem:s7], [sflag:s8] =	dma.local @!p0 [hbm:s6], $0xF7A  }
0x23: {  	s9 =	sor.u32 $0xD0000000, s2;
	s6 =	simm.s32 $0x108;
	_ =	swait.ge @!p0 [sflag:s8], $0x0  }
0x24: {  	s3 =	sadd.s32 $0x88, s3;
	s6 =	simm.s32 @!p1 $0x1082;
	[sflag:s4] =	ssyncset.s32 $0xFFFFF086  }
0x25: {  	[simem:s6], [sflag:s4] =	dma.local [hbm:s3], $0xF7A  }
0x26: {  	[smem:$0x3F9B] =	sst s1;
	(tag) =	ssettag s2;
	_ =	strace s9  }
0x27: {  	s1 =	sld [smem:$0x3FAB]  }
0x28: {  	s2 =	sld [smem:$0x3FAC]  }
0x29: {  	s4 =	sld [smem:$0x3FAE]  }
0x2a: {  	p0 =	seq.s32 s5, $0x0;
	s5 =	sld [smem:$0x3FAF]  }
0x2b: {  	s6 =	sld [smem:$0x3FB0]  }
0x2c: {  	s7 =	sld [smem:$0x3FB1]  }
0x2d: {  	s3 =	simm.s32 $0x108;
	s8 =	sld [smem:$0x3FB2]  }
0x2e: {  	s3 =	simm.s32 @!p0 $0x1082;
	s9 =	sld [smem:$0x3FB3]  }
0x2f: {  	lr =	sadd.s32 s0, s3;
	s0 =	sld [smem:$0x3FAA]  }
0x30: {  	s3 =	sld [smem:$0x3FAD]  }
0x31: {  	[smem:$0x3FB6] =	sst s10  }
0x32: {  	s10 =	sld [smem:$0x3FB4];
	_ =	sdelay $0x3  }
0x33: {  	p0 =	seq.s32 s10, $0x1;
	s10 =	sld [smem:$0x3FB6];
	_ =	sdelay $0x3  }
0x34: {  	[smem:$0x3FB6] =	sst s10  }
0x35: {  	s10 =	sld [smem:$0x3FB5];
	_ =	sdelay $0x3  }
0x36: {  	p1 =	seq.s32 s10, $0x1;
	s10 =	sld [smem:$0x3FB6];
	_ =	sdelay $0x3  }
0x37: {  	[smem:$0x3FB6] =	sst s10  }
0x38: {  	s10 =	sld [smem:$0x3FB7]  }
0x39: {  	_ = 	snop;
	(pc) =	sbr.ind lr, $3  }
0x3a: {  	_ = 	snop  }
0x3b: {  	_ = 	snop  }
0x3c: {  	p2 =	seq.s32 s10, $0x1;
	s10 =	sld [smem:$0x3FB6]  }
0x3d: {  	_ =	shalt  }
0x3e: {  	_ =	shalt  }
0x3f: {  	_ =	shalt  }
0x40: {  	_ =	shalt  }
0x41: {  	_ =	shalt  }
0x42: {  	_ =	shalt  }
0x43: {  	_ =	shalt  }
0x44: {  	_ =	shalt  }
0x45: {  	_ =	shalt  }
0x46: {  	_ =	shalt  }
0x47: {  	_ =	shalt  }
0x48: {  	_ =	shalt  }
0x49: {  	_ =	shalt  }
0x4a: {  	_ =	shalt  }
0x4b: {  	_ =	shalt  }
0x4c: {  	_ =	shalt  }
0x4d: {  	_ =	shalt  }
0x4e: {  	_ =	shalt  }
0x4f: {  	_ =	shalt  }
0x50: {  	_ =	shalt  }
0x51: {  	_ =	shalt  }
0x52: {  	_ =	shalt  }
0x53: {  	_ =	shalt  }
0x54: {  	_ =	shalt  }
0x55: {  	_ =	shalt  }
0x56: {  	_ =	shalt  }
0x57: {  	_ =	shalt  }
0x58: {  	_ =	shalt  }
0x59: {  	_ =	shalt  }
0x5a: {  	_ =	shalt  }
0x5b: {  	_ =	shalt  }
0x5c: {  	_ =	shalt  }
0x5d: {  	_ =	shalt  }
0x5e: {  	_ =	shalt  }
0x5f: {  	_ =	shalt  }
0x60: {  	_ =	shalt  }
0x61: {  	_ =	shalt  }
0x62: {  	_ =	shalt  }
0x63: {  	_ =	shalt  }
0x64: {  	_ =	shalt  }
0x65: {  	_ =	shalt  }
0x66: {  	_ =	shalt  }
0x67: {  	_ =	shalt  }
0x68: {  	_ =	shalt  }
0x69: {  	_ =	shalt  }
0x6a: {  	_ =	shalt  }
0x6b: {  	_ =	shalt  }
0x6c: {  	_ =	shalt  }
0x6d: {  	_ =	shalt  }
0x6e: {  	_ =	shalt  }
0x6f: {  	_ =	shalt  }
0x70: {  	_ =	shalt  }
0x71: {  	_ =	shalt  }
0x72: {  	_ =	shalt  }
0x73: {  	_ =	shalt  }
0x74: {  	_ =	shalt  }
0x75: {  	_ =	shalt  }
0x76: {  	_ =	shalt  }
0x77: {  	_ =	shalt  }
0x78: {  	_ =	shalt  }
0x79: {  	_ =	shalt  }
0x7a: {  	_ =	shalt  }
0x7b: {  	_ =	shalt  }
0x7c: {  	_ =	shalt  }
0x7d: {  	_ =	shalt  }
0x7e: {  	_ =	shalt  }
0x7f: {  	_ =	shalt  }
0x80: {  	_ =	shalt  }
0x81: {  	_ =	shalt  }
0x82: {  	_ =	shalt  }
0x83: {  	_ =	shalt  }
0x84: {  	_ =	shalt  }
0x85: {  	_ =	shalt  }
0x86: {  	_ =	shalt  }
0x87: {  	_ =	shalt  }
.Lfunc_end0:
.L_simem_size_0:
called_computation.1_lowered:
.L_overlay_start_0:
0x88: {  	s2 =	sld [smem:$0x3FD9]  }
0x89: {  	s3 =	sld [smem:$0x3FFE];
	_ =	sdelay $0x1  }
0x8a: {  	s1 =	srdreg.scid  }
0x8b: {  	s0 =	sand.u32 $0x1, s1  }
0x8c: {  	s14 =	sshll.u32 s0, $0xA;
	s2 =	sadd.s32 s3, s2  }
0x8d: {  	s2 =	sadd.s32 s2, s14  }
0x8e: {  	[smem:$0x3FC2] =	sst s2  }
0x8f: {  	_ = 	snop  }
0x90: {  	s2 =	sld [smem:$0x3FD0];
	_ =	sdelay $0x2  }
0x91: {  	s15 =	simm.s32 $0xA;
	s4 =	simm.s32 $0x10  }
0x92: {  	[smem:s4], [sflag:s15] =	dma.local [hbm:s2], $0x1  }
0x93: {  	_ =	swait.eq [sflag:s15], $0x1  }
0x94: {  	[sflag:s15] =	ssyncset.done $0x0  }
0x95: {  	[sflag:s15] =	ssyncadd.s32 $0xFFFFFFFF  }
0x96: {  	s16 =	sld [smem:$0x10];
	(tm) =	ssettm $0x1  }
0x97: {  	s17 =	sld [smem:$0x3FFB];
	_ =	sdelay $0x3  }
0x98: {  	_ =	strace s17  }
0x99: {  	s3 =	sld [smem:$0x3FFC];
	_ =	sdelay $0x3  }
0x9a: {  	_ =	strace s3  }
0x9b: {  	s3 =	sld [smem:$0x3FFD];
	_ =	sdelay $0x3  }
0x9c: {  	_ =	strace s3  }
0x9d: {  	_ =	strace $0x8FFFFFFF  }
0x9e: {  	s18 =	sld [smem:$0x3FDB];
	_ =	sdelay $0x1  }
0x9f: {  	s19 =	simm.s32 $_scs_section_size  }
0xa0: {  	s5 =	simm.s32 $_size__tile_overlayer_lowered;
	s6 =	simm.s32 $_tile_overlayer_lowered  }
0xa1: {  	s22 =	simm.s32 $0x1BFF;
	s21 =	sshll.u32 s6, $0x1;
	s3 =	sadd.s32 s19, s18  }
0xa2: {  	s7 =	simm.s32 $0x0;
	s20 =	sshll.u32 s5, $0x1;
	s5 =	sadd.s32 s21, s3  }
0xa3: {  	[timem:s7], [sflag:s22] =	dma.local [hbm:s5], s20  }
0xa4: {  	_ =	swait.ge [sflag:s22], s20  }
0xa5: {  	s4 =	ssub.s32 $0x0, s20;
	[sflag:s22] =	ssyncset.done $0x0  }
0xa6: {  	[sflag:s22] =	ssyncadd.s32 s4;
	_ =	sdelay $0x1  }
0xa7: {  	s23 =	simm.s32 $0x1B8B  }
0xa8: {  	_ =	swait.ge [sflag:s23], $0x1  }
0xa9: {  	[sflag:s23] =	ssyncset.done $0x0  }
0xaa: {  	s25 =	simm.s32 $0x1B8E;
	s24 =	sld [smem:$0x3FFE];
	[sflag:s23] =	ssyncadd.s32 $0xFFFFFFFF  }
0xab: {  	s26 =	simm.s32 $execute0_lowered;
	[smem:$0x3FD2] =	sst s25  }
0xac: {  	s5 =	sshll.u32 s26, $0x1;
	_ =	strace $0x80000049;
	[dreg:$0x1] =	wrdreg $0xFFFFFFFF  }
0xad: {  	s28 =	simm.s32 $_size_execute0_lowered;
	s3 =	sadd.s32 s3, s5;
	[dreg:$0x0] =	wrdreg $0x0  }
0xae: {  	s5 =	sshll.u32 s28, $0x1;
	[dreg:$0x2] =	wrdreg s3  }
0xaf: {  	[dreg:$0x3] =	wrdreg s5  }
0xb0: {  	[dreg:$0x4] =	wrdreg $0xC0  }
0xb1: {  	_ =	task [dreg:s7], $0x5FFFF  }
0xb2: {  	[dreg:$0x1] =	wrdreg $0xFFFFFFFF  }
0xb3: {  	[dreg:$0x0] =	wrdreg $0x60  }
0xb4: {  	[dreg:$0x2] =	wrdreg s24  }
0xb5: {  	[dreg:$0x3] =	wrdreg s16  }
0xb6: {  	[dreg:$0x4] =	wrdreg $0x9  }
0xb7: {  	_ =	task.clear_ibuf [dreg:s7], $0x5FFFF;
	_ =	strace $0x90000049  }
0xb8: {  	s29 =	simm.s32 $0x9;
	_ =	strace $0x8000004B  }
0xb9: {  	_ =	swait.ge [sflag:s29], $0x1  }
0xba: {  	[sflag:s29] =	ssyncadd.s32 $0xFFFFFFFF  }
0xbb: {  	_ =	strace $0x9000004B  }
0xbc: {  	_ =	sfence  }
0xbd: {  	s30 =	sld [smem:$0x0];
	_ =	sdelay $0x2  }
0xbe: {  	s31 =	sshll.u32 s1, $0xD;
	s1 =	sshrl.u32 s1, $0x2  }
0xbf: {  	s3 =	sand.u32 $0x4000, s31;
	s1 =	sadd.s32 s1, s30  }
0xc0: {  	s0 =	sor.u32 s3, s0;
	s1 =	sshll.u32 s1, $0x11  }
0xc1: {  	s0 =	sor.u32 s1, s0  }
0xc2: {  	s0 =	sadd.s32 $0x8F2B, s0  }
0xc3: {  	[sflag:s0] =	ssyncadd.remote.s32 $0x1  }
0xc4: {  	_ =	sfence.sel $0xFFFF  }
0xc5: {  	[dreg:$0x0] =	wrdreg $0xFFFFFFFF;
	(pc) =	sbr.abs _section_cstart, $3  }
0xc6: {  	[dreg:$0x1] =	wrdreg $0xFFFFFFFF  }
0xc7: {  	_ =	task.clear_ibuf [dreg:s7], $0x2FFFF;
	_ =	strace $0x9FFFFFFF  }
0xc8: {  	(tm) =	ssettm $0x7FFFFFFF  }
0xc9: {  	_ =	shalt  }
tec
execute0_lowered:
.L_overlay_start_1:
0x0: {  	(tag) =	ssettag $0x1  }
0x1: {  	s0 =	rddreg [dreg:$0x0]  }
0x2: {  	s1 =	rddreg [dreg:$0x1]  }
0x3: {  	s2 =	simm.s32 $0x0;
	s3 =	srdreg.scid;
	s5 =	stileid.u32  }
0x4: {  	s10 =	simm.s32 $0x3;
	s12 =	simm.s32 $0x100;
	s26 =	simm.s32 $0x11900  }
0x5: {  	s28 =	simm.s32 $0x12100;
	s29 =	simm.s32 $0x12900;
	s30 =	simm.s32 $0x13100  }
0x6: {  	s31 =	simm.s32 $0x13900;
	s11 =	simm.s32 $0x15100;
	s13 =	simm.s32 $0x15900  }
0x7: {  	s14 =	simm.s32 $0x16100;
	s15 =	simm.s32 $0x16900;
	s16 =	simm.s32 $0x17100  }
0x8: {  	s17 =	simm.s32 $0x17900;
	s18 =	simm.s32 $0x1;
	s19 =	simm.s32 $0x2  }
0x9: {  	s20 =	simm.s32 $0x0;
	[smem:$0x7FF] =	sst s2;
	s4 =	sand.u32 $0x1, s3  }
0xa: {  	s5 =	sshll.u32 s5, $0x4;
	s3 =	sadd.s32 $0x120A00, s0;
	s6 =	sshll.u32 s4, $0x3  }
0xb: {  	_ =	strace $0x8000004A;
	s4 =	ssub.s32 $0x2, s4;
	s5 =	sor.u32 s6, s5  }
0xc: {  	s7 =	sshrl.u32 s4, $0x1;
	s6 =	sadd.s32 s5, s0;
	s8 =	smul.u32 $0x300, s5  }
0xd: {  	v2 =	vlaneseq.u32;
	s9 =	ssub.s32 s4, s7;
	s7 =	sadd.s32 $0x120C00, s0;
	s4 =	sadd.s32 $0x200, s6  }
0xe: {  	vm0 =	vmmov $0xffff;
	v1 =	vshrl.u32 v2, $0x3;
	s5 =	sadd.s32 $0x400, s6;
	s6 =	sadd.s32 $0x120B00, s0;
	s9 =	smax.u32 s9, $0x1  }
0xf: {  	v0 =	vand.u32 $0x7, v2;
	v2 =	vor.u32 $0x8, v2;
	v1 =	vmul.u32 $0x8, v1;
	s0 =	simm.s32 $0x14100;
	s8 =	sadd.s32 s1, s8;
	s1 =	simm.s32 $0x14900  }
.LBB2_1:
0x10: {  	[tilespmem:s2], [sflag:$0x3] =	stream.linear.gather [hbm4b:s4+s2], $0x40, $0x38;
	[tilespmem:$0x18100] =	vst v63  }
0x11: {  	_ =	swait.ge [sflag:s10], $0x40  }
0x12: {  	[sflag:s10] =	ssyncset.done $0x0  }
0x13: {  	s21 =	simm.s32 $0x80;
	[sflag:s10] =	ssyncadd.s32 $0xFFFFFFC0  }
0x14: {  	[tilespmem:s21], [sflag:$0x3] =	stream.linear.gather [hbm4b:s5+s2], $0x40, $0x38;
	[tilespmem:$0x18100] =	vst v63  }
0x15: {  	_ =	swait.ge [sflag:s10], $0x40  }
0x16: {  	[sflag:s10] =	ssyncset.done $0x0  }
0x17: {  	[sflag:s10] =	ssyncadd.s32 $0xFFFFFFC0  }
0x18: {  	v3 =	vld [tilespmem:$0x0];
	_ =	sdelay $0x4  }
0x19: {  	v4 =	vshrl.u32 v3, $0x3  }
0x1a: {  	v4 =	vmul.u32 $0x30, v4  }
0x1b: {  	v3 =	vand.u32 $0x7, v3  }
0x1c: {  	v3 =	vor.u32 v3, v4  }
0x1d: {  	v4 =	vperm.xlane v3, v0;
	_ =	sdelay $0x1  }
0x1e: {  	v4 =	vadd.s32 v1, v4;
	_ =	sdelay $0x3  }
0x1f: {  	v3 =	vperm.xlane v3, v2  }
0x20: {  	[tilespmem:s12], [sflag:$0x1] =	stream.indirect_vreg.gather [hbm4b:s3+s2], $0x80, v4, vm0, $0xb8;
	[tilespmem:$0x18100] =	vst v63  }
0x21: {  	s23 =	simm.s32 $0x900;
	v3 =	vadd.s32 v1, v3  }
0x22: {  	[tilespmem:s23], [sflag:$0x1] =	stream.indirect_vreg.gather [hbm4b:s6+s2], $0x80, v4, vm0, $0xb8;
	[tilespmem:$0x18100] =	vst v63  }
0x23: {  	s24 =	simm.s32 $0x1100  }
0x24: {  	[tilespmem:s24], [sflag:$0x1] =	stream.indirect_vreg.gather [hbm4b:s7+s2], $0x80, v4, vm0, $0xb8;
	[tilespmem:$0x18100] =	vst v63  }
0x25: {  	s25 =	simm.s32 $0x1900  }
0x26: {  	[tilespmem:s25], [sflag:$0x1] =	stream.indirect_vreg.gather [hbm4b:s3+s2], $0x80, v3, vm0, $0xb8;
	[tilespmem:$0x18100] =	vst v63  }
0x27: {  	s22 =	simm.s32 $0x2100  }
0x28: {  	[tilespmem:s22], [sflag:$0x1] =	stream.indirect_vreg.gather [hbm4b:s6+s2], $0x80, v3, vm0, $0xb8;
	[tilespmem:$0x18100] =	vst v63  }
0x29: {  	s23 =	simm.s32 $0x2900  }
0x2a: {  	[tilespmem:s23], [sflag:$0x1] =	stream.indirect_vreg.gather [hbm4b:s7+s2], $0x80, v3, vm0, $0xb8;
	[tilespmem:$0x18100] =	vst v63  }
0x2b: {  	v3 =	vld [tilespmem:$0x10];
	_ =	sdelay $0x4  }
0x2c: {  	v4 =	vshrl.u32 v3, $0x3  }
0x2d: {  	v4 =	vmul.u32 $0x30, v4  }
0x2e: {  	v3 =	vand.u32 $0x7, v3  }
0x2f: {  	v3 =	vor.u32 v3, v4  }
0x30: {  	v4 =	vperm.xlane v3, v0;
	_ =	sdelay $0x1  }
0x31: {  	v4 =	vadd.s32 v1, v4;
	_ =	sdelay $0x3  }
0x32: {  	s24 =	simm.s32 $0x3100;
	v3 =	vperm.xlane v3, v2  }
0x33: {  	[tilespmem:s24], [sflag:$0x1] =	stream.indirect_vreg.gather [hbm4b:s3+s2], $0x80, v4, vm0, $0xb8;
	[tilespmem:$0x18100] =	vst v63  }
0x34: {  	s25 =	simm.s32 $0x3900;
	v3 =	vadd.s32 v1, v3  }
0x35: {  	[tilespmem:s25], [sflag:$0x1] =	stream.indirect_vreg.gather [hbm4b:s6+s2], $0x80, v4, vm0, $0xb8;
	[tilespmem:$0x18100] =	vst v63  }
0x36: {  	s22 =	simm.s32 $0x4100  }
0x37: {  	[tilespmem:s22], [sflag:$0x1] =	stream.indirect_vreg.gather [hbm4b:s7+s2], $0x80, v4, vm0, $0xb8;
	[tilespmem:$0x18100] =	vst v63  }
0x38: {  	s23 =	simm.s32 $0x4900  }
0x39: {  	[tilespmem:s23], [sflag:$0x1] =	stream.indirect_vreg.gather [hbm4b:s3+s2], $0x80, v3, vm0, $0xb8;
	[tilespmem:$0x18100] =	vst v63  }
0x3a: {  	s24 =	simm.s32 $0x5100  }
0x3b: {  	[tilespmem:s24], [sflag:$0x1] =	stream.indirect_vreg.gather [hbm4b:s6+s2], $0x80, v3, vm0, $0xb8;
	[tilespmem:$0x18100] =	vst v63  }
0x3c: {  	s25 =	simm.s32 $0x5900  }
0x3d: {  	[tilespmem:s25], [sflag:$0x1] =	stream.indirect_vreg.gather [hbm4b:s7+s2], $0x80, v3, vm0, $0xb8;
	[tilespmem:$0x18100] =	vst v63  }
0x3e: {  	v3 =	vld [tilespmem:$0x20];
	_ =	sdelay $0x4  }
0x3f: {  	v4 =	vshrl.u32 v3, $0x3  }
0x40: {  	v4 =	vmul.u32 $0x30, v4  }
0x41: {  	v3 =	vand.u32 $0x7, v3  }
0x42: {  	v3 =	vor.u32 v3, v4  }
0x43: {  	v4 =	vperm.xlane v3, v0;
	_ =	sdelay $0x1  }
0x44: {  	v4 =	vadd.s32 v1, v4;
	_ =	sdelay $0x3  }
0x45: {  	s22 =	simm.s32 $0x6100;
	v3 =	vperm.xlane v3, v2  }
0x46: {  	[tilespmem:s22], [sflag:$0x1] =	stream.indirect_vreg.gather [hbm4b:s3+s2], $0x80, v4, vm0, $0xb8;
	[tilespmem:$0x18100] =	vst v63  }
0x47: {  	s23 =	simm.s32 $0x6900;
	v3 =	vadd.s32 v1, v3  }
0x48: {  	[tilespmem:s23], [sflag:$0x1] =	stream.indirect_vreg.gather [hbm4b:s6+s2], $0x80, v4, vm0, $0xb8;
	[tilespmem:$0x18100] =	vst v63  }
0x49: {  	s24 =	simm.s32 $0x7100  }
0x4a: {  	[tilespmem:s24], [sflag:$0x1] =	stream.indirect_vreg.gather [hbm4b:s7+s2], $0x80, v4, vm0, $0xb8;
	[tilespmem:$0x18100] =	vst v63  }
0x4b: {  	s25 =	simm.s32 $0x7900  }
0x4c: {  	[tilespmem:s25], [sflag:$0x1] =	stream.indirect_vreg.gather [hbm4b:s3+s2], $0x80, v3, vm0, $0xb8;
	[tilespmem:$0x18100] =	vst v63  }
0x4d: {  	s22 =	simm.s32 $0x8100  }
0x4e: {  	[tilespmem:s22], [sflag:$0x1] =	stream.indirect_vreg.gather [hbm4b:s6+s2], $0x80, v3, vm0, $0xb8;
	[tilespmem:$0x18100] =	vst v63  }
0x4f: {  	s23 =	simm.s32 $0x8900  }
0x50: {  	[tilespmem:s23], [sflag:$0x1] =	stream.indirect_vreg.gather [hbm4b:s7+s2], $0x80, v3, vm0, $0xb8;
	[tilespmem:$0x18100] =	vst v63  }
0x51: {  	v3 =	vld [tilespmem:$0x30];
	_ =	sdelay $0x4  }
0x52: {  	v4 =	vshrl.u32 v3, $0x3  }
0x53: {  	v4 =	vmul.u32 $0x30, v4  }
0x54: {  	v3 =	vand.u32 $0x7, v3  }
0x55: {  	v3 =	vor.u32 v3, v4  }
0x56: {  	v4 =	vperm.xlane v3, v0;
	_ =	sdelay $0x1  }
0x57: {  	v4 =	vadd.s32 v1, v4;
	_ =	sdelay $0x3  }
0x58: {  	s24 =	simm.s32 $0x9100;
	v3 =	vperm.xlane v3, v2  }
0x59: {  	[tilespmem:s24], [sflag:$0x1] =	stream.indirect_vreg.gather [hbm4b:s3+s2], $0x80, v4, vm0, $0xb8;
	[tilespmem:$0x18100] =	vst v63  }
0x5a: {  	s25 =	simm.s32 $0x9900;
	v3 =	vadd.s32 v1, v3  }
0x5b: {  	[tilespmem:s25], [sflag:$0x1] =	stream.indirect_vreg.gather [hbm4b:s6+s2], $0x80, v4, vm0, $0xb8;
	[tilespmem:$0x18100] =	vst v63  }
0x5c: {  	s22 =	simm.s32 $0xA100  }
0x5d: {  	[tilespmem:s22], [sflag:$0x1] =	stream.indirect_vreg.gather [hbm4b:s7+s2], $0x80, v4, vm0, $0xb8;
	[tilespmem:$0x18100] =	vst v63  }
0x5e: {  	s23 =	simm.s32 $0xA900  }
0x5f: {  	[tilespmem:s23], [sflag:$0x1] =	stream.indirect_vreg.gather [hbm4b:s3+s2], $0x80, v3, vm0, $0xb8;
	[tilespmem:$0x18100] =	vst v63  }
0x60: {  	s24 =	simm.s32 $0xB100  }
0x61: {  	[tilespmem:s24], [sflag:$0x1] =	stream.indirect_vreg.gather [hbm4b:s6+s2], $0x80, v3, vm0, $0xb8;
	[tilespmem:$0x18100] =	vst v63  }
0x62: {  	s25 =	simm.s32 $0xB900  }
0x63: {  	[tilespmem:s25], [sflag:$0x1] =	stream.indirect_vreg.gather [hbm4b:s7+s2], $0x80, v3, vm0, $0xb8;
	[tilespmem:$0x18100] =	vst v63  }
0x64: {  	v3 =	vld [tilespmem:$0x80];
	_ =	sdelay $0x4  }
0x65: {  	v4 =	vshrl.u32 v3, $0x3  }
0x66: {  	v4 =	vmul.u32 $0x30, v4  }
0x67: {  	v3 =	vand.u32 $0x7, v3  }
0x68: {  	v3 =	vor.u32 v3, v4  }
0x69: {  	v4 =	vperm.xlane v3, v0;
	_ =	sdelay $0x1  }
0x6a: {  	v4 =	vadd.s32 v1, v4;
	_ =	sdelay $0x3  }
0x6b: {  	s22 =	simm.s32 $0xC100;
	v3 =	vperm.xlane v3, v2  }
0x6c: {  	[tilespmem:s22], [sflag:$0x2] =	stream.indirect_vreg.gather [hbm4b:s3+s2], $0x80, v4, vm0, $0xb8;
	[tilespmem:$0x18100] =	vst v63  }
0x6d: {  	s23 =	simm.s32 $0xC900;
	v3 =	vadd.s32 v1, v3  }
0x6e: {  	[tilespmem:s23], [sflag:$0x2] =	stream.indirect_vreg.gather [hbm4b:s6+s2], $0x80, v4, vm0, $0xb8;
	[tilespmem:$0x18100] =	vst v63  }
0x6f: {  	s24 =	simm.s32 $0xD100  }
0x70: {  	[tilespmem:s24], [sflag:$0x2] =	stream.indirect_vreg.gather [hbm4b:s7+s2], $0x80, v4, vm0, $0xb8;
	[tilespmem:$0x18100] =	vst v63  }
0x71: {  	s25 =	simm.s32 $0xD900  }
0x72: {  	[tilespmem:s25], [sflag:$0x2] =	stream.indirect_vreg.gather [hbm4b:s3+s2], $0x80, v3, vm0, $0xb8;
	[tilespmem:$0x18100] =	vst v63  }
0x73: {  	s22 =	simm.s32 $0xE100  }
0x74: {  	[tilespmem:s22], [sflag:$0x2] =	stream.indirect_vreg.gather [hbm4b:s6+s2], $0x80, v3, vm0, $0xb8;
	[tilespmem:$0x18100] =	vst v63  }
0x75: {  	s23 =	simm.s32 $0xE900  }
0x76: {  	[tilespmem:s23], [sflag:$0x2] =	stream.indirect_vreg.gather [hbm4b:s7+s2], $0x80, v3, vm0, $0xb8;
	[tilespmem:$0x18100] =	vst v63  }
0x77: {  	v3 =	vld [tilespmem:$0x90];
	_ =	sdelay $0x4  }
0x78: {  	v4 =	vshrl.u32 v3, $0x3  }
0x79: {  	v4 =	vmul.u32 $0x30, v4  }
0x7a: {  	v3 =	vand.u32 $0x7, v3  }
0x7b: {  	v3 =	vor.u32 v3, v4  }
0x7c: {  	v4 =	vperm.xlane v3, v0;
	_ =	sdelay $0x1  }
0x7d: {  	v4 =	vadd.s32 v1, v4;
	_ =	sdelay $0x3  }
0x7e: {  	s24 =	simm.s32 $0xF100;
	v3 =	vperm.xlane v3, v2  }
0x7f: {  	[tilespmem:s24], [sflag:$0x2] =	stream.indirect_vreg.gather [hbm4b:s3+s2], $0x80, v4, vm0, $0xb8;
	[tilespmem:$0x18100] =	vst v63  }
0x80: {  	s25 =	simm.s32 $0xF900;
	v3 =	vadd.s32 v1, v3  }
0x81: {  	[tilespmem:s25], [sflag:$0x2] =	stream.indirect_vreg.gather [hbm4b:s6+s2], $0x80, v4, vm0, $0xb8;
	[tilespmem:$0x18100] =	vst v63  }
0x82: {  	s22 =	simm.s32 $0x10100  }
0x83: {  	[tilespmem:s22], [sflag:$0x2] =	stream.indirect_vreg.gather [hbm4b:s7+s2], $0x80, v4, vm0, $0xb8;
	[tilespmem:$0x18100] =	vst v63  }
0x84: {  	s23 =	simm.s32 $0x10900  }
0x85: {  	[tilespmem:s23], [sflag:$0x2] =	stream.indirect_vreg.gather [hbm4b:s3+s2], $0x80, v3, vm0, $0xb8;
	[tilespmem:$0x18100] =	vst v63  }
0x86: {  	s24 =	simm.s32 $0x11100  }
0x87: {  	[tilespmem:s24], [sflag:$0x2] =	stream.indirect_vreg.gather [hbm4b:s6+s2], $0x80, v3, vm0, $0xb8;
	[tilespmem:$0x18100] =	vst v63  }
0x88: {  	_ = 	snop  }
0x89: {  	[tilespmem:s26], [sflag:$0x2] =	stream.indirect_vreg.gather [hbm4b:s7+s2], $0x80, v3, vm0, $0xb8;
	[tilespmem:$0x18100] =	vst v63  }
0x8a: {  	v3 =	vld [tilespmem:$0xA0];
	_ =	sdelay $0x4  }
0x8b: {  	v4 =	vshrl.u32 v3, $0x3  }
0x8c: {  	v4 =	vmul.u32 $0x30, v4  }
0x8d: {  	v3 =	vand.u32 $0x7, v3  }
0x8e: {  	v3 =	vor.u32 v3, v4  }
0x8f: {  	v4 =	vperm.xlane v3, v0;
	_ =	sdelay $0x1  }
0x90: {  	v4 =	vadd.s32 v1, v4;
	_ =	sdelay $0x3  }
0x91: {  	v3 =	vperm.xlane v3, v2  }
0x92: {  	[tilespmem:s28], [sflag:$0x2] =	stream.indirect_vreg.gather [hbm4b:s3+s2], $0x80, v4, vm0, $0xb8;
	[tilespmem:$0x18100] =	vst v63  }
0x93: {  	v3 =	vadd.s32 v1, v3  }
0x94: {  	[tilespmem:s29], [sflag:$0x2] =	stream.indirect_vreg.gather [hbm4b:s6+s2], $0x80, v4, vm0, $0xb8;
	[tilespmem:$0x18100] =	vst v63  }
0x95: {  	_ = 	snop  }
0x96: {  	[tilespmem:s30], [sflag:$0x2] =	stream.indirect_vreg.gather [hbm4b:s7+s2], $0x80, v4, vm0, $0xb8;
	[tilespmem:$0x18100] =	vst v63  }
0x97: {  	_ = 	snop  }
0x98: {  	[tilespmem:s31], [sflag:$0x2] =	stream.indirect_vreg.gather [hbm4b:s3+s2], $0x80, v3, vm0, $0xb8;
	[tilespmem:$0x18100] =	vst v63  }
0x99: {  	_ = 	snop  }
0x9a: {  	[tilespmem:s0], [sflag:$0x2] =	stream.indirect_vreg.gather [hbm4b:s6+s2], $0x80, v3, vm0, $0xb8;
	[tilespmem:$0x18100] =	vst v63  }
0x9b: {  	_ = 	snop  }
0x9c: {  	[tilespmem:s1], [sflag:$0x2] =	stream.indirect_vreg.gather [hbm4b:s7+s2], $0x80, v3, vm0, $0xb8;
	[tilespmem:$0x18100] =	vst v63  }
0x9d: {  	v3 =	vld [tilespmem:$0xB0];
	_ =	sdelay $0x4  }
0x9e: {  	v4 =	vshrl.u32 v3, $0x3  }
0x9f: {  	v4 =	vmul.u32 $0x30, v4  }
0xa0: {  	v3 =	vand.u32 $0x7, v3  }
0xa1: {  	v3 =	vor.u32 v3, v4  }
0xa2: {  	v4 =	vperm.xlane v3, v0;
	_ =	sdelay $0x1  }
0xa3: {  	v4 =	vadd.s32 v1, v4;
	_ =	sdelay $0x3  }
0xa4: {  	v3 =	vperm.xlane v3, v2  }
0xa5: {  	[tilespmem:s11], [sflag:$0x2] =	stream.indirect_vreg.gather [hbm4b:s3+s2], $0x80, v4, vm0, $0xb8;
	[tilespmem:$0x18100] =	vst v63  }
0xa6: {  	v3 =	vadd.s32 v1, v3  }
0xa7: {  	[tilespmem:s13], [sflag:$0x2] =	stream.indirect_vreg.gather [hbm4b:s6+s2], $0x80, v4, vm0, $0xb8;
	[tilespmem:$0x18100] =	vst v63  }
0xa8: {  	_ = 	snop  }
0xa9: {  	[tilespmem:s14], [sflag:$0x2] =	stream.indirect_vreg.gather [hbm4b:s7+s2], $0x80, v4, vm0, $0xb8;
	[tilespmem:$0x18100] =	vst v63  }
0xaa: {  	_ = 	snop  }
0xab: {  	[tilespmem:s15], [sflag:$0x2] =	stream.indirect_vreg.gather [hbm4b:s3+s2], $0x80, v3, vm0, $0xb8;
	[tilespmem:$0x18100] =	vst v63  }
0xac: {  	_ = 	snop  }
0xad: {  	[tilespmem:s16], [sflag:$0x2] =	stream.indirect_vreg.gather [hbm4b:s6+s2], $0x80, v3, vm0, $0xb8;
	[tilespmem:$0x18100] =	vst v63  }
0xae: {  	_ = 	snop  }
0xaf: {  	[tilespmem:s17], [sflag:$0x2] =	stream.indirect_vreg.gather [hbm4b:s7+s2], $0x80, v3, vm0, $0xb8;
	[tilespmem:$0x18100] =	vst v63  }
0xb0: {  	_ =	swait.ge [sflag:s18], $0xC000  }
0xb1: {  	[sflag:s18] =	ssyncset.done $0x0  }
0xb2: {  	s25 =	simm.s32 $0x0;
	[sflag:s18] =	ssyncadd.s32 $0xFFFF4000  }
0xb3: {  	s21 =	smul.u32 $0x1800, s25;
	_ =	swait.ge [sflag:s19], $0xC000  }
0xb4: {  	s22 =	sand.u32 $0x380, s2;
	[sflag:s19] =	ssyncset.done $0x0  }
0xb5: {  	s21 =	sor.u32 s22, s21;
	[sflag:s19] =	ssyncadd.s32 $0xFFFF4000  }
0xb6: {  	v12 =	vld [tilespmem:s21+$0xC100]  }
0xb7: {  	v13 =	vld [tilespmem:s21+$0xC110]  }
0xb8: {  	v14 =	vld [tilespmem:s21+$0xC120]  }
0xb9: {  	v15 =	vld [tilespmem:s21+$0xC130]  }
0xba: {  	v16 =	vld [tilespmem:s21+$0xC140]  }
0xbb: {  	v17 =	vld [tilespmem:s21+$0xC150]  }
0xbc: {  	v18 =	vld [tilespmem:s21+$0xC160]  }
0xbd: {  	v19 =	vld [tilespmem:s21+$0xC170]  }
0xbe: {  	v20 =	vld [tilespmem:s21+$0xC500]  }
0xbf: {  	v21 =	vld [tilespmem:s21+$0xC510]  }
0xc0: {  	v22 =	vld [tilespmem:s21+$0xC520]  }
0xc1: {  	v23 =	vld [tilespmem:s21+$0xC530]  }
0xc2: {  	v24 =	vld [tilespmem:s21+$0xC540]  }
0xc3: {  	v25 =	vld [tilespmem:s21+$0xC550]  }
0xc4: {  	v26 =	vld [tilespmem:s21+$0xC560]  }
0xc5: {  	v27 =	vld [tilespmem:s21+$0xC570]  }
0xc6: {  	v28 =	vld [tilespmem:s21+$0xC900]  }
0xc7: {  	v29 =	vld [tilespmem:s21+$0xC910]  }
0xc8: {  	v30 =	vld [tilespmem:s21+$0xC920]  }
0xc9: {  	v31 =	vld [tilespmem:s21+$0xC930]  }
0xca: {  	v32 =	vld [tilespmem:s21+$0xC940]  }
0xcb: {  	v33 =	vld [tilespmem:s21+$0xC950]  }
0xcc: {  	v34 =	vld [tilespmem:s21+$0xC960]  }
0xcd: {  	v35 =	vld [tilespmem:s21+$0xC970]  }
0xce: {  	v36 =	vld [tilespmem:s21+$0xCD00]  }
0xcf: {  	v37 =	vld [tilespmem:s21+$0xCD10]  }
0xd0: {  	v38 =	vld [tilespmem:s21+$0xCD20]  }
0xd1: {  	v39 =	vld [tilespmem:s21+$0xCD30]  }
0xd2: {  	v40 =	vld [tilespmem:s21+$0xCD40]  }
0xd3: {  	v41 =	vld [tilespmem:s21+$0xCD50]  }
0xd4: {  	v42 =	vld [tilespmem:s21+$0xCD60]  }
0xd5: {  	v43 =	vld [tilespmem:s21+$0xCD70]  }
0xd6: {  	v44 =	vld [tilespmem:s21+$0xD100]  }
0xd7: {  	v45 =	vld [tilespmem:s21+$0xD110]  }
0xd8: {  	v46 =	vld [tilespmem:s21+$0xD120]  }
0xd9: {  	v47 =	vld [tilespmem:s21+$0xD130]  }
0xda: {  	v48 =	vld [tilespmem:s21+$0xD140]  }
0xdb: {  	v49 =	vld [tilespmem:s21+$0xD150]  }
0xdc: {  	v50 =	vld [tilespmem:s21+$0xD160]  }
0xdd: {  	v11 =	vld [tilespmem:s21+$0xD170]  }
0xde: {  	v10 =	vld [tilespmem:s21+$0xD500]  }
0xdf: {  	v9 =	vld [tilespmem:s21+$0xD510]  }
0xe0: {  	v8 =	vld [tilespmem:s21+$0xD520]  }
0xe1: {  	v7 =	vld [tilespmem:s21+$0xD530]  }
0xe2: {  	v6 =	vld [tilespmem:s21+$0xD540]  }
0xe3: {  	v51 =	vld [tilespmem:s21+$0x100]  }
0xe4: {  	v52 =	vld [tilespmem:s21+$0x110]  }
0xe5: {  	v53 =	vld [tilespmem:s21+$0x120]  }
0xe6: {  	v54 =	vld [tilespmem:s21+$0x130]  }
0xe7: {  	v55 =	vld [tilespmem:s21+$0x140]  }
0xe8: {  	v62 =	vld [tilespmem:s21+$0x150];
	v12 =	vadd.f32 v12, v51  }
0xe9: {  	v63 =	vld [tilespmem:s21+$0x160];
	v13 =	vadd.f32 v13, v52  }
0xea: {  	[tilespmem:s21+$0x100] =	vst v12;
	v12 =	vadd.f32 v14, v53;
	v14 =	vld [tilespmem:s21+$0x170]  }
0xeb: {  	[tilespmem:s21+$0x110] =	vst v13;
	v13 =	vadd.f32 v15, v54;
	v15 =	vld [tilespmem:s21+$0x500]  }
0xec: {  	[tilespmem:s21+$0x120] =	vst v12;
	v12 =	vadd.f32 v16, v55;
	v16 =	vld [tilespmem:s21+$0x510]  }
0xed: {  	[tilespmem:s21+$0x130] =	vst v13;
	v13 =	vadd.f32 v17, v62;
	v17 =	vld [tilespmem:s21+$0x520]  }
0xee: {  	v5 =	vld [tilespmem:s21+$0xD550]  }
0xef: {  	[tilespmem:s21+$0x140] =	vst v12;
	v12 =	vadd.f32 v18, v63;
	v18 =	vld [tilespmem:s21+$0x570]  }
0xf0: {  	[tilespmem:s21+$0x150] =	vst v13;
	v13 =	vadd.f32 v19, v14;
	v14 =	vld [tilespmem:s21+$0x530]  }
0xf1: {  	[tilespmem:s21+$0x160] =	vst v12;
	v12 =	vadd.f32 v20, v15;
	v15 =	vld [tilespmem:s21+$0x540]  }
0xf2: {  	[tilespmem:s21+$0x170] =	vst v13;
	v13 =	vadd.f32 v21, v16;
	v16 =	vadd.f32 v22, v17;
	v17 =	vld [tilespmem:s21+$0x560]  }
0xf3: {  	[tilespmem:s21+$0x500] =	vst v12;
	v12 =	vld [tilespmem:s21+$0x550]  }
0xf4: {  	[tilespmem:s21+$0x510] =	vst v13;
	v13 =	vld [tilespmem:s21+$0x900];
	v18 =	vadd.f32 v27, v18  }
0xf5: {  	[tilespmem:s21+$0x520] =	vst v16;
	v16 =	vld [tilespmem:s21+$0x910];
	v14 =	vadd.f32 v23, v14  }
0xf6: {  	v4 =	vld [tilespmem:s21+$0xD560];
	v15 =	vadd.f32 v24, v15;
	[tilespmem:s21+$0x570] =	vst v18  }
0xf7: {  	[tilespmem:s21+$0x530] =	vst v14;
	v14 =	vld [tilespmem:s21+$0x920];
	v17 =	vadd.f32 v26, v17  }
0xf8: {  	v12 =	vadd.f32 v25, v12;
	[tilespmem:s21+$0x540] =	vst v15;
	v15 =	vld [tilespmem:s21+$0x930]  }
0xf9: {  	v18 =	vld [tilespmem:s21+$0x970];
	[tilespmem:s21+$0x560] =	vst v17;
	v13 =	vadd.f32 v28, v13  }
0xfa: {  	v16 =	vadd.f32 v29, v16;
	[tilespmem:s21+$0x550] =	vst v12;
	v12 =	vld [tilespmem:s21+$0x940]  }
0xfb: {  	v17 =	vld [tilespmem:s21+$0x950];
	[tilespmem:s21+$0x900] =	vst v13  }
0xfc: {  	[tilespmem:s21+$0x910] =	vst v16;
	v16 =	vld [tilespmem:s21+$0x960];
	v13 =	vadd.f32 v30, v14  }
0xfd: {  	v14 =	vld [tilespmem:s21+$0xD00];
	v15 =	vadd.f32 v31, v15  }
0xfe: {  	[tilespmem:s21+$0x920] =	vst v13;
	v13 =	vld [tilespmem:s21+$0xD10]  }
0xff: {  	v12 =	vadd.f32 v32, v12;
	[tilespmem:s21+$0x930] =	vst v15;
	v15 =	vld [tilespmem:s21+$0xD20]  }
0x100: {  	v3 =	vld [tilespmem:s21+$0xD570];
	v17 =	vadd.f32 v33, v17  }
0x101: {  	v16 =	vadd.f32 v34, v16;
	[tilespmem:s21+$0x940] =	vst v12;
	v12 =	vld [tilespmem:s21+$0xD30]  }
0x102: {  	[tilespmem:s21+$0x950] =	vst v17;
	v17 =	vld [tilespmem:s21+$0xD40];
	v14 =	vadd.f32 v36, v14  }
0x103: {  	v18 =	vadd.f32 v35, v18;
	[tilespmem:s21+$0x960] =	vst v16;
	v16 =	vld [tilespmem:s21+$0xD50]  }
0x104: {  	v13 =	vadd.f32 v37, v13;
	[tilespmem:s21+$0xD00] =	vst v14;
	v14 =	vadd.f32 v38, v15;
	v15 =	vld [tilespmem:s21+$0xD60]  }
0x105: {  	[tilespmem:s21+$0x970] =	vst v18;
	v18 =	vld [tilespmem:s21+$0xD70]  }
0x106: {  	[tilespmem:s21+$0xD10] =	vst v13;
	v13 =	vld [tilespmem:s21+$0x1100];
	v12 =	vadd.f32 v39, v12  }
0x107: {  	v17 =	vadd.f32 v40, v17;
	[tilespmem:s21+$0xD20] =	vst v14;
	v14 =	vld [tilespmem:s21+$0x1110]  }
0x108: {  	v16 =	vadd.f32 v41, v16;
	[tilespmem:s21+$0xD30] =	vst v12;
	v12 =	vld [tilespmem:s21+$0x1120]  }
0x109: {  	[tilespmem:s21+$0xD40] =	vst v17;
	v17 =	vld [tilespmem:s21+$0x1130];
	v15 =	vadd.f32 v42, v15  }
0x10a: {  	v19 =	vld [tilespmem:s21+$0x1140];
	[tilespmem:s21+$0xD50] =	vst v16;
	v16 =	vadd.f32 v43, v18  }
0x10b: {  	v18 =	vld [tilespmem:s21+$0x1150];
	v13 =	vadd.f32 v44, v13;
	[tilespmem:s21+$0xD60] =	vst v15  }
0x10c: {  	v20 =	vld [tilespmem:s21+$0x1160];
	[tilespmem:s21+$0xD70] =	vst v16;
	v14 =	vadd.f32 v45, v14  }
0x10d: {  	v16 =	vld [tilespmem:s21+$0x1170];
	[tilespmem:s21+$0x1100] =	vst v13;
	v12 =	vadd.f32 v46, v12  }
0x10e: {  	v15 =	vld [tilespmem:s21+$0x1500];
	v13 =	vadd.f32 v47, v17;
	[tilespmem:s21+$0x1110] =	vst v14  }
0x10f: {  	v14 =	vld [tilespmem:s21+$0x1510];
	[tilespmem:s21+$0x1120] =	vst v12;
	v12 =	vadd.f32 v48, v19  }
0x110: {  	[tilespmem:s21+$0x1130] =	vst v13;
	v13 =	vld [tilespmem:s21+$0x1520];
	v18 =	vadd.f32 v49, v18  }
0x111: {  	s22 =	simm.s32 $0x1;
	s23 =	simm.s32 $0x0;
	v17 =	vadd.f32 v50, v20;
	[tilespmem:s21+$0x1140] =	vst v12;
	v12 =	vld [tilespmem:s21+$0x1530]  }
.LBB2_2:
0x112: {  	s24 =	sshrl.u32 s22, $0x3;
	p0 =	sne.s32 s22, $0x3F;
	[tilespmem:s21+$0x1150] =	vst v18;
	v11 =	vadd.f32 v11, v16;
	v16 =	vld [tilespmem:s21+$0x1540]  }
0x113: {  	s23 =	sadd.s32 $0x80, s23;
	s24 =	smul.u32 $0x1800, s24;
	[tilespmem:s21+$0x1160] =	vst v17;
	v10 =	vadd.f32 v10, v15;
	v15 =	vld [tilespmem:s21+$0x1550]  }
0x114: {  	s25 =	sand.u32 $0x380, s23;
	[tilespmem:s21+$0x1170] =	vst v11;
	v9 =	vadd.f32 v9, v14;
	v11 =	vld [tilespmem:s21+$0x1560]  }
0x115: {  	s24 =	sor.u32 s25, s24;
	[tilespmem:s21+$0x1500] =	vst v10;
	v8 =	vadd.f32 v8, v13;
	v10 =	vld [tilespmem:s21+$0x1570]  }
0x116: {  	v39 =	vld [tilespmem:s24+$0xC100];
	[tilespmem:s21+$0x1510] =	vst v9;
	v7 =	vadd.f32 v7, v12  }
0x117: {  	v40 =	vld [tilespmem:s24+$0xC110];
	[tilespmem:s21+$0x1520] =	vst v8;
	v6 =	vadd.f32 v6, v16  }
0x118: {  	v41 =	vld [tilespmem:s24+$0xC120];
	[tilespmem:s21+$0x1530] =	vst v7;
	v5 =	vadd.f32 v5, v15  }
0x119: {  	v42 =	vld [tilespmem:s24+$0xC130];
	[tilespmem:s21+$0x1540] =	vst v6;
	v4 =	vadd.f32 v4, v11  }
0x11a: {  	v43 =	vld [tilespmem:s24+$0xC140];
	[tilespmem:s21+$0x1550] =	vst v5;
	v3 =	vadd.f32 v3, v10  }
0x11b: {  	v44 =	vld [tilespmem:s24+$0xC150];
	[tilespmem:s21+$0x1560] =	vst v4  }
0x11c: {  	v45 =	vld [tilespmem:s24+$0xC160];
	[tilespmem:s21+$0x1570] =	vst v3;
	s21 =	smov.u32 s24  }
0x11d: {  	v46 =	vld [tilespmem:s21+$0xC170]  }
0x11e: {  	v47 =	vld [tilespmem:s21+$0xC500]  }
0x11f: {  	v48 =	vld [tilespmem:s21+$0xC510]  }
0x120: {  	v49 =	vld [tilespmem:s21+$0xC520]  }
0x121: {  	v50 =	vld [tilespmem:s21+$0xC530]  }
0x122: {  	v38 =	vld [tilespmem:s21+$0xC540]  }
0x123: {  	v37 =	vld [tilespmem:s21+$0xC550]  }
0x124: {  	v36 =	vld [tilespmem:s21+$0xC560]  }
0x125: {  	v35 =	vld [tilespmem:s21+$0xC570]  }
0x126: {  	v34 =	vld [tilespmem:s21+$0xC900]  }
0x127: {  	v33 =	vld [tilespmem:s21+$0xC910]  }
0x128: {  	v32 =	vld [tilespmem:s21+$0xC920]  }
0x129: {  	v31 =	vld [tilespmem:s21+$0xC930]  }
0x12a: {  	v30 =	vld [tilespmem:s21+$0xC940]  }
0x12b: {  	v29 =	vld [tilespmem:s21+$0xC950]  }
0x12c: {  	v28 =	vld [tilespmem:s21+$0xC960]  }
0x12d: {  	v27 =	vld [tilespmem:s21+$0xC970]  }
0x12e: {  	v26 =	vld [tilespmem:s21+$0xCD00]  }
0x12f: {  	v25 =	vld [tilespmem:s21+$0xCD10]  }
0x130: {  	v24 =	vld [tilespmem:s21+$0xCD20]  }
0x131: {  	v23 =	vld [tilespmem:s21+$0xCD30]  }
0x132: {  	v22 =	vld [tilespmem:s21+$0xCD40]  }
0x133: {  	v21 =	vld [tilespmem:s21+$0xCD50]  }
0x134: {  	v20 =	vld [tilespmem:s21+$0xCD60]  }
0x135: {  	v19 =	vld [tilespmem:s21+$0xCD70]  }
0x136: {  	v18 =	vld [tilespmem:s21+$0xD100]  }
0x137: {  	v17 =	vld [tilespmem:s21+$0xD110]  }
0x138: {  	v16 =	vld [tilespmem:s21+$0xD120]  }
0x139: {  	v15 =	vld [tilespmem:s21+$0xD130]  }
0x13a: {  	v14 =	vld [tilespmem:s21+$0xD140]  }
0x13b: {  	v13 =	vld [tilespmem:s21+$0xD150]  }
0x13c: {  	v12 =	vld [tilespmem:s21+$0xD160]  }
0x13d: {  	v11 =	vld [tilespmem:s21+$0xD170]  }
0x13e: {  	v10 =	vld [tilespmem:s21+$0xD500]  }
0x13f: {  	v9 =	vld [tilespmem:s21+$0xD510]  }
0x140: {  	v8 =	vld [tilespmem:s21+$0xD520]  }
0x141: {  	v7 =	vld [tilespmem:s21+$0xD530]  }
0x142: {  	v6 =	vld [tilespmem:s21+$0xD540]  }
0x143: {  	v5 =	vld [tilespmem:s21+$0xD550]  }
0x144: {  	v4 =	vld [tilespmem:s21+$0xD560]  }
0x145: {  	v3 =	vld [tilespmem:s21+$0xD570]  }
0x146: {  	v51 =	vld [tilespmem:s21+$0x100]  }
0x147: {  	v52 =	vld [tilespmem:s21+$0x110]  }
0x148: {  	v53 =	vld [tilespmem:s21+$0x120]  }
0x149: {  	v54 =	vld [tilespmem:s21+$0x130]  }
0x14a: {  	v55 =	vld [tilespmem:s21+$0x140]  }
0x14b: {  	v39 =	vadd.f32 v39, v51;
	v51 =	vld [tilespmem:s21+$0x150]  }
0x14c: {  	v40 =	vadd.f32 v40, v52;
	v52 =	vld [tilespmem:s21+$0x160]  }
0x14d: {  	[tilespmem:s21+$0x100] =	vst v39;
	v39 =	vadd.f32 v41, v53;
	v41 =	vld [tilespmem:s21+$0x170]  }
0x14e: {  	[tilespmem:s21+$0x110] =	vst v40;
	v40 =	vadd.f32 v42, v54;
	v42 =	vld [tilespmem:s21+$0x500]  }
0x14f: {  	[tilespmem:s21+$0x120] =	vst v39;
	v39 =	vadd.f32 v43, v55;
	v43 =	vld [tilespmem:s21+$0x510]  }
0x150: {  	[tilespmem:s21+$0x130] =	vst v40;
	v40 =	vadd.f32 v44, v51;
	v44 =	vld [tilespmem:s21+$0x520]  }
0x151: {  	[tilespmem:s21+$0x140] =	vst v39;
	v39 =	vadd.f32 v45, v52;
	v45 =	vld [tilespmem:s21+$0x530]  }
0x152: {  	[tilespmem:s21+$0x150] =	vst v40;
	v40 =	vadd.f32 v46, v41;
	v41 =	vld [tilespmem:s21+$0x540]  }
0x153: {  	[tilespmem:s21+$0x160] =	vst v39;
	v39 =	vadd.f32 v47, v42;
	v42 =	vld [tilespmem:s21+$0x550]  }
0x154: {  	[tilespmem:s21+$0x170] =	vst v40;
	v40 =	vadd.f32 v48, v43;
	v43 =	vld [tilespmem:s21+$0x560]  }
0x155: {  	[tilespmem:s21+$0x500] =	vst v39;
	v39 =	vadd.f32 v49, v44;
	v44 =	vld [tilespmem:s21+$0x570]  }
0x156: {  	[tilespmem:s21+$0x510] =	vst v40;
	v40 =	vadd.f32 v50, v45;
	v45 =	vld [tilespmem:s21+$0x900]  }
0x157: {  	[tilespmem:s21+$0x520] =	vst v39;
	v38 =	vadd.f32 v38, v41;
	v39 =	vld [tilespmem:s21+$0x910]  }
0x158: {  	[tilespmem:s21+$0x530] =	vst v40;
	v37 =	vadd.f32 v37, v42;
	v40 =	vld [tilespmem:s21+$0x920]  }
0x159: {  	[tilespmem:s21+$0x540] =	vst v38;
	v36 =	vadd.f32 v36, v43;
	v38 =	vld [tilespmem:s21+$0x930]  }
0x15a: {  	[tilespmem:s21+$0x550] =	vst v37;
	v35 =	vadd.f32 v35, v44;
	v37 =	vld [tilespmem:s21+$0x940]  }
0x15b: {  	[tilespmem:s21+$0x560] =	vst v36;
	v34 =	vadd.f32 v34, v45;
	v36 =	vld [tilespmem:s21+$0x950]  }
0x15c: {  	[tilespmem:s21+$0x570] =	vst v35;
	v33 =	vadd.f32 v33, v39;
	v35 =	vld [tilespmem:s21+$0x960]  }
0x15d: {  	[tilespmem:s21+$0x900] =	vst v34;
	v32 =	vadd.f32 v32, v40;
	v34 =	vld [tilespmem:s21+$0x970]  }
0x15e: {  	[tilespmem:s21+$0x910] =	vst v33;
	v31 =	vadd.f32 v31, v38;
	v33 =	vld [tilespmem:s21+$0xD00]  }
0x15f: {  	[tilespmem:s21+$0x920] =	vst v32;
	v30 =	vadd.f32 v30, v37;
	v32 =	vld [tilespmem:s21+$0xD10]  }
0x160: {  	[tilespmem:s21+$0x930] =	vst v31;
	v29 =	vadd.f32 v29, v36;
	v31 =	vld [tilespmem:s21+$0xD20]  }
0x161: {  	[tilespmem:s21+$0x940] =	vst v30;
	v28 =	vadd.f32 v28, v35;
	v30 =	vld [tilespmem:s21+$0xD30]  }
0x162: {  	[tilespmem:s21+$0x950] =	vst v29;
	v27 =	vadd.f32 v27, v34;
	v29 =	vld [tilespmem:s21+$0xD40]  }
0x163: {  	[tilespmem:s21+$0x960] =	vst v28;
	v26 =	vadd.f32 v26, v33;
	v28 =	vld [tilespmem:s21+$0xD50]  }
0x164: {  	[tilespmem:s21+$0x970] =	vst v27;
	v25 =	vadd.f32 v25, v32;
	v27 =	vld [tilespmem:s21+$0xD60]  }
0x165: {  	[tilespmem:s21+$0xD00] =	vst v26;
	v24 =	vadd.f32 v24, v31;
	v26 =	vld [tilespmem:s21+$0xD70]  }
0x166: {  	[tilespmem:s21+$0xD10] =	vst v25;
	v23 =	vadd.f32 v23, v30;
	v25 =	vld [tilespmem:s21+$0x1100]  }
0x167: {  	[tilespmem:s21+$0xD20] =	vst v24;
	v22 =	vadd.f32 v22, v29;
	v24 =	vld [tilespmem:s21+$0x1110]  }
0x168: {  	[tilespmem:s21+$0xD30] =	vst v23;
	v21 =	vadd.f32 v21, v28;
	v23 =	vld [tilespmem:s21+$0x1120]  }
0x169: {  	[tilespmem:s21+$0xD40] =	vst v22;
	v20 =	vadd.f32 v20, v27;
	v22 =	vld [tilespmem:s21+$0x1130]  }
0x16a: {  	[tilespmem:s21+$0xD50] =	vst v21;
	v19 =	vadd.f32 v19, v26;
	v21 =	vld [tilespmem:s21+$0x1140]  }
0x16b: {  	[tilespmem:s21+$0xD60] =	vst v20;
	v18 =	vadd.f32 v18, v25;
	v20 =	vld [tilespmem:s21+$0x1150]  }
0x16c: {  	[tilespmem:s21+$0xD70] =	vst v19;
	v17 =	vadd.f32 v17, v24;
	v19 =	vld [tilespmem:s21+$0x1160]  }
.Ltmp0:
0x16d: {  	[tilespmem:s21+$0x1100] =	vst v18;
	v18 =	vadd.f32 v16, v23;
	v16 =	vld [tilespmem:s21+$0x1170];
	(pc) =	sbr.rel @p0 .LBB2_2-.Ltmp0, $4  }
0x16e: {  	[tilespmem:s21+$0x1110] =	vst v17;
	v17 =	vadd.f32 v15, v22;
	v15 =	vld [tilespmem:s21+$0x1500]  }
0x16f: {  	[tilespmem:s21+$0x1120] =	vst v18;
	v21 =	vadd.f32 v14, v21;
	v14 =	vld [tilespmem:s21+$0x1510]  }
0x170: {  	[tilespmem:s21+$0x1130] =	vst v17;
	v18 =	vadd.f32 v13, v20;
	v13 =	vld [tilespmem:s21+$0x1520]  }
0x171: {  	s22 =	sadd.s32 $0x1, s22;
	[tilespmem:s21+$0x1140] =	vst v21;
	v17 =	vadd.f32 v12, v19;
	v12 =	vld [tilespmem:s21+$0x1530]  }
0x172: {  	[tilespmem:s21+$0x1150] =	vst v18;
	v60 =	vld [tilespmem:s21+$0x1540];
	v11 =	vadd.f32 v11, v16  }
0x173: {  	v61 =	vld [tilespmem:s21+$0x1550];
	[tilespmem:s21+$0x1160] =	vst v17;
	v10 =	vadd.f32 v10, v15  }
0x174: {  	v62 =	vld [tilespmem:s21+$0x1560];
	[tilespmem:s21+$0x1170] =	vst v11;
	v9 =	vadd.f32 v9, v14  }
0x175: {  	v63 =	vld [tilespmem:s21+$0x1570];
	[tilespmem:s21+$0x1500] =	vst v10;
	v8 =	vadd.f32 v8, v13  }
0x176: {  	[tilespmem:s21+$0x1510] =	vst v9;
	v7 =	vadd.f32 v7, v12  }
0x177: {  	[tilespmem:s21+$0x1520] =	vst v8;
	v6 =	vadd.f32 v6, v60  }
0x178: {  	v5 =	vadd.f32 v5, v61;
	[tilespmem:s21+$0x1530] =	vst v7  }
0x179: {  	v4 =	vadd.f32 v4, v62;
	[tilespmem:s21+$0x1540] =	vst v6  }
0x17a: {  	s20 =	sadd.s32 $0x1, s20;
	v3 =	vadd.f32 v3, v63;
	[tilespmem:s21+$0x1550] =	vst v5  }
0x17b: {  	p0 =	sne.s32 s20, s9;
	[tilespmem:s21+$0x1560] =	vst v4  }
.Ltmp1:
0x17c: {  	[tilespmem:s21+$0x1570] =	vst v3;
	(pc) =	sbr.rel @p0 .LBB2_1-.Ltmp1, $4  }
0x17d: {  	[hbm4b:s8+s2] =	stream.linear.scatter [tilespmem:s12], [sflag:$0x3], $0xC000, $0x38;
	[tilespmem:$0x18100] =	vst v63  }
0x17e: {  	_ =	swait.ge [sflag:s10], $0xC000  }
0x17f: {  	[sflag:s10] =	ssyncset.done $0x0  }
0x180: {  	[sflag:s10] =	ssyncadd.s32 $0xFFFF4000  }
0x181: {  	_ =	sfence.sel $0x180000  }
0x182: {  	[bflag:$0x0] =	sbarrier.arrive $0xFFFF  }
0x183: {  	_ =	strace $0x9000004A  }
0x184: {  	s0 =	stileid.u32;
	[bflag:$0x2] =	sbarrier.arrive $0xFFFF  }
0x185: {  	p0 =	sne.s32 s0, $0x0;
	s0 =	rddreg [dreg:$0x2]  }
0x186: {  	s0 =	sadd.s32 @!p0 $0x100000, s0  }
0x187: {  	[sflag:s0] =	ssyncadd.tile.s32 @!p0 $0x1;
	_ =	shalt  }
.Lfunc_end2:
_tile_overlayer_lowered:
.L_overlay_start_2:
0x188: {  	(tag) =	ssettag $0x2  }
0x189: {  	s0 =	rddreg [dreg:$0x0];
	s2 =	stileid.u32  }
0x18a: {  	s1 =	rddreg [dreg:$0x1];
	p0 =	sne.s32 s2, $0x0  }
0x18b: {  	s3 =	rddreg [dreg:$0x2];
	[bflag:$0x3] =	sbarrier.arrive $0xFFFF;
	s2 =	simm.s32 @!p0 $0x1C03  }
0x18c: {  	[timem:s3], [sflag:s2] =	dma.local @!p0 [hbm:s0], s1  }
0x18d: {  	s0 =	simm.s32 @!p0 $0x3  }
0x18e: {  	_ =	swait.ge @!p0 [sflag:s0], s1  }
0x18f: {  	s1 =	ssub.s32 @!p0 $0x0, s1;
	[sflag:s0] =	ssyncset.done @!p0 $0x0  }
0x190: {  	[sflag:s0] =	ssyncadd.s32 @!p0 s1  }
0x191: {  	[bflag:$0x3] =	sbarrier.arrive $0xFFFF  }
0x192: {  	_ =	shalt  }

</sc_bundles>
